<compile_context>
chip_gen: v7x
topology: tpu7x:2x2x1
jax: 0.10.2.dev20260603
libtpu: 0.0.44.dev20260713+nightly
codegen_flags: <defaults>
</compile_context>

<pallas_src>
import functools

import jax
import jax.numpy as jnp
from jax import lax
from jax.experimental import pallas as pl
from jax.experimental.pallas import tpu as pltpu
from jax.experimental.pallas import tpu_sc as plsc

N = 50000
E = 800000
IN_DIM = 3
HID = 128
NCLS = 21

NC, NS = 2, 16
NW = NC * NS
CHUNK = 128
NCH = 6400
EPAD = NCH * CHUNK
NRANGE = 8
RWID = 6272
NPAD = NRANGE * RWID
ACC_ROWS = 6400
TRASH = RWID

BLK = 2000

_MESH = plsc.VectorSubcoreMesh(
    core_axis_name="c", subcore_axis_name="s", num_cores=NC, num_subcores=NS
)


@functools.partial(
    pl.kernel,
    out_type=jax.ShapeDtypeStruct((NC * NPAD,), jnp.float32),
    mesh=_MESH,
    scratch_types=[
        pltpu.VMEM_SHARED((NPAD + 128,), jnp.float32),
        pltpu.VMEM((40, CHUNK), jnp.int32),
        pltpu.VMEM((3136,), jnp.float32),
        pltpu.VMEM((CHUNK,), jnp.float32),
    ],
)
def _deg_kernel(dst_hbm, deg_out, degacc, dstbuf, zbuf, ones):
    c = lax.axis_index("c")
    s = lax.axis_index("s")
    wid = c * NS + s

    @pl.loop(0, 196)
    def _z(i):
        zbuf[pl.ds(i * 16, 16)] = jnp.zeros((16,), jnp.float32)

    @pl.loop(0, 8)
    def _o(i):
        ones[pl.ds(i * 16, 16)] = jnp.ones((16,), jnp.float32)

    pltpu.sync_copy(zbuf.at[pl.ds(0, 3136)], degacc.at[pl.ds(s * 3136, 3136)])

    @pl.when(s == 0)
    def _zx():
        pltpu.sync_copy(zbuf.at[pl.ds(0, 128)], degacc.at[pl.ds(NPAD, 128)])

    plsc.subcore_barrier()

    @pl.loop(0, 5)
    def _b(bi):
        start = wid * 200 + bi * 40
        pltpu.sync_copy(dst_hbm.at[pl.ds(start, 40)], dstbuf)

        @pl.loop(0, 40)
        def _j(j):
            pltpu.sync_copy(ones, degacc.at[dstbuf.at[j]], add=True)

    plsc.subcore_barrier()
    pltpu.sync_copy(degacc.at[pl.ds(s * 3136, 3136)], zbuf)
    pltpu.sync_copy(zbuf, deg_out.at[pl.ds(c * NPAD + s * 3136, 3136)])


@functools.partial(
    pl.kernel,
    out_type=jax.ShapeDtypeStruct((NPAD, HID), jnp.float32),
    mesh=_MESH,
    scratch_types=[
        pltpu.VMEM_SHARED((ACC_ROWS, HID), jnp.float32),
        pltpu.VMEM_SHARED((ACC_ROWS, HID), jnp.float32),
        pltpu.VMEM((16, CHUNK), jnp.int32),
        pltpu.VMEM((16, CHUNK), jnp.int32),
        pltpu.VMEM((16, CHUNK), jnp.int32),
        pltpu.VMEM((CHUNK, HID), jnp.float32),
    ],
)
def _agg_kernel(g_hbm, src_hbm, dst_hbm, s_out, acca, accb, srcbuf, dstbuf,
                dloc, rows):
    c = lax.axis_index("c")
    s = lax.axis_index("s")
    iota16 = lax.iota(jnp.int32, 16)

    @pl.loop(0, 2)
    def _t(t):
        base_a = (c * 4 + t * 2) * RWID
        base_b = (c * 4 + t * 2 + 1) * RWID

        @pl.loop(0, 128)
        def _z0(i):
            for k in range(8):
                rows[i, pl.ds(k * 16, 16)] = jnp.zeros((16,), jnp.float32)

        for acc in (acca, accb):
            @pl.loop(0, 3)
            def _zz(zi, acc=acc):
                pltpu.sync_copy(rows, acc.at[pl.ds(s * 400 + zi * 128, 128)])

            pltpu.sync_copy(rows.at[pl.ds(0, 16)], acc.at[pl.ds(s * 400 + 384, 16)])
        plsc.subcore_barrier()

        @pl.loop(0, 25)
        def _b(i):
            start = s * 400 + i * 16
            pltpu.sync_copy(src_hbm.at[pl.ds(start, 16)], srcbuf)
            pltpu.sync_copy(dst_hbm.at[pl.ds(start, 16)], dstbuf)

            @pl.loop(0, 16)
            def _j(j):
                for k in range(8):
                    d = dstbuf[j, pl.ds(k * 16, 16)]
                    m = (d >= base_a) & (d < base_a + RWID)
                    trash = TRASH + ((iota16 * 5 + (s * 8 + k) * 7) & 127)
                    dloc[j, pl.ds(k * 16, 16)] = jnp.where(m, d - base_a, trash)

                pltpu.sync_copy(g_hbm.at[srcbuf.at[j]], rows)
                pltpu.sync_copy(rows, acca.at[dloc.at[j]], add=True)

                for k in range(8):
                    d = dstbuf[j, pl.ds(k * 16, 16)]
                    m = (d >= base_b) & (d < base_b + RWID)
                    trash = TRASH + ((iota16 * 5 + (s * 8 + k) * 7) & 127)
                    dloc[j, pl.ds(k * 16, 16)] = jnp.where(m, d - base_b, trash)

                pltpu.sync_copy(rows, accb.at[dloc.at[j]], add=True)

        plsc.subcore_barrier()
        pltpu.sync_copy(
            acca.at[pl.ds(s * 392, 392)],
            s_out.at[pl.ds(base_a + s * 392, 392)],
        )
        pltpu.sync_copy(
            accb.at[pl.ds(s * 392, 392)],
            s_out.at[pl.ds(base_b + s * 392, 392)],
        )
        plsc.subcore_barrier()


def _tc1_body(x_ref, w1_ref, d0_ref, d1_ref, g_ref, dinv_ref):
    deg = d0_ref[...] + d1_ref[...] + 1.0
    dinv = lax.rsqrt(deg)
    h = jnp.dot(x_ref[...], w1_ref[...], preferred_element_type=jnp.float32)
    g_ref[...] = h * dinv
    dinv_ref[...] = dinv


_tc1 = pl.pallas_call(
    _tc1_body,
    grid=(N // BLK,),
    in_specs=[
        pl.BlockSpec((BLK, IN_DIM), lambda i: (i, 0)),
        pl.BlockSpec((IN_DIM, HID), lambda i: (0, 0)),
        pl.BlockSpec((BLK, 1), lambda i: (i, 0)),
        pl.BlockSpec((BLK, 1), lambda i: (i, 0)),
    ],
    out_specs=[
        pl.BlockSpec((BLK, HID), lambda i: (i, 0)),
        pl.BlockSpec((BLK, 1), lambda i: (i, 0)),
    ],
    out_shape=[
        jax.ShapeDtypeStruct((N, HID), jnp.float32),
        jax.ShapeDtypeStruct((N, 1), jnp.float32),
    ],
)


def _tc2_body(s_ref, g_ref, dinv_ref, b1_ref, w2_ref, g2_ref):
    a = (s_ref[...] + g_ref[...]) * dinv_ref[...] + b1_ref[...]
    h = jnp.maximum(a, 0.0)
    g2_ref[...] = (
        jnp.dot(h, w2_ref[...], preferred_element_type=jnp.float32) * dinv_ref[...]
    )


_tc2 = pl.pallas_call(
    _tc2_body,
    grid=(N // BLK,),
    in_specs=[
        pl.BlockSpec((BLK, HID), lambda i: (i, 0)),
        pl.BlockSpec((BLK, HID), lambda i: (i, 0)),
        pl.BlockSpec((BLK, 1), lambda i: (i, 0)),
        pl.BlockSpec((1, HID), lambda i: (0, 0)),
        pl.BlockSpec((HID, HID), lambda i: (0, 0)),
    ],
    out_specs=pl.BlockSpec((BLK, HID), lambda i: (i, 0)),
    out_shape=jax.ShapeDtypeStruct((N, HID), jnp.float32),
)


def _tc3_body(s_ref, g_ref, dinv_ref, b2_ref, wfc_ref, bfc_ref, out_ref):
    a = (s_ref[...] + g_ref[...]) * dinv_ref[...] + b2_ref[...]
    h = jnp.maximum(a, 0.0)
    out_ref[...] = (
        jnp.dot(h, wfc_ref[...], preferred_element_type=jnp.float32) + bfc_ref[...]
    )


_tc3 = pl.pallas_call(
    _tc3_body,
    grid=(N // BLK,),
    in_specs=[
        pl.BlockSpec((BLK, HID), lambda i: (i, 0)),
        pl.BlockSpec((BLK, HID), lambda i: (i, 0)),
        pl.BlockSpec((BLK, 1), lambda i: (i, 0)),
        pl.BlockSpec((1, HID), lambda i: (0, 0)),
        pl.BlockSpec((HID, NCLS), lambda i: (0, 0)),
        pl.BlockSpec((1, NCLS), lambda i: (0, 0)),
    ],
    out_specs=pl.BlockSpec((BLK, NCLS), lambda i: (i, 0)),
    out_shape=jax.ShapeDtypeStruct((N, NCLS), jnp.float32),
)


def kernel(x, edge_index, W1, b1, W2, b2, Wfc, bfc):
    pad = EPAD - E
    src = edge_index[0]
    dst = edge_index[1]
    pad_src = (jnp.arange(pad, dtype=jnp.int32) * 17) % N
    pad_dst = NPAD + (jnp.arange(pad, dtype=jnp.int32) % 128)
    src2 = jnp.concatenate([src, pad_src]).reshape(NCH, CHUNK)
    dst2 = jnp.concatenate([dst, pad_dst]).reshape(NCH, CHUNK)

    deg = _deg_kernel(dst2)
    d0 = deg[0:N, None]
    d1 = deg[NPAD : NPAD + N, None]

    g1, dinv = _tc1(x, W1, d0, d1)
    s1 = _agg_kernel(g1, src2, dst2)
    g2 = _tc2(s1, g1, dinv, b1[None, :], W2)
    s2 = _agg_kernel(g2, src2, dst2)
    logits = _tc3(s2, g2, dinv, b2[None, :], Wfc, bfc[None, :])
    return logits

# --- scband reference (transcript-rebuilt; emitter-appended) ---
"""Pipeline reference for scband-struct2-seq-gcn-87832081203765 (READ-ONLY COPY).

The authoritative reference and input builder live on the scoring server;
editing this copy changes nothing except your own understanding.
"""

import jax, jax.numpy as jnp
import numpy as np

N_NODES = 50000
N_EDGES = 800000
IN_DIM = 3
HID = 128
NUM_CLASSES = 21


def setup_inputs(seed: int = 0) -> dict:
    key = jax.random.key(seed)
    ks = jax.random.split(key, 9)
    x = jax.random.normal(ks[0], (N_NODES, IN_DIM), dtype=jnp.float32)
    edge_index = jax.random.randint(ks[1], (2, N_EDGES), 0, N_NODES, dtype=jnp.int32)
    W1 = jax.random.normal(ks[2], (IN_DIM, HID), dtype=jnp.float32) * (1.0 / np.sqrt(IN_DIM))
    b1 = jnp.zeros((HID,), dtype=jnp.float32)
    W2 = jax.random.normal(ks[3], (HID, HID), dtype=jnp.float32) * (1.0 / np.sqrt(HID))
    b2 = jnp.zeros((HID,), dtype=jnp.float32)
    Wfc = jax.random.normal(ks[4], (HID, NUM_CLASSES), dtype=jnp.float32) * (1.0 / np.sqrt(HID))
    bfc = jnp.zeros((NUM_CLASSES,), dtype=jnp.float32)
    return {"x": x, "edge_index": edge_index, "W1": W1, "b1": b1, "W2": W2, "b2": b2, "Wfc": Wfc, "bfc": bfc}


def _gcn_conv(x, edge_index, W, b, num_nodes):
    # GCNConv: linear transform, add self-loops, symmetric normalization, scatter-add
    h = x @ W
    src = edge_index[0]
    dst = edge_index[1]
    loop = jnp.arange(num_nodes, dtype=src.dtype)
    src = jnp.concatenate([src, loop])
    dst = jnp.concatenate([dst, loop])
    ones = jnp.ones(src.shape[0], dtype=h.dtype)
    deg = jax.ops.segment_sum(ones, dst, num_segments=num_nodes)
    deg_inv_sqrt = jnp.where(deg > 0, jax.lax.rsqrt(jnp.maximum(deg, 1e-12)), 0.0)
    norm = deg_inv_sqrt[src] * deg_inv_sqrt[dst]
    msg = h[src] * norm[:, None]
    out = jax.ops.segment_sum(msg, dst, num_segments=num_nodes)
    return out + b


def reference(x, edge_index, W1, b1, W2, b2, Wfc, bfc):
    h = _gcn_conv(x, edge_index, W1, b1, N_NODES)
    h = jax.nn.relu(h)
    # dropout p=0.1 is identity in eval mode
    h = _gcn_conv(h, edge_index, W2, b2, N_NODES)
    h = jax.nn.relu(h)
    logits = h @ Wfc + bfc
    return logits

if __name__ == "__main__":
    import jax
    _d = setup_inputs()
    print(jax.jit(kernel)(*tuple(_d.values())))

</pallas_src>

<mosaic_0001>
#map = affine_map<(d0, d1) -> (0, 0)>
module attributes {stable_mosaic.version = 14 : i64} {
  func.func @_agg_kernel(%arg0: i32, %arg1: i32, %arg2: memref<50000x128xf32, #tpu.memory_space<hbm>>, %arg3: memref<6400x128xi32, #tpu.memory_space<hbm>>, %arg4: memref<6400x128xi32, #tpu.memory_space<hbm>>, %arg5: memref<50176x128xf32, #tpu.memory_space<hbm>>, %arg6: memref<6400x128xf32, #tpu.memory_space<vmem_shared>>, %arg7: memref<6400x128xf32, #tpu.memory_space<vmem_shared>>, %arg8: memref<16x128xi32, #tpu.memory_space<vmem>>, %arg9: memref<16x128xi32, #tpu.memory_space<vmem>>, %arg10: memref<16x128xi32, #tpu.memory_space<vmem>>, %arg11: memref<128x128xf32, #tpu.memory_space<vmem>>) attributes {dimension_semantics = [#tpu.dimension_semantics<core_parallel>, #tpu.dimension_semantics<subcore_parallel>], iteration_bounds = array<i64: 2, 16>, scalar_prefetch = 0 : i64, scratch_operands = 6 : i64, tpu.core_type = #tpu.core_type<sc_vector_subcore>, window_params = [{transform_indices = #map}, {transform_indices = #map}, {transform_indices = #map}, {transform_indices = #map}]} {
    %iota3A = tpu.iota {dimensions = array<i32: 0>} : vector<16xi32>
    %scan3A = arith.constant 0 : i32
    %scan3A_0 = arith.constant 2 : i32
    %scan3A_1 = arith.addi %scan3A, %scan3A_0 : i32
    %scan3A_2 = arith.constant 1 : i32
    scf.for %scan3A_4 = %scan3A to %scan3A_1 step %scan3A_2  : i32 {
      %mul3A = arith.constant 1 : i32
      %mul3A_5 = arith.muli %scan3A_4, %mul3A : i32
      %add3A = arith.constant 0 : i32
      %add3A_6 = arith.addi %add3A, %mul3A_5 : i32
      %mul3A_7 = arith.constant 4 : i32
      %mul3A_8 = arith.muli %arg0, %mul3A_7 : i32
      %mul3A_9 = arith.constant 2 : i32
      %mul3A_10 = arith.muli %add3A_6, %mul3A_9 : i32
      %add3A_11 = arith.addi %mul3A_8, %mul3A_10 : i32
      %mul3A_12 = arith.constant 6272 : i32
      %mul3A_13 = arith.muli %add3A_11, %mul3A_12 : i32
      %mul3A_14 = arith.constant 4 : i32
      %mul3A_15 = arith.muli %arg0, %mul3A_14 : i32
      %mul3A_16 = arith.constant 2 : i32
      %mul3A_17 = arith.muli %add3A_6, %mul3A_16 : i32
      %add3A_18 = arith.addi %mul3A_15, %mul3A_17 : i32
      %add3A_19 = arith.constant 1 : i32
      %add3A_20 = arith.addi %add3A_18, %add3A_19 : i32
      %mul3A_21 = arith.constant 6272 : i32
      %mul3A_22 = arith.muli %add3A_20, %mul3A_21 : i32
      %scan3A_23 = arith.constant 0 : i32
      %scan3A_24 = arith.constant 128 : i32
      %scan3A_25 = arith.addi %scan3A_23, %scan3A_24 : i32
      %scan3A_26 = arith.constant 1 : i32
      scf.for %scan3A_63 = %scan3A_23 to %scan3A_25 step %scan3A_26  : i32 {
        %mul3A_64 = arith.constant 1 : i32
        %mul3A_65 = arith.muli %scan3A_63, %mul3A_64 : i32
        %add3A_66 = arith.constant 0 : i32
        %add3A_67 = arith.addi %add3A_66, %mul3A_65 : i32
        %broadcast_in_dim3A = arith.constant 0.000000e+00 : f32
        %broadcast_in_dim3A_68 = vector.broadcast %broadcast_in_dim3A : f32 to vector<16xf32>
        %swap3A = arith.index_cast %add3A_67 : i32 to index
        %swap3A_69 = arith.constant 0 : index
        %swap3A_70 = tpu.vector_load %arg11[%swap3A, %swap3A_69] {strides = array<i32>} : memref<128x128xf32, #tpu.memory_space<vmem>>, vector<1x16xf32>,
        %swap3A_71 = vector.shape_cast %swap3A_70 : vector<1x16xf32> to vector<16xf32>
        %swap3A_72 = vector.shape_cast %broadcast_in_dim3A_68 : vector<16xf32> to vector<1x16xf32>
        tpu.vector_store %arg11[%swap3A, %swap3A_69], %swap3A_72 {strides = array<i32>} : memref<128x128xf32, #tpu.memory_space<vmem>>, vector<1x16xf32>,
        %broadcast_in_dim3A_73 = arith.constant 0.000000e+00 : f32
        %broadcast_in_dim3A_74 = vector.broadcast %broadcast_in_dim3A_73 : f32 to vector<16xf32>
        %swap3A_75 = arith.index_cast %add3A_67 : i32 to index
        %swap3A_76 = arith.constant 16 : index
        %swap3A_77 = tpu.vector_load %arg11[%swap3A_75, %swap3A_76] {strides = array<i32>} : memref<128x128xf32, #tpu.memory_space<vmem>>, vector<1x16xf32>,
        %swap3A_78 = vector.shape_cast %swap3A_77 : vector<1x16xf32> to vector<16xf32>
        %swap3A_79 = vector.shape_cast %broadcast_in_dim3A_74 : vector<16xf32> to vector<1x16xf32>
        tpu.vector_store %arg11[%swap3A_75, %swap3A_76], %swap3A_79 {strides = array<i32>} : memref<128x128xf32, #tpu.memory_space<vmem>>, vector<1x16xf32>,
        %broadcast_in_dim3A_80 = arith.constant 0.000000e+00 : f32
        %broadcast_in_dim3A_81 = vector.broadcast %broadcast_in_dim3A_80 : f32 to vector<16xf32>
        %swap3A_82 = arith.index_cast %add3A_67 : i32 to index
        %swap3A_83 = arith.constant 32 : index
        %swap3A_84 = tpu.vector_load %arg11[%swap3A_82, %swap3A_83] {strides = array<i32>} : memref<128x128xf32, #tpu.memory_space<vmem>>, vector<1x16xf32>,
        %swap3A_85 = vector.shape_cast %swap3A_84 : vector<1x16xf32> to vector<16xf32>
        %swap3A_86 = vector.shape_cast %broadcast_in_dim3A_81 : vector<16xf32> to vector<1x16xf32>
        tpu.vector_store %arg11[%swap3A_82, %swap3A_83], %swap3A_86 {strides = array<i32>} : memref<128x128xf32, #tpu.memory_space<vmem>>, vector<1x16xf32>,
        %broadcast_in_dim3A_87 = arith.constant 0.000000e+00 : f32
        %broadcast_in_dim3A_88 = vector.broadcast %broadcast_in_dim3A_87 : f32 to vector<16xf32>
        %swap3A_89 = arith.index_cast %add3A_67 : i32 to index
        %swap3A_90 = arith.constant 48 : index
        %swap3A_91 = tpu.vector_load %arg11[%swap3A_89, %swap3A_90] {strides = array<i32>} : memref<128x128xf32, #tpu.memory_space<vmem>>, vector<1x16xf32>,
        %swap3A_92 = vector.shape_cast %swap3A_91 : vector<1x16xf32> to vector<16xf32>
        %swap3A_93 = vector.shape_cast %broadcast_in_dim3A_88 : vector<16xf32> to vector<1x16xf32>
        tpu.vector_store %arg11[%swap3A_89, %swap3A_90], %swap3A_93 {strides = array<i32>} : memref<128x128xf32, #tpu.memory_space<vmem>>, vector<1x16xf32>,
        %broadcast_in_dim3A_94 = arith.constant 0.000000e+00 : f32
        %broadcast_in_dim3A_95 = vector.broadcast %broadcast_in_dim3A_94 : f32 to vector<16xf32>
        %swap3A_96 = arith.index_cast %add3A_67 : i32 to index
        %swap3A_97 = arith.constant 64 : index
        %swap3A_98 = tpu.vector_load %arg11[%swap3A_96, %swap3A_97] {strides = array<i32>} : memref<128x128xf32, #tpu.memory_space<vmem>>, vector<1x16xf32>,
        %swap3A_99 = vector.shape_cast %swap3A_98 : vector<1x16xf32> to vector<16xf32>
        %swap3A_100 = vector.shape_cast %broadcast_in_dim3A_95 : vector<16xf32> to vector<1x16xf32>
        tpu.vector_store %arg11[%swap3A_96, %swap3A_97], %swap3A_100 {strides = array<i32>} : memref<128x128xf32, #tpu.memory_space<vmem>>, vector<1x16xf32>,
        %broadcast_in_dim3A_101 = arith.constant 0.000000e+00 : f32
        %broadcast_in_dim3A_102 = vector.broadcast %broadcast_in_dim3A_101 : f32 to vector<16xf32>
        %swap3A_103 = arith.index_cast %add3A_67 : i32 to index
        %swap3A_104 = arith.constant 80 : index
        %swap3A_105 = tpu.vector_load %arg11[%swap3A_103, %swap3A_104] {strides = array<i32>} : memref<128x128xf32, #tpu.memory_space<vmem>>, vector<1x16xf32>,
        %swap3A_106 = vector.shape_cast %swap3A_105 : vector<1x16xf32> to vector<16xf32>
        %swap3A_107 = vector.shape_cast %broadcast_in_dim3A_102 : vector<16xf32> to vector<1x16xf32>
        tpu.vector_store %arg11[%swap3A_103, %swap3A_104], %swap3A_107 {strides = array<i32>} : memref<128x128xf32, #tpu.memory_space<vmem>>, vector<1x16xf32>,
        %broadcast_in_dim3A_108 = arith.constant 0.000000e+00 : f32
        %broadcast_in_dim3A_109 = vector.broadcast %broadcast_in_dim3A_108 : f32 to vector<16xf32>
        %swap3A_110 = arith.index_cast %add3A_67 : i32 to index
        %swap3A_111 = arith.constant 96 : index
        %swap3A_112 = tpu.vector_load %arg11[%swap3A_110, %swap3A_111] {strides = array<i32>} : memref<128x128xf32, #tpu.memory_space<vmem>>, vector<1x16xf32>,
        %swap3A_113 = vector.shape_cast %swap3A_112 : vector<1x16xf32> to vector<16xf32>
        %swap3A_114 = vector.shape_cast %broadcast_in_dim3A_109 : vector<16xf32> to vector<1x16xf32>
        tpu.vector_store %arg11[%swap3A_110, %swap3A_111], %swap3A_114 {strides = array<i32>} : memref<128x128xf32, #tpu.memory_space<vmem>>, vector<1x16xf32>,
        %broadcast_in_dim3A_115 = arith.constant 0.000000e+00 : f32
        %broadcast_in_dim3A_116 = vector.broadcast %broadcast_in_dim3A_115 : f32 to vector<16xf32>
        %swap3A_117 = arith.index_cast %add3A_67 : i32 to index
        %swap3A_118 = arith.constant 112 : index
        %swap3A_119 = tpu.vector_load %arg11[%swap3A_117, %swap3A_118] {strides = array<i32>} : memref<128x128xf32, #tpu.memory_space<vmem>>, vector<1x16xf32>,
        %swap3A_120 = vector.shape_cast %swap3A_119 : vector<1x16xf32> to vector<16xf32>
        %swap3A_121 = vector.shape_cast %broadcast_in_dim3A_116 : vector<16xf32> to vector<1x16xf32>
        tpu.vector_store %arg11[%swap3A_117, %swap3A_118], %swap3A_121 {strides = array<i32>} : memref<128x128xf32, #tpu.memory_space<vmem>>, vector<1x16xf32>,
      }
      %scan3A_27 = arith.constant 128 : i32
      %scan3A_28 = arith.constant 0 : i32
      %scan3A_29 = arith.constant 3 : i32
      %scan3A_30 = arith.addi %scan3A_28, %scan3A_29 : i32
      %scan3A_31 = arith.constant 1 : i32
      scf.for %scan3A_63 = %scan3A_28 to %scan3A_30 step %scan3A_31  : i32 {
        %mul3A_64 = arith.constant 1 : i32
        %mul3A_65 = arith.muli %scan3A_63, %mul3A_64 : i32
        %add3A_66 = arith.constant 0 : i32
        %add3A_67 = arith.addi %add3A_66, %mul3A_65 : i32
        %mul3A_68 = arith.constant 400 : i32
        %mul3A_69 = arith.muli %arg1, %mul3A_68 : i32
        %mul3A_70 = arith.constant 128 : i32
        %mul3A_71 = arith.muli %add3A_67, %mul3A_70 : i32
        %add3A_72 = arith.addi %mul3A_69, %mul3A_71 : i32
        "tpu.region"() ({
          %run_scoped3A = tpu.sem_alloc : memref<!tpu.dma_semaphore, #tpu.memory_space<semaphore_mem>>
          %dma_start3A = arith.constant 0 : i32
          %dma_start3A_73 = tpu.memref_slice %arg6[%add3A_72, %dma_start3A] : memref<6400x128xf32, #tpu.memory_space<vmem_shared>> -> memref<128x128xf32, #tpu.memory_space<vmem_shared>>
          %dma_start3A_74 = arith.constant 0 : i32
          %dma_start3A_75 = tpu.memref_slice %arg6[%add3A_72, %dma_start3A_74] : memref<6400x128xf32, #tpu.memory_space<vmem_shared>> -> memref<128x128xf32, #tpu.memory_space<vmem_shared>>
          tpu.enqueue_dma source(%arg11 : memref<128x128xf32, #tpu.memory_space<vmem>>) target(%dma_start3A_75 : memref<128x128xf32, #tpu.memory_space<vmem_shared>>) target_semaphore(%run_scoped3A : memref<!tpu.dma_semaphore, #tpu.memory_space<semaphore_mem>>)
          %dma_wait3A = arith.constant 0 : i32
          %dma_wait3A_76 = tpu.memref_slice %arg6[%add3A_72, %dma_wait3A] : memref<6400x128xf32, #tpu.memory_space<vmem_shared>> -> memref<128x128xf32, #tpu.memory_space<vmem_shared>>
          %dma_wait3A_77 = arith.constant 0 : i32
          %dma_wait3A_78 = tpu.memref_slice %arg6[%add3A_72, %dma_wait3A_77] : memref<6400x128xf32, #tpu.memory_space<vmem_shared>> -> memref<128x128xf32, #tpu.memory_space<vmem_shared>>
          tpu.wait_dma2 semaphore(%run_scoped3A : memref<!tpu.dma_semaphore, #tpu.memory_space<semaphore_mem>>) src(%arg11 : memref<128x128xf32, #tpu.memory_space<vmem>>) dst(%dma_wait3A_78 : memref<128x128xf32, #tpu.memory_space<vmem_shared>>)
          tpu.yield
        }) : () -> ()
      }
      %scan3A_32 = arith.constant 3 : i32
      %mul3A_33 = arith.constant 400 : i32
      %mul3A_34 = arith.muli %arg1, %mul3A_33 : i32
      %add3A_35 = arith.constant 384 : i32
      %add3A_36 = arith.addi %mul3A_34, %add3A_35 : i32
      "tpu.region"() ({
        %run_scoped3A = tpu.sem_alloc : memref<!tpu.dma_semaphore, #tpu.memory_space<semaphore_mem>>
        %dma_start3A = arith.constant 0 : i32
        %dma_start3A_63 = arith.constant 0 : i32
        %dma_start3A_64 = tpu.memref_slice %arg11[%dma_start3A, %dma_start3A_63] : memref<128x128xf32, #tpu.memory_space<vmem>> -> memref<16x128xf32, #tpu.memory_space<vmem>>
        %dma_start3A_65 = arith.constant 0 : i32
        %dma_start3A_66 = tpu.memref_slice %arg6[%add3A_36, %dma_start3A_65] : memref<6400x128xf32, #tpu.memory_space<vmem_shared>> -> memref<16x128xf32, #tpu.memory_space<vmem_shared>>
        %dma_start3A_67 = arith.constant 0 : i32
        %dma_start3A_68 = tpu.memref_slice %arg6[%add3A_36, %dma_start3A_67] : memref<6400x128xf32, #tpu.memory_space<vmem_shared>> -> memref<16x128xf32, #tpu.memory_space<vmem_shared>>
        %dma_start3A_69 = arith.constant 0 : i32
        %dma_start3A_70 = arith.constant 0 : i32
        %dma_start3A_71 = tpu.memref_slice %arg11[%dma_start3A_69, %dma_start3A_70] : memref<128x128xf32, #tpu.memory_space<vmem>> -> memref<16x128xf32, #tpu.memory_space<vmem>>
        tpu.enqueue_dma source(%dma_start3A_71 : memref<16x128xf32, #tpu.memory_space<vmem>>) target(%dma_start3A_68 : memref<16x128xf32, #tpu.memory_space<vmem_shared>>) target_semaphore(%run_scoped3A : memref<!tpu.dma_semaphore, #tpu.memory_space<semaphore_mem>>)
        %dma_wait3A = arith.constant 0 : i32
        %dma_wait3A_72 = arith.constant 0 : i32
        %dma_wait3A_73 = tpu.memref_slice %arg11[%dma_wait3A, %dma_wait3A_72] : memref<128x128xf32, #tpu.memory_space<vmem>> -> memref<16x128xf32, #tpu.memory_space<vmem>>
        %dma_wait3A_74 = arith.constant 0 : i32
        %dma_wait3A_75 = tpu.memref_slice %arg6[%add3A_36, %dma_wait3A_74] : memref<6400x128xf32, #tpu.memory_space<vmem_shared>> -> memref<16x128xf32, #tpu.memory_space<vmem_shared>>
        %dma_wait3A_76 = arith.constant 0 : i32
        %dma_wait3A_77 = tpu.memref_slice %arg6[%add3A_36, %dma_wait3A_76] : memref<6400x128xf32, #tpu.memory_space<vmem_shared>> -> memref<16x128xf32, #tpu.memory_space<vmem_shared>>
        %dma_wait3A_78 = arith.constant 0 : i32
        %dma_wait3A_79 = arith.constant 0 : i32
        %dma_wait3A_80 = tpu.memref_slice %arg11[%dma_wait3A_78, %dma_wait3A_79] : memref<128x128xf32, #tpu.memory_space<vmem>> -> memref<16x128xf32, #tpu.memory_space<vmem>>
        tpu.wait_dma2 semaphore(%run_scoped3A : memref<!tpu.dma_semaphore, #tpu.memory_space<semaphore_mem>>) src(%dma_wait3A_80 : memref<16x128xf32, #tpu.memory_space<vmem>>) dst(%dma_wait3A_77 : memref<16x128xf32, #tpu.memory_space<vmem_shared>>)
        tpu.yield
      }) : () -> ()
      %scan3A_37 = arith.constant 0 : i32
      %scan3A_38 = arith.constant 3 : i32
      %scan3A_39 = arith.addi %scan3A_37, %scan3A_38 : i32
      %scan3A_40 = arith.constant 1 : i32
      scf.for %scan3A_63 = %scan3A_37 to %scan3A_39 step %scan3A_40  : i32 {
        %mul3A_64 = arith.constant 1 : i32
        %mul3A_65 = arith.muli %scan3A_63, %mul3A_64 : i32
        %add3A_66 = arith.constant 0 : i32
        %add3A_67 = arith.addi %add3A_66, %mul3A_65 : i32
        %mul3A_68 = arith.constant 400 : i32
        %mul3A_69 = arith.muli %arg1, %mul3A_68 : i32
        %mul3A_70 = arith.constant 128 : i32
        %mul3A_71 = arith.muli %add3A_67, %mul3A_70 : i32
        %add3A_72 = arith.addi %mul3A_69, %mul3A_71 : i32
        "tpu.region"() ({
          %run_scoped3A = tpu.sem_alloc : memref<!tpu.dma_semaphore, #tpu.memory_space<semaphore_mem>>
          %dma_start3A = arith.constant 0 : i32
          %dma_start3A_73 = tpu.memref_slice %arg7[%add3A_72, %dma_start3A] : memref<6400x128xf32, #tpu.memory_space<vmem_shared>> -> memref<128x128xf32, #tpu.memory_space<vmem_shared>>
          %dma_start3A_74 = arith.constant 0 : i32
          %dma_start3A_75 = tpu.memref_slice %arg7[%add3A_72, %dma_start3A_74] : memref<6400x128xf32, #tpu.memory_space<vmem_shared>> -> memref<128x128xf32, #tpu.memory_space<vmem_shared>>
          tpu.enqueue_dma source(%arg11 : memref<128x128xf32, #tpu.memory_space<vmem>>) target(%dma_start3A_75 : memref<128x128xf32, #tpu.memory_space<vmem_shared>>) target_semaphore(%run_scoped3A : memref<!tpu.dma_semaphore, #tpu.memory_space<semaphore_mem>>)
          %dma_wait3A = arith.constant 0 : i32
          %dma_wait3A_76 = tpu.memref_slice %arg7[%add3A_72, %dma_wait3A] : memref<6400x128xf32, #tpu.memory_space<vmem_shared>> -> memref<128x128xf32, #tpu.memory_space<vmem_shared>>
          %dma_wait3A_77 = arith.constant 0 : i32
          %dma_wait3A_78 = tpu.memref_slice %arg7[%add3A_72, %dma_wait3A_77] : memref<6400x128xf32, #tpu.memory_space<vmem_shared>> -> memref<128x128xf32, #tpu.memory_space<vmem_shared>>
          tpu.wait_dma2 semaphore(%run_scoped3A : memref<!tpu.dma_semaphore, #tpu.memory_space<semaphore_mem>>) src(%arg11 : memref<128x128xf32, #tpu.memory_space<vmem>>) dst(%dma_wait3A_78 : memref<128x128xf32, #tpu.memory_space<vmem_shared>>)
          tpu.yield
        }) : () -> ()
      }
      %scan3A_41 = arith.constant 3 : i32
      %mul3A_42 = arith.constant 400 : i32
      %mul3A_43 = arith.muli %arg1, %mul3A_42 : i32
      %add3A_44 = arith.constant 384 : i32
      %add3A_45 = arith.addi %mul3A_43, %add3A_44 : i32
      "tpu.region"() ({
        %run_scoped3A = tpu.sem_alloc : memref<!tpu.dma_semaphore, #tpu.memory_space<semaphore_mem>>
        %dma_start3A = arith.constant 0 : i32
        %dma_start3A_63 = arith.constant 0 : i32
        %dma_start3A_64 = tpu.memref_slice %arg11[%dma_start3A, %dma_start3A_63] : memref<128x128xf32, #tpu.memory_space<vmem>> -> memref<16x128xf32, #tpu.memory_space<vmem>>
        %dma_start3A_65 = arith.constant 0 : i32
        %dma_start3A_66 = tpu.memref_slice %arg7[%add3A_45, %dma_start3A_65] : memref<6400x128xf32, #tpu.memory_space<vmem_shared>> -> memref<16x128xf32, #tpu.memory_space<vmem_shared>>
        %dma_start3A_67 = arith.constant 0 : i32
        %dma_start3A_68 = tpu.memref_slice %arg7[%add3A_45, %dma_start3A_67] : memref<6400x128xf32, #tpu.memory_space<vmem_shared>> -> memref<16x128xf32, #tpu.memory_space<vmem_shared>>
        %dma_start3A_69 = arith.constant 0 : i32
        %dma_start3A_70 = arith.constant 0 : i32
        %dma_start3A_71 = tpu.memref_slice %arg11[%dma_start3A_69, %dma_start3A_70] : memref<128x128xf32, #tpu.memory_space<vmem>> -> memref<16x128xf32, #tpu.memory_space<vmem>>
        tpu.enqueue_dma source(%dma_start3A_71 : memref<16x128xf32, #tpu.memory_space<vmem>>) target(%dma_start3A_68 : memref<16x128xf32, #tpu.memory_space<vmem_shared>>) target_semaphore(%run_scoped3A : memref<!tpu.dma_semaphore, #tpu.memory_space<semaphore_mem>>)
        %dma_wait3A = arith.constant 0 : i32
        %dma_wait3A_72 = arith.constant 0 : i32
        %dma_wait3A_73 = tpu.memref_slice %arg11[%dma_wait3A, %dma_wait3A_72] : memref<128x128xf32, #tpu.memory_space<vmem>> -> memref<16x128xf32, #tpu.memory_space<vmem>>
        %dma_wait3A_74 = arith.constant 0 : i32
        %dma_wait3A_75 = tpu.memref_slice %arg7[%add3A_45, %dma_wait3A_74] : memref<6400x128xf32, #tpu.memory_space<vmem_shared>> -> memref<16x128xf32, #tpu.memory_space<vmem_shared>>
        %dma_wait3A_76 = arith.constant 0 : i32
        %dma_wait3A_77 = tpu.memref_slice %arg7[%add3A_45, %dma_wait3A_76] : memref<6400x128xf32, #tpu.memory_space<vmem_shared>> -> memref<16x128xf32, #tpu.memory_space<vmem_shared>>
        %dma_wait3A_78 = arith.constant 0 : i32
        %dma_wait3A_79 = arith.constant 0 : i32
        %dma_wait3A_80 = tpu.memref_slice %arg11[%dma_wait3A_78, %dma_wait3A_79] : memref<128x128xf32, #tpu.memory_space<vmem>> -> memref<16x128xf32, #tpu.memory_space<vmem>>
        tpu.wait_dma2 semaphore(%run_scoped3A : memref<!tpu.dma_semaphore, #tpu.memory_space<semaphore_mem>>) src(%dma_wait3A_80 : memref<16x128xf32, #tpu.memory_space<vmem>>) dst(%dma_wait3A_77 : memref<16x128xf32, #tpu.memory_space<vmem_shared>>)
        tpu.yield
      }) : () -> ()
      %barrier3A = arith.constant 0 : index
      tpu.barrier barrier_id(%barrier3A)
      %scan3A_46 = arith.constant 0 : i32
      %scan3A_47 = arith.constant 25 : i32
      %scan3A_48 = arith.addi %scan3A_46, %scan3A_47 : i32
      %scan3A_49 = arith.constant 1 : i32
      scf.for %scan3A_63 = %scan3A_46 to %scan3A_48 step %scan3A_49  : i32 {
        %mul3A_64 = arith.constant 1 : i32
        %mul3A_65 = arith.muli %scan3A_63, %mul3A_64 : i32
        %add3A_66 = arith.constant 0 : i32
        %add3A_67 = arith.addi %add3A_66, %mul3A_65 : i32
        %mul3A_68 = arith.constant 400 : i32
        %mul3A_69 = arith.muli %arg1, %mul3A_68 : i32
        %mul3A_70 = arith.constant 16 : i32
        %mul3A_71 = arith.muli %add3A_67, %mul3A_70 : i32
        %add3A_72 = arith.addi %mul3A_69, %mul3A_71 : i32
        "tpu.region"() ({
          %run_scoped3A = tpu.sem_alloc : memref<!tpu.dma_semaphore, #tpu.memory_space<semaphore_mem>>
          %dma_start3A = arith.constant 0 : i32
          %dma_start3A_78 = tpu.memref_slice %arg3[%add3A_72, %dma_start3A] : memref<6400x128xi32, #tpu.memory_space<hbm>> -> memref<16x128xi32, #tpu.memory_space<hbm>>
          %dma_start3A_79 = arith.constant 0 : i32
          %dma_start3A_80 = tpu.memref_slice %arg3[%add3A_72, %dma_start3A_79] : memref<6400x128xi32, #tpu.memory_space<hbm>> -> memref<16x128xi32, #tpu.memory_space<hbm>>
          tpu.enqueue_dma source(%dma_start3A_80 : memref<16x128xi32, #tpu.memory_space<hbm>>) target(%arg8 : memref<16x128xi32, #tpu.memory_space<vmem>>) target_semaphore(%run_scoped3A : memref<!tpu.dma_semaphore, #tpu.memory_space<semaphore_mem>>)
          %dma_wait3A = arith.constant 0 : i32
          %dma_wait3A_81 = tpu.memref_slice %arg3[%add3A_72, %dma_wait3A] : memref<6400x128xi32, #tpu.memory_space<hbm>> -> memref<16x128xi32, #tpu.memory_space<hbm>>
          %dma_wait3A_82 = arith.constant 0 : i32
          %dma_wait3A_83 = tpu.memref_slice %arg3[%add3A_72, %dma_wait3A_82] : memref<6400x128xi32, #tpu.memory_space<hbm>> -> memref<16x128xi32, #tpu.memory_space<hbm>>
          tpu.wait_dma2 semaphore(%run_scoped3A : memref<!tpu.dma_semaphore, #tpu.memory_space<semaphore_mem>>) src(%dma_wait3A_83 : memref<16x128xi32, #tpu.memory_space<hbm>>) dst(%arg8 : memref<16x128xi32, #tpu.memory_space<vmem>>)
          tpu.yield
        }) : () -> ()
        "tpu.region"() ({
          %run_scoped3A = tpu.sem_alloc : memref<!tpu.dma_semaphore, #tpu.memory_space<semaphore_mem>>
          %dma_start3A = arith.constant 0 : i32
          %dma_start3A_78 = tpu.memref_slice %arg4[%add3A_72, %dma_start3A] : memref<6400x128xi32, #tpu.memory_space<hbm>> -> memref<16x128xi32, #tpu.memory_space<hbm>>
          %dma_start3A_79 = arith.constant 0 : i32
          %dma_start3A_80 = tpu.memref_slice %arg4[%add3A_72, %dma_start3A_79] : memref<6400x128xi32, #tpu.memory_space<hbm>> -> memref<16x128xi32, #tpu.memory_space<hbm>>
          tpu.enqueue_dma source(%dma_start3A_80 : memref<16x128xi32, #tpu.memory_space<hbm>>) target(%arg9 : memref<16x128xi32, #tpu.memory_space<vmem>>) target_semaphore(%run_scoped3A : memref<!tpu.dma_semaphore, #tpu.memory_space<semaphore_mem>>)
          %dma_wait3A = arith.constant 0 : i32
          %dma_wait3A_81 = tpu.memref_slice %arg4[%add3A_72, %dma_wait3A] : memref<6400x128xi32, #tpu.memory_space<hbm>> -> memref<16x128xi32, #tpu.memory_space<hbm>>
          %dma_wait3A_82 = arith.constant 0 : i32
          %dma_wait3A_83 = tpu.memref_slice %arg4[%add3A_72, %dma_wait3A_82] : memref<6400x128xi32, #tpu.memory_space<hbm>> -> memref<16x128xi32, #tpu.memory_space<hbm>>
          tpu.wait_dma2 semaphore(%run_scoped3A : memref<!tpu.dma_semaphore, #tpu.memory_space<semaphore_mem>>) src(%dma_wait3A_83 : memref<16x128xi32, #tpu.memory_space<hbm>>) dst(%arg9 : memref<16x128xi32, #tpu.memory_space<vmem>>)
          tpu.yield
        }) : () -> ()
        %scan3A_73 = arith.constant 0 : i32
        %scan3A_74 = arith.constant 16 : i32
        %scan3A_75 = arith.addi %scan3A_73, %scan3A_74 : i32
        %scan3A_76 = arith.constant 1 : i32
        scf.for %scan3A_78 = %scan3A_73 to %scan3A_75 step %scan3A_76  : i32 {
          %mul3A_79 = arith.constant 1 : i32
          %mul3A_80 = arith.muli %scan3A_78, %mul3A_79 : i32
          %add3A_81 = arith.constant 0 : i32
          %add3A_82 = arith.addi %add3A_81, %mul3A_80 : i32
          %get3A = arith.index_cast %add3A_82 : i32 to index
          %get3A_83 = arith.constant 0 : index
          %get3A_84 = tpu.vector_load %arg9[%get3A, %get3A_83] {strides = array<i32>} : memref<16x128xi32, #tpu.memory_space<vmem>>, vector<1x16xi32>,
          %get3A_85 = vector.shape_cast %get3A_84 : vector<1x16xi32> to vector<16xi32>
          %ge3A = vector.broadcast %mul3A_13 : i32 to vector<16xi32>
          %ge3A_86 = arith.cmpi sge, %get3A_85, %ge3A : vector<16xi32>
          %add3A_87 = arith.constant 6272 : i32
          %add3A_88 = arith.addi %mul3A_13, %add3A_87 : i32
          %lt3A = vector.broadcast %add3A_88 : i32 to vector<16xi32>
          %lt3A_89 = arith.cmpi slt, %get3A_85, %lt3A : vector<16xi32>
          %and3A = arith.andi %ge3A_86, %lt3A_89 : vector<16xi1>
          %mul3A_90 = arith.constant 5 : i32
          %mul3A_91 = vector.broadcast %mul3A_90 : i32 to vector<16xi32>
          %mul3A_92 = arith.muli %iota3A, %mul3A_91 : vector<16xi32>
          %mul3A_93 = arith.constant 8 : i32
          %mul3A_94 = arith.muli %arg1, %mul3A_93 : i32
          %add3A_95 = arith.constant 0 : i32
          %add3A_96 = arith.addi %mul3A_94, %add3A_95 : i32
          %mul3A_97 = arith.constant 7 : i32
          %mul3A_98 = arith.muli %add3A_96, %mul3A_97 : i32
          %add3A_99 = vector.broadcast %mul3A_98 : i32 to vector<16xi32>
          %add3A_100 = arith.addi %mul3A_92, %add3A_99 : vector<16xi32>
          %and3A_101 = arith.constant 127 : i32
          %and3A_102 = vector.broadcast %and3A_101 : i32 to vector<16xi32>
          %and3A_103 = arith.andi %add3A_100, %and3A_102 : vector<16xi32>
          %add3A_104 = arith.constant 6272 : i32
          %add3A_105 = vector.broadcast %add3A_104 : i32 to vector<16xi32>
          %add3A_106 = arith.addi %add3A_105, %and3A_103 : vector<16xi32>
          %sub3A = vector.broadcast %mul3A_13 : i32 to vector<16xi32>
          %sub3A_107 = arith.subi %get3A_85, %sub3A : vector<16xi32>
          %select_n3A = arith.select %and3A, %sub3A_107, %add3A_106 : vector<16xi1>, vector<16xi32>
          %swap3A = arith.index_cast %add3A_82 : i32 to index
          %swap3A_108 = arith.constant 0 : index
          %swap3A_109 = tpu.vector_load %arg10[%swap3A, %swap3A_108] {strides = array<i32>} : memref<16x128xi32, #tpu.memory_space<vmem>>, vector<1x16xi32>,
          %swap3A_110 = vector.shape_cast %swap3A_109 : vector<1x16xi32> to vector<16xi32>
          %swap3A_111 = vector.shape_cast %select_n3A : vector<16xi32> to vector<1x16xi32>
          tpu.vector_store %arg10[%swap3A, %swap3A_108], %swap3A_111 {strides = array<i32>} : memref<16x128xi32, #tpu.memory_space<vmem>>, vector<1x16xi32>,
          %get3A_112 = arith.index_cast %add3A_82 : i32 to index
          %get3A_113 = arith.constant 16 : index
          %get3A_114 = tpu.vector_load %arg9[%get3A_112, %get3A_113] {strides = array<i32>} : memref<16x128xi32, #tpu.memory_space<vmem>>, vector<1x16xi32>,
          %get3A_115 = vector.shape_cast %get3A_114 : vector<1x16xi32> to vector<16xi32>
          %ge3A_116 = vector.broadcast %mul3A_13 : i32 to vector<16xi32>
          %ge3A_117 = arith.cmpi sge, %get3A_115, %ge3A_116 : vector<16xi32>
          %add3A_118 = arith.constant 6272 : i32
          %add3A_119 = arith.addi %mul3A_13, %add3A_118 : i32
          %lt3A_120 = vector.broadcast %add3A_119 : i32 to vector<16xi32>
          %lt3A_121 = arith.cmpi slt, %get3A_115, %lt3A_120 : vector<16xi32>
          %and3A_122 = arith.andi %ge3A_117, %lt3A_121 : vector<16xi1>
          %mul3A_123 = arith.constant 5 : i32
          %mul3A_124 = vector.broadcast %mul3A_123 : i32 to vector<16xi32>
          %mul3A_125 = arith.muli %iota3A, %mul3A_124 : vector<16xi32>
          %mul3A_126 = arith.constant 8 : i32
          %mul3A_127 = arith.muli %arg1, %mul3A_126 : i32
          %add3A_128 = arith.constant 1 : i32
          %add3A_129 = arith.addi %mul3A_127, %add3A_128 : i32
          %mul3A_130 = arith.constant 7 : i32
          %mul3A_131 = arith.muli %add3A_129, %mul3A_130 : i32
          %add3A_132 = vector.broadcast %mul3A_131 : i32 to vector<16xi32>
          %add3A_133 = arith.addi %mul3A_125, %add3A_132 : vector<16xi32>
          %and3A_134 = arith.constant 127 : i32
          %and3A_135 = vector.broadcast %and3A_134 : i32 to vector<16xi32>
          %and3A_136 = arith.andi %add3A_133, %and3A_135 : vector<16xi32>
          %add3A_137 = arith.constant 6272 : i32
          %add3A_138 = vector.broadcast %add3A_137 : i32 to vector<16xi32>
          %add3A_139 = arith.addi %add3A_138, %and3A_136 : vector<16xi32>
          %sub3A_140 = vector.broadcast %mul3A_13 : i32 to vector<16xi32>
          %sub3A_141 = arith.subi %get3A_115, %sub3A_140 : vector<16xi32>
          %select_n3A_142 = arith.select %and3A_122, %sub3A_141, %add3A_139 : vector<16xi1>, vector<16xi32>
          %swap3A_143 = arith.index_cast %add3A_82 : i32 to index
          %swap3A_144 = arith.constant 16 : index
          %swap3A_145 = tpu.vector_load %arg10[%swap3A_143, %swap3A_144] {strides = array<i32>} : memref<16x128xi32, #tpu.memory_space<vmem>>, vector<1x16xi32>,
          %swap3A_146 = vector.shape_cast %swap3A_145 : vector<1x16xi32> to vector<16xi32>
          %swap3A_147 = vector.shape_cast %select_n3A_142 : vector<16xi32> to vector<1x16xi32>
          tpu.vector_store %arg10[%swap3A_143, %swap3A_144], %swap3A_147 {strides = array<i32>} : memref<16x128xi32, #tpu.memory_space<vmem>>, vector<1x16xi32>,
          %get3A_148 = arith.index_cast %add3A_82 : i32 to index
          %get3A_149 = arith.constant 32 : index
          %get3A_150 = tpu.vector_load %arg9[%get3A_148, %get3A_149] {strides = array<i32>} : memref<16x128xi32, #tpu.memory_space<vmem>>, vector<1x16xi32>,
          %get3A_151 = vector.shape_cast %get3A_150 : vector<1x16xi32> to vector<16xi32>
          %ge3A_152 = vector.broadcast %mul3A_13 : i32 to vector<16xi32>
          %ge3A_153 = arith.cmpi sge, %get3A_151, %ge3A_152 : vector<16xi32>
          %add3A_154 = arith.constant 6272 : i32
          %add3A_155 = arith.addi %mul3A_13, %add3A_154 : i32
          %lt3A_156 = vector.broadcast %add3A_155 : i32 to vector<16xi32>
          %lt3A_157 = arith.cmpi slt, %get3A_151, %lt3A_156 : vector<16xi32>
          %and3A_158 = arith.andi %ge3A_153, %lt3A_157 : vector<16xi1>
          %mul3A_159 = arith.constant 5 : i32
          %mul3A_160 = vector.broadcast %mul3A_159 : i32 to vector<16xi32>
          %mul3A_161 = arith.muli %iota3A, %mul3A_160 : vector<16xi32>
          %mul3A_162 = arith.constant 8 : i32
          %mul3A_163 = arith.muli %arg1, %mul3A_162 : i32
          %add3A_164 = arith.constant 2 : i32
          %add3A_165 = arith.addi %mul3A_163, %add3A_164 : i32
          %mul3A_166 = arith.constant 7 : i32
          %mul3A_167 = arith.muli %add3A_165, %mul3A_166 : i32
          %add3A_168 = vector.broadcast %mul3A_167 : i32 to vector<16xi32>
          %add3A_169 = arith.addi %mul3A_161, %add3A_168 : vector<16xi32>
          %and3A_170 = arith.constant 127 : i32
          %and3A_171 = vector.broadcast %and3A_170 : i32 to vector<16xi32>
          %and3A_172 = arith.andi %add3A_169, %and3A_171 : vector<16xi32>
          %add3A_173 = arith.constant 6272 : i32
          %add3A_174 = vector.broadcast %add3A_173 : i32 to vector<16xi32>
          %add3A_175 = arith.addi %add3A_174, %and3A_172 : vector<16xi32>
          %sub3A_176 = vector.broadcast %mul3A_13 : i32 to vector<16xi32>
          %sub3A_177 = arith.subi %get3A_151, %sub3A_176 : vector<16xi32>
          %select_n3A_178 = arith.select %and3A_158, %sub3A_177, %add3A_175 : vector<16xi1>, vector<16xi32>
          %swap3A_179 = arith.index_cast %add3A_82 : i32 to index
          %swap3A_180 = arith.constant 32 : index
          %swap3A_181 = tpu.vector_load %arg10[%swap3A_179, %swap3A_180] {strides = array<i32>} : memref<16x128xi32, #tpu.memory_space<vmem>>, vector<1x16xi32>,
          %swap3A_182 = vector.shape_cast %swap3A_181 : vector<1x16xi32> to vector<16xi32>
          %swap3A_183 = vector.shape_cast %select_n3A_178 : vector<16xi32> to vector<1x16xi32>
          tpu.vector_store %arg10[%swap3A_179, %swap3A_180], %swap3A_183 {strides = array<i32>} : memref<16x128xi32, #tpu.memory_space<vmem>>, vector<1x16xi32>,
          %get3A_184 = arith.index_cast %add3A_82 : i32 to index
          %get3A_185 = arith.constant 48 : index
          %get3A_186 = tpu.vector_load %arg9[%get3A_184, %get3A_185] {strides = array<i32>} : memref<16x128xi32, #tpu.memory_space<vmem>>, vector<1x16xi32>,
          %get3A_187 = vector.shape_cast %get3A_186 : vector<1x16xi32> to vector<16xi32>
          %ge3A_188 = vector.broadcast %mul3A_13 : i32 to vector<16xi32>
          %ge3A_189 = arith.cmpi sge, %get3A_187, %ge3A_188 : vector<16xi32>
          %add3A_190 = arith.constant 6272 : i32
          %add3A_191 = arith.addi %mul3A_13, %add3A_190 : i32
          %lt3A_192 = vector.broadcast %add3A_191 : i32 to vector<16xi32>
          %lt3A_193 = arith.cmpi slt, %get3A_187, %lt3A_192 : vector<16xi32>
          %and3A_194 = arith.andi %ge3A_189, %lt3A_193 : vector<16xi1>
          %mul3A_195 = arith.constant 5 : i32
          %mul3A_196 = vector.broadcast %mul3A_195 : i32 to vector<16xi32>
          %mul3A_197 = arith.muli %iota3A, %mul3A_196 : vector<16xi32>
          %mul3A_198 = arith.constant 8 : i32
          %mul3A_199 = arith.muli %arg1, %mul3A_198 : i32
          %add3A_200 = arith.constant 3 : i32
          %add3A_201 = arith.addi %mul3A_199, %add3A_200 : i32
          %mul3A_202 = arith.constant 7 : i32
          %mul3A_203 = arith.muli %add3A_201, %mul3A_202 : i32
          %add3A_204 = vector.broadcast %mul3A_203 : i32 to vector<16xi32>
          %add3A_205 = arith.addi %mul3A_197, %add3A_204 : vector<16xi32>
          %and3A_206 = arith.constant 127 : i32
          %and3A_207 = vector.broadcast %and3A_206 : i32 to vector<16xi32>
          %and3A_208 = arith.andi %add3A_205, %and3A_207 : vector<16xi32>
          %add3A_209 = arith.constant 6272 : i32
          %add3A_210 = vector.broadcast %add3A_209 : i32 to vector<16xi32>
          %add3A_211 = arith.addi %add3A_210, %and3A_208 : vector<16xi32>
          %sub3A_212 = vector.broadcast %mul3A_13 : i32 to vector<16xi32>
          %sub3A_213 = arith.subi %get3A_187, %sub3A_212 : vector<16xi32>
          %select_n3A_214 = arith.select %and3A_194, %sub3A_213, %add3A_211 : vector<16xi1>, vector<16xi32>
          %swap3A_215 = arith.index_cast %add3A_82 : i32 to index
          %swap3A_216 = arith.constant 48 : index
          %swap3A_217 = tpu.vector_load %arg10[%swap3A_215, %swap3A_216] {strides = array<i32>} : memref<16x128xi32, #tpu.memory_space<vmem>>, vector<1x16xi32>,
          %swap3A_218 = vector.shape_cast %swap3A_217 : vector<1x16xi32> to vector<16xi32>
          %swap3A_219 = vector.shape_cast %select_n3A_214 : vector<16xi32> to vector<1x16xi32>
          tpu.vector_store %arg10[%swap3A_215, %swap3A_216], %swap3A_219 {strides = array<i32>} : memref<16x128xi32, #tpu.memory_space<vmem>>, vector<1x16xi32>,
          %get3A_220 = arith.index_cast %add3A_82 : i32 to index
          %get3A_221 = arith.constant 64 : index
          %get3A_222 = tpu.vector_load %arg9[%get3A_220, %get3A_221] {strides = array<i32>} : memref<16x128xi32, #tpu.memory_space<vmem>>, vector<1x16xi32>,
          %get3A_223 = vector.shape_cast %get3A_222 : vector<1x16xi32> to vector<16xi32>
          %ge3A_224 = vector.broadcast %mul3A_13 : i32 to vector<16xi32>
          %ge3A_225 = arith.cmpi sge, %get3A_223, %ge3A_224 : vector<16xi32>
          %add3A_226 = arith.constant 6272 : i32
          %add3A_227 = arith.addi %mul3A_13, %add3A_226 : i32
          %lt3A_228 = vector.broadcast %add3A_227 : i32 to vector<16xi32>
          %lt3A_229 = arith.cmpi slt, %get3A_223, %lt3A_228 : vector<16xi32>
          %and3A_230 = arith.andi %ge3A_225, %lt3A_229 : vector<16xi1>
          %mul3A_231 = arith.constant 5 : i32
          %mul3A_232 = vector.broadcast %mul3A_231 : i32 to vector<16xi32>
          %mul3A_233 = arith.muli %iota3A, %mul3A_232 : vector<16xi32>
          %mul3A_234 = arith.constant 8 : i32
          %mul3A_235 = arith.muli %arg1, %mul3A_234 : i32
          %add3A_236 = arith.constant 4 : i32
          %add3A_237 = arith.addi %mul3A_235, %add3A_236 : i32
          %mul3A_238 = arith.constant 7 : i32
          %mul3A_239 = arith.muli %add3A_237, %mul3A_238 : i32
          %add3A_240 = vector.broadcast %mul3A_239 : i32 to vector<16xi32>
          %add3A_241 = arith.addi %mul3A_233, %add3A_240 : vector<16xi32>
          %and3A_242 = arith.constant 127 : i32
          %and3A_243 = vector.broadcast %and3A_242 : i32 to vector<16xi32>
          %and3A_244 = arith.andi %add3A_241, %and3A_243 : vector<16xi32>
          %add3A_245 = arith.constant 6272 : i32
          %add3A_246 = vector.broadcast %add3A_245 : i32 to vector<16xi32>
          %add3A_247 = arith.addi %add3A_246, %and3A_244 : vector<16xi32>
          %sub3A_248 = vector.broadcast %mul3A_13 : i32 to vector<16xi32>
          %sub3A_249 = arith.subi %get3A_223, %sub3A_248 : vector<16xi32>
          %select_n3A_250 = arith.select %and3A_230, %sub3A_249, %add3A_247 : vector<16xi1>, vector<16xi32>
          %swap3A_251 = arith.index_cast %add3A_82 : i32 to index
          %swap3A_252 = arith.constant 64 : index
          %swap3A_253 = tpu.vector_load %arg10[%swap3A_251, %swap3A_252] {strides = array<i32>} : memref<16x128xi32, #tpu.memory_space<vmem>>, vector<1x16xi32>,
          %swap3A_254 = vector.shape_cast %swap3A_253 : vector<1x16xi32> to vector<16xi32>
          %swap3A_255 = vector.shape_cast %select_n3A_250 : vector<16xi32> to vector<1x16xi32>
          tpu.vector_store %arg10[%swap3A_251, %swap3A_252], %swap3A_255 {strides = array<i32>} : memref<16x128xi32, #tpu.memory_space<vmem>>, vector<1x16xi32>,
          %get3A_256 = arith.index_cast %add3A_82 : i32 to index
          %get3A_257 = arith.constant 80 : index
          %get3A_258 = tpu.vector_load %arg9[%get3A_256, %get3A_257] {strides = array<i32>} : memref<16x128xi32, #tpu.memory_space<vmem>>, vector<1x16xi32>,
          %get3A_259 = vector.shape_cast %get3A_258 : vector<1x16xi32> to vector<16xi32>
          %ge3A_260 = vector.broadcast %mul3A_13 : i32 to vector<16xi32>
          %ge3A_261 = arith.cmpi sge, %get3A_259, %ge3A_260 : vector<16xi32>
          %add3A_262 = arith.constant 6272 : i32
          %add3A_263 = arith.addi %mul3A_13, %add3A_262 : i32
          %lt3A_264 = vector.broadcast %add3A_263 : i32 to vector<16xi32>
          %lt3A_265 = arith.cmpi slt, %get3A_259, %lt3A_264 : vector<16xi32>
          %and3A_266 = arith.andi %ge3A_261, %lt3A_265 : vector<16xi1>
          %mul3A_267 = arith.constant 5 : i32
          %mul3A_268 = vector.broadcast %mul3A_267 : i32 to vector<16xi32>
          %mul3A_269 = arith.muli %iota3A, %mul3A_268 : vector<16xi32>
          %mul3A_270 = arith.constant 8 : i32
          %mul3A_271 = arith.muli %arg1, %mul3A_270 : i32
          %add3A_272 = arith.constant 5 : i32
          %add3A_273 = arith.addi %mul3A_271, %add3A_272 : i32
          %mul3A_274 = arith.constant 7 : i32
          %mul3A_275 = arith.muli %add3A_273, %mul3A_274 : i32
          %add3A_276 = vector.broadcast %mul3A_275 : i32 to vector<16xi32>
          %add3A_277 = arith.addi %mul3A_269, %add3A_276 : vector<16xi32>
          %and3A_278 = arith.constant 127 : i32
          %and3A_279 = vector.broadcast %and3A_278 : i32 to vector<16xi32>
          %and3A_280 = arith.andi %add3A_277, %and3A_279 : vector<16xi32>
          %add3A_281 = arith.constant 6272 : i32
          %add3A_282 = vector.broadcast %add3A_281 : i32 to vector<16xi32>
          %add3A_283 = arith.addi %add3A_282, %and3A_280 : vector<16xi32>
          %sub3A_284 = vector.broadcast %mul3A_13 : i32 to vector<16xi32>
          %sub3A_285 = arith.subi %get3A_259, %sub3A_284 : vector<16xi32>
          %select_n3A_286 = arith.select %and3A_266, %sub3A_285, %add3A_283 : vector<16xi1>, vector<16xi32>
          %swap3A_287 = arith.index_cast %add3A_82 : i32 to index
          %swap3A_288 = arith.constant 80 : index
          %swap3A_289 = tpu.vector_load %arg10[%swap3A_287, %swap3A_288] {strides = array<i32>} : memref<16x128xi32, #tpu.memory_space<vmem>>, vector<1x16xi32>,
          %swap3A_290 = vector.shape_cast %swap3A_289 : vector<1x16xi32> to vector<16xi32>
          %swap3A_291 = vector.shape_cast %select_n3A_286 : vector<16xi32> to vector<1x16xi32>
          tpu.vector_store %arg10[%swap3A_287, %swap3A_288], %swap3A_291 {strides = array<i32>} : memref<16x128xi32, #tpu.memory_space<vmem>>, vector<1x16xi32>,
          %get3A_292 = arith.index_cast %add3A_82 : i32 to index
          %get3A_293 = arith.constant 96 : index
          %get3A_294 = tpu.vector_load %arg9[%get3A_292, %get3A_293] {strides = array<i32>} : memref<16x128xi32, #tpu.memory_space<vmem>>, vector<1x16xi32>,
          %get3A_295 = vector.shape_cast %get3A_294 : vector<1x16xi32> to vector<16xi32>
          %ge3A_296 = vector.broadcast %mul3A_13 : i32 to vector<16xi32>
          %ge3A_297 = arith.cmpi sge, %get3A_295, %ge3A_296 : vector<16xi32>
          %add3A_298 = arith.constant 6272 : i32
          %add3A_299 = arith.addi %mul3A_13, %add3A_298 : i32
          %lt3A_300 = vector.broadcast %add3A_299 : i32 to vector<16xi32>
          %lt3A_301 = arith.cmpi slt, %get3A_295, %lt3A_300 : vector<16xi32>
          %and3A_302 = arith.andi %ge3A_297, %lt3A_301 : vector<16xi1>
          %mul3A_303 = arith.constant 5 : i32
          %mul3A_304 = vector.broadcast %mul3A_303 : i32 to vector<16xi32>
          %mul3A_305 = arith.muli %iota3A, %mul3A_304 : vector<16xi32>
          %mul3A_306 = arith.constant 8 : i32
          %mul3A_307 = arith.muli %arg1, %mul3A_306 : i32
          %add3A_308 = arith.constant 6 : i32
          %add3A_309 = arith.addi %mul3A_307, %add3A_308 : i32
          %mul3A_310 = arith.constant 7 : i32
          %mul3A_311 = arith.muli %add3A_309, %mul3A_310 : i32
          %add3A_312 = vector.broadcast %mul3A_311 : i32 to vector<16xi32>
          %add3A_313 = arith.addi %mul3A_305, %add3A_312 : vector<16xi32>
          %and3A_314 = arith.constant 127 : i32
          %and3A_315 = vector.broadcast %and3A_314 : i32 to vector<16xi32>
          %and3A_316 = arith.andi %add3A_313, %and3A_315 : vector<16xi32>
          %add3A_317 = arith.constant 6272 : i32
          %add3A_318 = vector.broadcast %add3A_317 : i32 to vector<16xi32>
          %add3A_319 = arith.addi %add3A_318, %and3A_316 : vector<16xi32>
          %sub3A_320 = vector.broadcast %mul3A_13 : i32 to vector<16xi32>
          %sub3A_321 = arith.subi %get3A_295, %sub3A_320 : vector<16xi32>
          %select_n3A_322 = arith.select %and3A_302, %sub3A_321, %add3A_319 : vector<16xi1>, vector<16xi32>
          %swap3A_323 = arith.index_cast %add3A_82 : i32 to index
          %swap3A_324 = arith.constant 96 : index
          %swap3A_325 = tpu.vector_load %arg10[%swap3A_323, %swap3A_324] {strides = array<i32>} : memref<16x128xi32, #tpu.memory_space<vmem>>, vector<1x16xi32>,
          %swap3A_326 = vector.shape_cast %swap3A_325 : vector<1x16xi32> to vector<16xi32>
          %swap3A_327 = vector.shape_cast %select_n3A_322 : vector<16xi32> to vector<1x16xi32>
          tpu.vector_store %arg10[%swap3A_323, %swap3A_324], %swap3A_327 {strides = array<i32>} : memref<16x128xi32, #tpu.memory_space<vmem>>, vector<1x16xi32>,
          %get3A_328 = arith.index_cast %add3A_82 : i32 to index
          %get3A_329 = arith.constant 112 : index
          %get3A_330 = tpu.vector_load %arg9[%get3A_328, %get3A_329] {strides = array<i32>} : memref<16x128xi32, #tpu.memory_space<vmem>>, vector<1x16xi32>,
          %get3A_331 = vector.shape_cast %get3A_330 : vector<1x16xi32> to vector<16xi32>
          %ge3A_332 = vector.broadcast %mul3A_13 : i32 to vector<16xi32>
          %ge3A_333 = arith.cmpi sge, %get3A_331, %ge3A_332 : vector<16xi32>
          %add3A_334 = arith.constant 6272 : i32
          %add3A_335 = arith.addi %mul3A_13, %add3A_334 : i32
          %lt3A_336 = vector.broadcast %add3A_335 : i32 to vector<16xi32>
          %lt3A_337 = arith.cmpi slt, %get3A_331, %lt3A_336 : vector<16xi32>
          %and3A_338 = arith.andi %ge3A_333, %lt3A_337 : vector<16xi1>
          %mul3A_339 = arith.constant 5 : i32
          %mul3A_340 = vector.broadcast %mul3A_339 : i32 to vector<16xi32>
          %mul3A_341 = arith.muli %iota3A, %mul3A_340 : vector<16xi32>
          %mul3A_342 = arith.constant 8 : i32
          %mul3A_343 = arith.muli %arg1, %mul3A_342 : i32
          %add3A_344 = arith.constant 7 : i32
          %add3A_345 = arith.addi %mul3A_343, %add3A_344 : i32
          %mul3A_346 = arith.constant 7 : i32
          %mul3A_347 = arith.muli %add3A_345, %mul3A_346 : i32
          %add3A_348 = vector.broadcast %mul3A_347 : i32 to vector<16xi32>
          %add3A_349 = arith.addi %mul3A_341, %add3A_348 : vector<16xi32>
          %and3A_350 = arith.constant 127 : i32
          %and3A_351 = vector.broadcast %and3A_350 : i32 to vector<16xi32>
          %and3A_352 = arith.andi %add3A_349, %and3A_351 : vector<16xi32>
          %add3A_353 = arith.constant 6272 : i32
          %add3A_354 = vector.broadcast %add3A_353 : i32 to vector<16xi32>
          %add3A_355 = arith.addi %add3A_354, %and3A_352 : vector<16xi32>
          %sub3A_356 = vector.broadcast %mul3A_13 : i32 to vector<16xi32>
          %sub3A_357 = arith.subi %get3A_331, %sub3A_356 : vector<16xi32>
          %select_n3A_358 = arith.select %and3A_338, %sub3A_357, %add3A_355 : vector<16xi1>, vector<16xi32>
          %swap3A_359 = arith.index_cast %add3A_82 : i32 to index
          %swap3A_360 = arith.constant 112 : index
          %swap3A_361 = tpu.vector_load %arg10[%swap3A_359, %swap3A_360] {strides = array<i32>} : memref<16x128xi32, #tpu.memory_space<vmem>>, vector<1x16xi32>,
          %swap3A_362 = vector.shape_cast %swap3A_361 : vector<1x16xi32> to vector<16xi32>
          %swap3A_363 = vector.shape_cast %select_n3A_358 : vector<16xi32> to vector<1x16xi32>
          tpu.vector_store %arg10[%swap3A_359, %swap3A_360], %swap3A_363 {strides = array<i32>} : memref<16x128xi32, #tpu.memory_space<vmem>>, vector<1x16xi32>,
          "tpu.region"() ({
            %run_scoped3A = tpu.sem_alloc : memref<!tpu.dma_semaphore, #tpu.memory_space<semaphore_mem>>
            %dma_start3A = arith.constant 0 : i32
            %dma_start3A_652 = tpu.memref_slice %arg8[%add3A_82, %dma_start3A] : memref<16x128xi32, #tpu.memory_space<vmem>> -> memref<1x128xi32, #tpu.memory_space<vmem>>
            %dma_start3A_653 = tpu.memref_squeeze %dma_start3A_652 : memref<1x128xi32, #tpu.memory_space<vmem>> -> memref<128xi32, #tpu.memory_space<vmem>>
            %dma_start3A_654 = arith.constant 0 : i32
            %dma_start3A_655 = arith.constant 0 : i32
            %dma_start3A_656 = tpu.memref_slice %arg2[%dma_start3A_654, %dma_start3A_655] : memref<50000x128xf32, #tpu.memory_space<hbm>> -> memref<50000x128xf32, #tpu.memory_space<hbm>>
            tpu.enqueue_indirect_dma source(%dma_start3A_656 : memref<50000x128xf32, #tpu.memory_space<hbm>>) target(%arg11 : memref<128x128xf32, #tpu.memory_space<vmem>>) offsets(%dma_start3A_653 : memref<128xi32, #tpu.memory_space<vmem>>) semaphore(%run_scoped3A : memref<!tpu.dma_semaphore, #tpu.memory_space<semaphore_mem>>)
            %dma_wait3A = arith.constant 0 : i32
            %dma_wait3A_657 = tpu.memref_slice %arg8[%add3A_82, %dma_wait3A] : memref<16x128xi32, #tpu.memory_space<vmem>> -> memref<1x128xi32, #tpu.memory_space<vmem>>
            %dma_wait3A_658 = tpu.memref_squeeze %dma_wait3A_657 : memref<1x128xi32, #tpu.memory_space<vmem>> -> memref<128xi32, #tpu.memory_space<vmem>>
            %dma_wait3A_659 = arith.constant 0 : i32
            %dma_wait3A_660 = arith.constant 0 : i32
            %dma_wait3A_661 = tpu.memref_slice %arg2[%dma_wait3A_659, %dma_wait3A_660] : memref<50000x128xf32, #tpu.memory_space<hbm>> -> memref<50000x128xf32, #tpu.memory_space<hbm>>
            tpu.wait_indirect_dma semaphore(%run_scoped3A : memref<!tpu.dma_semaphore, #tpu.memory_space<semaphore_mem>>) src(%dma_wait3A_661 : memref<50000x128xf32, #tpu.memory_space<hbm>>) dst(%arg11 : memref<128x128xf32, #tpu.memory_space<vmem>>)
            tpu.yield
          }) : () -> ()
          "tpu.region"() ({
            %run_scoped3A = tpu.sem_alloc : memref<!tpu.dma_semaphore, #tpu.memory_space<semaphore_mem>>
            %dma_start3A = arith.constant 0 : i32
            %dma_start3A_652 = tpu.memref_slice %arg10[%add3A_82, %dma_start3A] : memref<16x128xi32, #tpu.memory_space<vmem>> -> memref<1x128xi32, #tpu.memory_space<vmem>>
            %dma_start3A_653 = tpu.memref_squeeze %dma_start3A_652 : memref<1x128xi32, #tpu.memory_space<vmem>> -> memref<128xi32, #tpu.memory_space<vmem>>
            %dma_start3A_654 = arith.constant 0 : i32
            %dma_start3A_655 = arith.constant 0 : i32
            %dma_start3A_656 = tpu.memref_slice %arg6[%dma_start3A_654, %dma_start3A_655] : memref<6400x128xf32, #tpu.memory_space<vmem_shared>> -> memref<6400x128xf32, #tpu.memory_space<vmem_shared>>
            tpu.enqueue_indirect_dma source(%arg11 : memref<128x128xf32, #tpu.memory_space<vmem>>) target(%dma_start3A_656 : memref<6400x128xf32, #tpu.memory_space<vmem_shared>>) offsets(%dma_start3A_653 : memref<128xi32, #tpu.memory_space<vmem>>) semaphore(%run_scoped3A : memref<!tpu.dma_semaphore, #tpu.memory_space<semaphore_mem>>) {add = true}
            %dma_wait3A = arith.constant 0 : i32
            %dma_wait3A_657 = tpu.memref_slice %arg10[%add3A_82, %dma_wait3A] : memref<16x128xi32, #tpu.memory_space<vmem>> -> memref<1x128xi32, #tpu.memory_space<vmem>>
            %dma_wait3A_658 = tpu.memref_squeeze %dma_wait3A_657 : memref<1x128xi32, #tpu.memory_space<vmem>> -> memref<128xi32, #tpu.memory_space<vmem>>
            %dma_wait3A_659 = arith.constant 0 : i32
            %dma_wait3A_660 = arith.constant 0 : i32
            %dma_wait3A_661 = tpu.memref_slice %arg6[%dma_wait3A_659, %dma_wait3A_660] : memref<6400x128xf32, #tpu.memory_space<vmem_shared>> -> memref<6400x128xf32, #tpu.memory_space<vmem_shared>>
            tpu.wait_indirect_dma semaphore(%run_scoped3A : memref<!tpu.dma_semaphore, #tpu.memory_space<semaphore_mem>>) src(%arg11 : memref<128x128xf32, #tpu.memory_space<vmem>>) dst(%dma_wait3A_661 : memref<6400x128xf32, #tpu.memory_space<vmem_shared>>)
            tpu.yield
          }) : () -> ()
          %get3A_364 = arith.index_cast %add3A_82 : i32 to index
          %get3A_365 = arith.constant 0 : index
          %get3A_366 = tpu.vector_load %arg9[%get3A_364, %get3A_365] {strides = array<i32>} : memref<16x128xi32, #tpu.memory_space<vmem>>, vector<1x16xi32>,
          %get3A_367 = vector.shape_cast %get3A_366 : vector<1x16xi32> to vector<16xi32>
          %ge3A_368 = vector.broadcast %mul3A_22 : i32 to vector<16xi32>
          %ge3A_369 = arith.cmpi sge, %get3A_367, %ge3A_368 : vector<16xi32>
          %add3A_370 = arith.constant 6272 : i32
          %add3A_371 = arith.addi %mul3A_22, %add3A_370 : i32
          %lt3A_372 = vector.broadcast %add3A_371 : i32 to vector<16xi32>
          %lt3A_373 = arith.cmpi slt, %get3A_367, %lt3A_372 : vector<16xi32>
          %and3A_374 = arith.andi %ge3A_369, %lt3A_373 : vector<16xi1>
          %mul3A_375 = arith.constant 5 : i32
          %mul3A_376 = vector.broadcast %mul3A_375 : i32 to vector<16xi32>
          %mul3A_377 = arith.muli %iota3A, %mul3A_376 : vector<16xi32>
          %mul3A_378 = arith.constant 8 : i32
          %mul3A_379 = arith.muli %arg1, %mul3A_378 : i32
          %add3A_380 = arith.constant 0 : i32
          %add3A_381 = arith.addi %mul3A_379, %add3A_380 : i32
          %mul3A_382 = arith.constant 7 : i32
          %mul3A_383 = arith.muli %add3A_381, %mul3A_382 : i32
          %add3A_384 = vector.broadcast %mul3A_383 : i32 to vector<16xi32>
          %add3A_385 = arith.addi %mul3A_377, %add3A_384 : vector<16xi32>
          %and3A_386 = arith.constant 127 : i32
          %and3A_387 = vector.broadcast %and3A_386 : i32 to vector<16xi32>
          %and3A_388 = arith.andi %add3A_385, %and3A_387 : vector<16xi32>
          %add3A_389 = arith.constant 6272 : i32
          %add3A_390 = vector.broadcast %add3A_389 : i32 to vector<16xi32>
          %add3A_391 = arith.addi %add3A_390, %and3A_388 : vector<16xi32>
          %sub3A_392 = vector.broadcast %mul3A_22 : i32 to vector<16xi32>
          %sub3A_393 = arith.subi %get3A_367, %sub3A_392 : vector<16xi32>
          %select_n3A_394 = arith.select %and3A_374, %sub3A_393, %add3A_391 : vector<16xi1>, vector<16xi32>
          %swap3A_395 = arith.index_cast %add3A_82 : i32 to index
          %swap3A_396 = arith.constant 0 : index
          %swap3A_397 = tpu.vector_load %arg10[%swap3A_395, %swap3A_396] {strides = array<i32>} : memref<16x128xi32, #tpu.memory_space<vmem>>, vector<1x16xi32>,
          %swap3A_398 = vector.shape_cast %swap3A_397 : vector<1x16xi32> to vector<16xi32>
          %swap3A_399 = vector.shape_cast %select_n3A_394 : vector<16xi32> to vector<1x16xi32>
          tpu.vector_store %arg10[%swap3A_395, %swap3A_396], %swap3A_399 {strides = array<i32>} : memref<16x128xi32, #tpu.memory_space<vmem>>, vector<1x16xi32>,
          %get3A_400 = arith.index_cast %add3A_82 : i32 to index
          %get3A_401 = arith.constant 16 : index
          %get3A_402 = tpu.vector_load %arg9[%get3A_400, %get3A_401] {strides = array<i32>} : memref<16x128xi32, #tpu.memory_space<vmem>>, vector<1x16xi32>,
          %get3A_403 = vector.shape_cast %get3A_402 : vector<1x16xi32> to vector<16xi32>
          %ge3A_404 = vector.broadcast %mul3A_22 : i32 to vector<16xi32>
          %ge3A_405 = arith.cmpi sge, %get3A_403, %ge3A_404 : vector<16xi32>
          %add3A_406 = arith.constant 6272 : i32
          %add3A_407 = arith.addi %mul3A_22, %add3A_406 : i32
          %lt3A_408 = vector.broadcast %add3A_407 : i32 to vector<16xi32>
          %lt3A_409 = arith.cmpi slt, %get3A_403, %lt3A_408 : vector<16xi32>
          %and3A_410 = arith.andi %ge3A_405, %lt3A_409 : vector<16xi1>
          %mul3A_411 = arith.constant 5 : i32
          %mul3A_412 = vector.broadcast %mul3A_411 : i32 to vector<16xi32>
          %mul3A_413 = arith.muli %iota3A, %mul3A_412 : vector<16xi32>
          %mul3A_414 = arith.constant 8 : i32
          %mul3A_415 = arith.muli %arg1, %mul3A_414 : i32
          %add3A_416 = arith.constant 1 : i32
          %add3A_417 = arith.addi %mul3A_415, %add3A_416 : i32
          %mul3A_418 = arith.constant 7 : i32
          %mul3A_419 = arith.muli %add3A_417, %mul3A_418 : i32
          %add3A_420 = vector.broadcast %mul3A_419 : i32 to vector<16xi32>
          %add3A_421 = arith.addi %mul3A_413, %add3A_420 : vector<16xi32>
          %and3A_422 = arith.constant 127 : i32
          %and3A_423 = vector.broadcast %and3A_422 : i32 to vector<16xi32>
          %and3A_424 = arith.andi %add3A_421, %and3A_423 : vector<16xi32>
          %add3A_425 = arith.constant 6272 : i32
          %add3A_426 = vector.broadcast %add3A_425 : i32 to vector<16xi32>
          %add3A_427 = arith.addi %add3A_426, %and3A_424 : vector<16xi32>
          %sub3A_428 = vector.broadcast %mul3A_22 : i32 to vector<16xi32>
          %sub3A_429 = arith.subi %get3A_403, %sub3A_428 : vector<16xi32>
          %select_n3A_430 = arith.select %and3A_410, %sub3A_429, %add3A_427 : vector<16xi1>, vector<16xi32>
          %swap3A_431 = arith.index_cast %add3A_82 : i32 to index
          %swap3A_432 = arith.constant 16 : index
          %swap3A_433 = tpu.vector_load %arg10[%swap3A_431, %swap3A_432] {strides = array<i32>} : memref<16x128xi32, #tpu.memory_space<vmem>>, vector<1x16xi32>,
          %swap3A_434 = vector.shape_cast %swap3A_433 : vector<1x16xi32> to vector<16xi32>
          %swap3A_435 = vector.shape_cast %select_n3A_430 : vector<16xi32> to vector<1x16xi32>
          tpu.vector_store %arg10[%swap3A_431, %swap3A_432], %swap3A_435 {strides = array<i32>} : memref<16x128xi32, #tpu.memory_space<vmem>>, vector<1x16xi32>,
          %get3A_436 = arith.index_cast %add3A_82 : i32 to index
          %get3A_437 = arith.constant 32 : index
          %get3A_438 = tpu.vector_load %arg9[%get3A_436, %get3A_437] {strides = array<i32>} : memref<16x128xi32, #tpu.memory_space<vmem>>, vector<1x16xi32>,
          %get3A_439 = vector.shape_cast %get3A_438 : vector<1x16xi32> to vector<16xi32>
          %ge3A_440 = vector.broadcast %mul3A_22 : i32 to vector<16xi32>
          %ge3A_441 = arith.cmpi sge, %get3A_439, %ge3A_440 : vector<16xi32>
          %add3A_442 = arith.constant 6272 : i32
          %add3A_443 = arith.addi %mul3A_22, %add3A_442 : i32
          %lt3A_444 = vector.broadcast %add3A_443 : i32 to vector<16xi32>
          %lt3A_445 = arith.cmpi slt, %get3A_439, %lt3A_444 : vector<16xi32>
          %and3A_446 = arith.andi %ge3A_441, %lt3A_445 : vector<16xi1>
          %mul3A_447 = arith.constant 5 : i32
          %mul3A_448 = vector.broadcast %mul3A_447 : i32 to vector<16xi32>
          %mul3A_449 = arith.muli %iota3A, %mul3A_448 : vector<16xi32>
          %mul3A_450 = arith.constant 8 : i32
          %mul3A_451 = arith.muli %arg1, %mul3A_450 : i32
          %add3A_452 = arith.constant 2 : i32
          %add3A_453 = arith.addi %mul3A_451, %add3A_452 : i32
          %mul3A_454 = arith.constant 7 : i32
          %mul3A_455 = arith.muli %add3A_453, %mul3A_454 : i32
          %add3A_456 = vector.broadcast %mul3A_455 : i32 to vector<16xi32>
          %add3A_457 = arith.addi %mul3A_449, %add3A_456 : vector<16xi32>
          %and3A_458 = arith.constant 127 : i32
          %and3A_459 = vector.broadcast %and3A_458 : i32 to vector<16xi32>
          %and3A_460 = arith.andi %add3A_457, %and3A_459 : vector<16xi32>
          %add3A_461 = arith.constant 6272 : i32
          %add3A_462 = vector.broadcast %add3A_461 : i32 to vector<16xi32>
          %add3A_463 = arith.addi %add3A_462, %and3A_460 : vector<16xi32>
          %sub3A_464 = vector.broadcast %mul3A_22 : i32 to vector<16xi32>
          %sub3A_465 = arith.subi %get3A_439, %sub3A_464 : vector<16xi32>
          %select_n3A_466 = arith.select %and3A_446, %sub3A_465, %add3A_463 : vector<16xi1>, vector<16xi32>
          %swap3A_467 = arith.index_cast %add3A_82 : i32 to index
          %swap3A_468 = arith.constant 32 : index
          %swap3A_469 = tpu.vector_load %arg10[%swap3A_467, %swap3A_468] {strides = array<i32>} : memref<16x128xi32, #tpu.memory_space<vmem>>, vector<1x16xi32>,
          %swap3A_470 = vector.shape_cast %swap3A_469 : vector<1x16xi32> to vector<16xi32>
          %swap3A_471 = vector.shape_cast %select_n3A_466 : vector<16xi32> to vector<1x16xi32>
          tpu.vector_store %arg10[%swap3A_467, %swap3A_468], %swap3A_471 {strides = array<i32>} : memref<16x128xi32, #tpu.memory_space<vmem>>, vector<1x16xi32>,
          %get3A_472 = arith.index_cast %add3A_82 : i32 to index
          %get3A_473 = arith.constant 48 : index
          %get3A_474 = tpu.vector_load %arg9[%get3A_472, %get3A_473] {strides = array<i32>} : memref<16x128xi32, #tpu.memory_space<vmem>>, vector<1x16xi32>,
          %get3A_475 = vector.shape_cast %get3A_474 : vector<1x16xi32> to vector<16xi32>
          %ge3A_476 = vector.broadcast %mul3A_22 : i32 to vector<16xi32>
          %ge3A_477 = arith.cmpi sge, %get3A_475, %ge3A_476 : vector<16xi32>
          %add3A_478 = arith.constant 6272 : i32
          %add3A_479 = arith.addi %mul3A_22, %add3A_478 : i32
          %lt3A_480 = vector.broadcast %add3A_479 : i32 to vector<16xi32>
          %lt3A_481 = arith.cmpi slt, %get3A_475, %lt3A_480 : vector<16xi32>
          %and3A_482 = arith.andi %ge3A_477, %lt3A_481 : vector<16xi1>
          %mul3A_483 = arith.constant 5 : i32
          %mul3A_484 = vector.broadcast %mul3A_483 : i32 to vector<16xi32>
          %mul3A_485 = arith.muli %iota3A, %mul3A_484 : vector<16xi32>
          %mul3A_486 = arith.constant 8 : i32
          %mul3A_487 = arith.muli %arg1, %mul3A_486 : i32
          %add3A_488 = arith.constant 3 : i32
          %add3A_489 = arith.addi %mul3A_487, %add3A_488 : i32
          %mul3A_490 = arith.constant 7 : i32
          %mul3A_491 = arith.muli %add3A_489, %mul3A_490 : i32
          %add3A_492 = vector.broadcast %mul3A_491 : i32 to vector<16xi32>
          %add3A_493 = arith.addi %mul3A_485, %add3A_492 : vector<16xi32>
          %and3A_494 = arith.constant 127 : i32
          %and3A_495 = vector.broadcast %and3A_494 : i32 to vector<16xi32>
          %and3A_496 = arith.andi %add3A_493, %and3A_495 : vector<16xi32>
          %add3A_497 = arith.constant 6272 : i32
          %add3A_498 = vector.broadcast %add3A_497 : i32 to vector<16xi32>
          %add3A_499 = arith.addi %add3A_498, %and3A_496 : vector<16xi32>
          %sub3A_500 = vector.broadcast %mul3A_22 : i32 to vector<16xi32>
          %sub3A_501 = arith.subi %get3A_475, %sub3A_500 : vector<16xi32>
          %select_n3A_502 = arith.select %and3A_482, %sub3A_501, %add3A_499 : vector<16xi1>, vector<16xi32>
          %swap3A_503 = arith.index_cast %add3A_82 : i32 to index
          %swap3A_504 = arith.constant 48 : index
          %swap3A_505 = tpu.vector_load %arg10[%swap3A_503, %swap3A_504] {strides = array<i32>} : memref<16x128xi32, #tpu.memory_space<vmem>>, vector<1x16xi32>,
          %swap3A_506 = vector.shape_cast %swap3A_505 : vector<1x16xi32> to vector<16xi32>
          %swap3A_507 = vector.shape_cast %select_n3A_502 : vector<16xi32> to vector<1x16xi32>
          tpu.vector_store %arg10[%swap3A_503, %swap3A_504], %swap3A_507 {strides = array<i32>} : memref<16x128xi32, #tpu.memory_space<vmem>>, vector<1x16xi32>,
          %get3A_508 = arith.index_cast %add3A_82 : i32 to index
          %get3A_509 = arith.constant 64 : index
          %get3A_510 = tpu.vector_load %arg9[%get3A_508, %get3A_509] {strides = array<i32>} : memref<16x128xi32, #tpu.memory_space<vmem>>, vector<1x16xi32>,
          %get3A_511 = vector.shape_cast %get3A_510 : vector<1x16xi32> to vector<16xi32>
          %ge3A_512 = vector.broadcast %mul3A_22 : i32 to vector<16xi32>
          %ge3A_513 = arith.cmpi sge, %get3A_511, %ge3A_512 : vector<16xi32>
          %add3A_514 = arith.constant 6272 : i32
          %add3A_515 = arith.addi %mul3A_22, %add3A_514 : i32
          %lt3A_516 = vector.broadcast %add3A_515 : i32 to vector<16xi32>
          %lt3A_517 = arith.cmpi slt, %get3A_511, %lt3A_516 : vector<16xi32>
          %and3A_518 = arith.andi %ge3A_513, %lt3A_517 : vector<16xi1>
          %mul3A_519 = arith.constant 5 : i32
          %mul3A_520 = vector.broadcast %mul3A_519 : i32 to vector<16xi32>
          %mul3A_521 = arith.muli %iota3A, %mul3A_520 : vector<16xi32>
          %mul3A_522 = arith.constant 8 : i32
          %mul3A_523 = arith.muli %arg1, %mul3A_522 : i32
          %add3A_524 = arith.constant 4 : i32
          %add3A_525 = arith.addi %mul3A_523, %add3A_524 : i32
          %mul3A_526 = arith.constant 7 : i32
          %mul3A_527 = arith.muli %add3A_525, %mul3A_526 : i32
          %add3A_528 = vector.broadcast %mul3A_527 : i32 to vector<16xi32>
          %add3A_529 = arith.addi %mul3A_521, %add3A_528 : vector<16xi32>
          %and3A_530 = arith.constant 127 : i32
          %and3A_531 = vector.broadcast %and3A_530 : i32 to vector<16xi32>
          %and3A_532 = arith.andi %add3A_529, %and3A_531 : vector<16xi32>
          %add3A_533 = arith.constant 6272 : i32
          %add3A_534 = vector.broadcast %add3A_533 : i32 to vector<16xi32>
          %add3A_535 = arith.addi %add3A_534, %and3A_532 : vector<16xi32>
          %sub3A_536 = vector.broadcast %mul3A_22 : i32 to vector<16xi32>
          %sub3A_537 = arith.subi %get3A_511, %sub3A_536 : vector<16xi32>
          %select_n3A_538 = arith.select %and3A_518, %sub3A_537, %add3A_535 : vector<16xi1>, vector<16xi32>
          %swap3A_539 = arith.index_cast %add3A_82 : i32 to index
          %swap3A_540 = arith.constant 64 : index
          %swap3A_541 = tpu.vector_load %arg10[%swap3A_539, %swap3A_540] {strides = array<i32>} : memref<16x128xi32, #tpu.memory_space<vmem>>, vector<1x16xi32>,
          %swap3A_542 = vector.shape_cast %swap3A_541 : vector<1x16xi32> to vector<16xi32>
          %swap3A_543 = vector.shape_cast %select_n3A_538 : vector<16xi32> to vector<1x16xi32>
          tpu.vector_store %arg10[%swap3A_539, %swap3A_540], %swap3A_543 {strides = array<i32>} : memref<16x128xi32, #tpu.memory_space<vmem>>, vector<1x16xi32>,
          %get3A_544 = arith.index_cast %add3A_82 : i32 to index
          %get3A_545 = arith.constant 80 : index
          %get3A_546 = tpu.vector_load %arg9[%get3A_544, %get3A_545] {strides = array<i32>} : memref<16x128xi32, #tpu.memory_space<vmem>>, vector<1x16xi32>,
          %get3A_547 = vector.shape_cast %get3A_546 : vector<1x16xi32> to vector<16xi32>
          %ge3A_548 = vector.broadcast %mul3A_22 : i32 to vector<16xi32>
          %ge3A_549 = arith.cmpi sge, %get3A_547, %ge3A_548 : vector<16xi32>
          %add3A_550 = arith.constant 6272 : i32
          %add3A_551 = arith.addi %mul3A_22, %add3A_550 : i32
          %lt3A_552 = vector.broadcast %add3A_551 : i32 to vector<16xi32>
          %lt3A_553 = arith.cmpi slt, %get3A_547, %lt3A_552 : vector<16xi32>
          %and3A_554 = arith.andi %ge3A_549, %lt3A_553 : vector<16xi1>
          %mul3A_555 = arith.constant 5 : i32
          %mul3A_556 = vector.broadcast %mul3A_555 : i32 to vector<16xi32>
          %mul3A_557 = arith.muli %iota3A, %mul3A_556 : vector<16xi32>
          %mul3A_558 = arith.constant 8 : i32
          %mul3A_559 = arith.muli %arg1, %mul3A_558 : i32
          %add3A_560 = arith.constant 5 : i32
          %add3A_561 = arith.addi %mul3A_559, %add3A_560 : i32
          %mul3A_562 = arith.constant 7 : i32
          %mul3A_563 = arith.muli %add3A_561, %mul3A_562 : i32
          %add3A_564 = vector.broadcast %mul3A_563 : i32 to vector<16xi32>
          %add3A_565 = arith.addi %mul3A_557, %add3A_564 : vector<16xi32>
          %and3A_566 = arith.constant 127 : i32
          %and3A_567 = vector.broadcast %and3A_566 : i32 to vector<16xi32>
          %and3A_568 = arith.andi %add3A_565, %and3A_567 : vector<16xi32>
          %add3A_569 = arith.constant 6272 : i32
          %add3A_570 = vector.broadcast %add3A_569 : i32 to vector<16xi32>
          %add3A_571 = arith.addi %add3A_570, %and3A_568 : vector<16xi32>
          %sub3A_572 = vector.broadcast %mul3A_22 : i32 to vector<16xi32>
          %sub3A_573 = arith.subi %get3A_547, %sub3A_572 : vector<16xi32>
          %select_n3A_574 = arith.select %and3A_554, %sub3A_573, %add3A_571 : vector<16xi1>, vector<16xi32>
          %swap3A_575 = arith.index_cast %add3A_82 : i32 to index
          %swap3A_576 = arith.constant 80 : index
          %swap3A_577 = tpu.vector_load %arg10[%swap3A_575, %swap3A_576] {strides = array<i32>} : memref<16x128xi32, #tpu.memory_space<vmem>>, vector<1x16xi32>,
          %swap3A_578 = vector.shape_cast %swap3A_577 : vector<1x16xi32> to vector<16xi32>
          %swap3A_579 = vector.shape_cast %select_n3A_574 : vector<16xi32> to vector<1x16xi32>
          tpu.vector_store %arg10[%swap3A_575, %swap3A_576], %swap3A_579 {strides = array<i32>} : memref<16x128xi32, #tpu.memory_space<vmem>>, vector<1x16xi32>,
          %get3A_580 = arith.index_cast %add3A_82 : i32 to index
          %get3A_581 = arith.constant 96 : index
          %get3A_582 = tpu.vector_load %arg9[%get3A_580, %get3A_581] {strides = array<i32>} : memref<16x128xi32, #tpu.memory_space<vmem>>, vector<1x16xi32>,
          %get3A_583 = vector.shape_cast %get3A_582 : vector<1x16xi32> to vector<16xi32>
          %ge3A_584 = vector.broadcast %mul3A_22 : i32 to vector<16xi32>
          %ge3A_585 = arith.cmpi sge, %get3A_583, %ge3A_584 : vector<16xi32>
          %add3A_586 = arith.constant 6272 : i32
          %add3A_587 = arith.addi %mul3A_22, %add3A_586 : i32
          %lt3A_588 = vector.broadcast %add3A_587 : i32 to vector<16xi32>
          %lt3A_589 = arith.cmpi slt, %get3A_583, %lt3A_588 : vector<16xi32>
          %and3A_590 = arith.andi %ge3A_585, %lt3A_589 : vector<16xi1>
          %mul3A_591 = arith.constant 5 : i32
          %mul3A_592 = vector.broadcast %mul3A_591 : i32 to vector<16xi32>
          %mul3A_593 = arith.muli %iota3A, %mul3A_592 : vector<16xi32>
          %mul3A_594 = arith.constant 8 : i32
          %mul3A_595 = arith.muli %arg1, %mul3A_594 : i32
          %add3A_596 = arith.constant 6 : i32
          %add3A_597 = arith.addi %mul3A_595, %add3A_596 : i32
          %mul3A_598 = arith.constant 7 : i32
          %mul3A_599 = arith.muli %add3A_597, %mul3A_598 : i32
          %add3A_600 = vector.broadcast %mul3A_599 : i32 to vector<16xi32>
          %add3A_601 = arith.addi %mul3A_593, %add3A_600 : vector<16xi32>
          %and3A_602 = arith.constant 127 : i32
          %and3A_603 = vector.broadcast %and3A_602 : i32 to vector<16xi32>
          %and3A_604 = arith.andi %add3A_601, %and3A_603 : vector<16xi32>
          %add3A_605 = arith.constant 6272 : i32
          %add3A_606 = vector.broadcast %add3A_605 : i32 to vector<16xi32>
          %add3A_607 = arith.addi %add3A_606, %and3A_604 : vector<16xi32>
          %sub3A_608 = vector.broadcast %mul3A_22 : i32 to vector<16xi32>
          %sub3A_609 = arith.subi %get3A_583, %sub3A_608 : vector<16xi32>
          %select_n3A_610 = arith.select %and3A_590, %sub3A_609, %add3A_607 : vector<16xi1>, vector<16xi32>
          %swap3A_611 = arith.index_cast %add3A_82 : i32 to index
          %swap3A_612 = arith.constant 96 : index
          %swap3A_613 = tpu.vector_load %arg10[%swap3A_611, %swap3A_612] {strides = array<i32>} : memref<16x128xi32, #tpu.memory_space<vmem>>, vector<1x16xi32>,
          %swap3A_614 = vector.shape_cast %swap3A_613 : vector<1x16xi32> to vector<16xi32>
          %swap3A_615 = vector.shape_cast %select_n3A_610 : vector<16xi32> to vector<1x16xi32>
          tpu.vector_store %arg10[%swap3A_611, %swap3A_612], %swap3A_615 {strides = array<i32>} : memref<16x128xi32, #tpu.memory_space<vmem>>, vector<1x16xi32>,
          %get3A_616 = arith.index_cast %add3A_82 : i32 to index
          %get3A_617 = arith.constant 112 : index
          %get3A_618 = tpu.vector_load %arg9[%get3A_616, %get3A_617] {strides = array<i32>} : memref<16x128xi32, #tpu.memory_space<vmem>>, vector<1x16xi32>,
          %get3A_619 = vector.shape_cast %get3A_618 : vector<1x16xi32> to vector<16xi32>
          %ge3A_620 = vector.broadcast %mul3A_22 : i32 to vector<16xi32>
          %ge3A_621 = arith.cmpi sge, %get3A_619, %ge3A_620 : vector<16xi32>
          %add3A_622 = arith.constant 6272 : i32
          %add3A_623 = arith.addi %mul3A_22, %add3A_622 : i32
          %lt3A_624 = vector.broadcast %add3A_623 : i32 to vector<16xi32>
          %lt3A_625 = arith.cmpi slt, %get3A_619, %lt3A_624 : vector<16xi32>
          %and3A_626 = arith.andi %ge3A_621, %lt3A_625 : vector<16xi1>
          %mul3A_627 = arith.constant 5 : i32
          %mul3A_628 = vector.broadcast %mul3A_627 : i32 to vector<16xi32>
          %mul3A_629 = arith.muli %iota3A, %mul3A_628 : vector<16xi32>
          %mul3A_630 = arith.constant 8 : i32
          %mul3A_631 = arith.muli %arg1, %mul3A_630 : i32
          %add3A_632 = arith.constant 7 : i32
          %add3A_633 = arith.addi %mul3A_631, %add3A_632 : i32
          %mul3A_634 = arith.constant 7 : i32
          %mul3A_635 = arith.muli %add3A_633, %mul3A_634 : i32
          %add3A_636 = vector.broadcast %mul3A_635 : i32 to vector<16xi32>
          %add3A_637 = arith.addi %mul3A_629, %add3A_636 : vector<16xi32>
          %and3A_638 = arith.constant 127 : i32
          %and3A_639 = vector.broadcast %and3A_638 : i32 to vector<16xi32>
          %and3A_640 = arith.andi %add3A_637, %and3A_639 : vector<16xi32>
          %add3A_641 = arith.constant 6272 : i32
          %add3A_642 = vector.broadcast %add3A_641 : i32 to vector<16xi32>
          %add3A_643 = arith.addi %add3A_642, %and3A_640 : vector<16xi32>
          %sub3A_644 = vector.broadcast %mul3A_22 : i32 to vector<16xi32>
          %sub3A_645 = arith.subi %get3A_619, %sub3A_644 : vector<16xi32>
          %select_n3A_646 = arith.select %and3A_626, %sub3A_645, %add3A_643 : vector<16xi1>, vector<16xi32>
          %swap3A_647 = arith.index_cast %add3A_82 : i32 to index
          %swap3A_648 = arith.constant 112 : index
          %swap3A_649 = tpu.vector_load %arg10[%swap3A_647, %swap3A_648] {strides = array<i32>} : memref<16x128xi32, #tpu.memory_space<vmem>>, vector<1x16xi32>,
          %swap3A_650 = vector.shape_cast %swap3A_649 : vector<1x16xi32> to vector<16xi32>
          %swap3A_651 = vector.shape_cast %select_n3A_646 : vector<16xi32> to vector<1x16xi32>
          tpu.vector_store %arg10[%swap3A_647, %swap3A_648], %swap3A_651 {strides = array<i32>} : memref<16x128xi32, #tpu.memory_space<vmem>>, vector<1x16xi32>,
          "tpu.region"() ({
            %run_scoped3A = tpu.sem_alloc : memref<!tpu.dma_semaphore, #tpu.memory_space<semaphore_mem>>
            %dma_start3A = arith.constant 0 : i32
            %dma_start3A_652 = tpu.memref_slice %arg10[%add3A_82, %dma_start3A] : memref<16x128xi32, #tpu.memory_space<vmem>> -> memref<1x128xi32, #tpu.memory_space<vmem>>
            %dma_start3A_653 = tpu.memref_squeeze %dma_start3A_652 : memref<1x128xi32, #tpu.memory_space<vmem>> -> memref<128xi32, #tpu.memory_space<vmem>>
            %dma_start3A_654 = arith.constant 0 : i32
            %dma_start3A_655 = arith.constant 0 : i32
            %dma_start3A_656 = tpu.memref_slice %arg7[%dma_start3A_654, %dma_start3A_655] : memref<6400x128xf32, #tpu.memory_space<vmem_shared>> -> memref<6400x128xf32, #tpu.memory_space<vmem_shared>>
            tpu.enqueue_indirect_dma source(%arg11 : memref<128x128xf32, #tpu.memory_space<vmem>>) target(%dma_start3A_656 : memref<6400x128xf32, #tpu.memory_space<vmem_shared>>) offsets(%dma_start3A_653 : memref<128xi32, #tpu.memory_space<vmem>>) semaphore(%run_scoped3A : memref<!tpu.dma_semaphore, #tpu.memory_space<semaphore_mem>>) {add = true}
            %dma_wait3A = arith.constant 0 : i32
            %dma_wait3A_657 = tpu.memref_slice %arg10[%add3A_82, %dma_wait3A] : memref<16x128xi32, #tpu.memory_space<vmem>> -> memref<1x128xi32, #tpu.memory_space<vmem>>
            %dma_wait3A_658 = tpu.memref_squeeze %dma_wait3A_657 : memref<1x128xi32, #tpu.memory_space<vmem>> -> memref<128xi32, #tpu.memory_space<vmem>>
            %dma_wait3A_659 = arith.constant 0 : i32
            %dma_wait3A_660 = arith.constant 0 : i32
            %dma_wait3A_661 = tpu.memref_slice %arg7[%dma_wait3A_659, %dma_wait3A_660] : memref<6400x128xf32, #tpu.memory_space<vmem_shared>> -> memref<6400x128xf32, #tpu.memory_space<vmem_shared>>
            tpu.wait_indirect_dma semaphore(%run_scoped3A : memref<!tpu.dma_semaphore, #tpu.memory_space<semaphore_mem>>) src(%arg11 : memref<128x128xf32, #tpu.memory_space<vmem>>) dst(%dma_wait3A_661 : memref<6400x128xf32, #tpu.memory_space<vmem_shared>>)
            tpu.yield
          }) : () -> ()
        }
        %scan3A_77 = arith.constant 16 : i32
      }
      %scan3A_50 = arith.constant 25 : i32
      %barrier3A_51 = arith.constant 0 : index
      tpu.barrier barrier_id(%barrier3A_51)
      %mul3A_52 = arith.constant 392 : i32
      %mul3A_53 = arith.muli %arg1, %mul3A_52 : i32
      %mul3A_54 = arith.constant 392 : i32
      %mul3A_55 = arith.muli %arg1, %mul3A_54 : i32
      %add3A_56 = arith.addi %mul3A_13, %mul3A_55 : i32
      "tpu.region"() ({
        %run_scoped3A = tpu.sem_alloc : memref<!tpu.dma_semaphore, #tpu.memory_space<semaphore_mem>>
        %dma_start3A = arith.constant 0 : i32
        %dma_start3A_63 = tpu.memref_slice %arg5[%add3A_56, %dma_start3A] : memref<50176x128xf32, #tpu.memory_space<hbm>> -> memref<392x128xf32, #tpu.memory_space<hbm>>
        %dma_start3A_64 = arith.constant 0 : i32
        %dma_start3A_65 = tpu.memref_slice %arg6[%mul3A_53, %dma_start3A_64] : memref<6400x128xf32, #tpu.memory_space<vmem_shared>> -> memref<392x128xf32, #tpu.memory_space<vmem_shared>>
        tpu.enqueue_dma source(%dma_start3A_65 : memref<392x128xf32, #tpu.memory_space<vmem_shared>>) target(%dma_start3A_63 : memref<392x128xf32, #tpu.memory_space<hbm>>) target_semaphore(%run_scoped3A : memref<!tpu.dma_semaphore, #tpu.memory_space<semaphore_mem>>)
        %dma_wait3A = arith.constant 0 : i32
        %dma_wait3A_66 = tpu.memref_slice %arg5[%add3A_56, %dma_wait3A] : memref<50176x128xf32, #tpu.memory_space<hbm>> -> memref<392x128xf32, #tpu.memory_space<hbm>>
        %dma_wait3A_67 = arith.constant 0 : i32
        %dma_wait3A_68 = tpu.memref_slice %arg6[%mul3A_53, %dma_wait3A_67] : memref<6400x128xf32, #tpu.memory_space<vmem_shared>> -> memref<392x128xf32, #tpu.memory_space<vmem_shared>>
        tpu.wait_dma2 semaphore(%run_scoped3A : memref<!tpu.dma_semaphore, #tpu.memory_space<semaphore_mem>>) src(%dma_wait3A_68 : memref<392x128xf32, #tpu.memory_space<vmem_shared>>) dst(%dma_wait3A_66 : memref<392x128xf32, #tpu.memory_space<hbm>>)
        tpu.yield
      }) : () -> ()
      %mul3A_57 = arith.constant 392 : i32
      %mul3A_58 = arith.muli %arg1, %mul3A_57 : i32
      %mul3A_59 = arith.constant 392 : i32
      %mul3A_60 = arith.muli %arg1, %mul3A_59 : i32
      %add3A_61 = arith.addi %mul3A_22, %mul3A_60 : i32
      "tpu.region"() ({
        %run_scoped3A = tpu.sem_alloc : memref<!tpu.dma_semaphore, #tpu.memory_space<semaphore_mem>>
        %dma_start3A = arith.constant 0 : i32
        %dma_start3A_63 = tpu.memref_slice %arg5[%add3A_61, %dma_start3A] : memref<50176x128xf32, #tpu.memory_space<hbm>> -> memref<392x128xf32, #tpu.memory_space<hbm>>
        %dma_start3A_64 = arith.constant 0 : i32
        %dma_start3A_65 = tpu.memref_slice %arg7[%mul3A_58, %dma_start3A_64] : memref<6400x128xf32, #tpu.memory_space<vmem_shared>> -> memref<392x128xf32, #tpu.memory_space<vmem_shared>>
        tpu.enqueue_dma source(%dma_start3A_65 : memref<392x128xf32, #tpu.memory_space<vmem_shared>>) target(%dma_start3A_63 : memref<392x128xf32, #tpu.memory_space<hbm>>) target_semaphore(%run_scoped3A : memref<!tpu.dma_semaphore, #tpu.memory_space<semaphore_mem>>)
        %dma_wait3A = arith.constant 0 : i32
        %dma_wait3A_66 = tpu.memref_slice %arg5[%add3A_61, %dma_wait3A] : memref<50176x128xf32, #tpu.memory_space<hbm>> -> memref<392x128xf32, #tpu.memory_space<hbm>>
        %dma_wait3A_67 = arith.constant 0 : i32
        %dma_wait3A_68 = tpu.memref_slice %arg7[%mul3A_58, %dma_wait3A_67] : memref<6400x128xf32, #tpu.memory_space<vmem_shared>> -> memref<392x128xf32, #tpu.memory_space<vmem_shared>>
        tpu.wait_dma2 semaphore(%run_scoped3A : memref<!tpu.dma_semaphore, #tpu.memory_space<semaphore_mem>>) src(%dma_wait3A_68 : memref<392x128xf32, #tpu.memory_space<vmem_shared>>) dst(%dma_wait3A_66 : memref<392x128xf32, #tpu.memory_space<hbm>>)
        tpu.yield
      }) : () -> ()
      %barrier3A_62 = arith.constant 0 : index
      tpu.barrier barrier_id(%barrier3A_62)
    }
    %scan3A_3 = arith.constant 2 : i32
    return
  }
}

#map = affine_map<(d0, d1) -> (0, 0)>
#map1 = affine_map<(d0, d1) -> (0)>
module attributes {stable_mosaic.version = 14 : i64} {
  func.func @_deg_kernel(%arg0: i32, %arg1: i32, %arg2: memref<6400x128xi32, #tpu.memory_space<hbm>>, %arg3: memref<100352xf32, #tpu.memory_space<hbm>>, %arg4: memref<50304xf32, #tpu.memory_space<vmem_shared>>, %arg5: memref<40x128xi32, #tpu.memory_space<vmem>>, %arg6: memref<3136xf32, #tpu.memory_space<vmem>>, %arg7: memref<128xf32, #tpu.memory_space<vmem>>) attributes {dimension_semantics = [#tpu.dimension_semantics<core_parallel>, #tpu.dimension_semantics<subcore_parallel>], iteration_bounds = array<i64: 2, 16>, scalar_prefetch = 0 : i64, scratch_operands = 4 : i64, tpu.core_type = #tpu.core_type<sc_vector_subcore>, window_params = [{transform_indices = #map}, {transform_indices = #map1}]} {
    %mul3A = arith.constant 16 : i32
    %mul3A_0 = arith.muli %arg0, %mul3A : i32
    %add3A = arith.addi %mul3A_0, %arg1 : i32
    %scan3A = arith.constant 0 : i32
    %scan3A_1 = arith.constant 196 : i32
    %scan3A_2 = arith.addi %scan3A, %scan3A_1 : i32
    %scan3A_3 = arith.constant 1 : i32
    scf.for %scan3A_27 = %scan3A to %scan3A_2 step %scan3A_3  : i32 {
      %mul3A_28 = arith.constant 1 : i32
      %mul3A_29 = arith.muli %scan3A_27, %mul3A_28 : i32
      %add3A_30 = arith.constant 0 : i32
      %add3A_31 = arith.addi %add3A_30, %mul3A_29 : i32
      %broadcast_in_dim3A = arith.constant 0.000000e+00 : f32
      %broadcast_in_dim3A_32 = vector.broadcast %broadcast_in_dim3A : f32 to vector<16xf32>
      %mul3A_33 = arith.constant 16 : i32
      %mul3A_34 = arith.muli %add3A_31, %mul3A_33 : i32
      %swap3A = arith.index_cast %mul3A_34 : i32 to index
      %swap3A_35 = tpu.vector_load %arg6[%swap3A] {strides = array<i32>} : memref<3136xf32, #tpu.memory_space<vmem>>, vector<16xf32>,
      %swap3A_36 = vector.shape_cast %swap3A_35 : vector<16xf32> to vector<16xf32>
      %swap3A_37 = vector.shape_cast %broadcast_in_dim3A_32 : vector<16xf32> to vector<16xf32>
      tpu.vector_store %arg6[%swap3A], %swap3A_37 {strides = array<i32>} : memref<3136xf32, #tpu.memory_space<vmem>>, vector<16xf32>,
    }
    %scan3A_4 = arith.constant 196 : i32
    %scan3A_5 = arith.constant 0 : i32
    %scan3A_6 = arith.constant 8 : i32
    %scan3A_7 = arith.addi %scan3A_5, %scan3A_6 : i32
    %scan3A_8 = arith.constant 1 : i32
    scf.for %scan3A_27 = %scan3A_5 to %scan3A_7 step %scan3A_8  : i32 {
      %mul3A_28 = arith.constant 1 : i32
      %mul3A_29 = arith.muli %scan3A_27, %mul3A_28 : i32
      %add3A_30 = arith.constant 0 : i32
      %add3A_31 = arith.addi %add3A_30, %mul3A_29 : i32
      %broadcast_in_dim3A = arith.constant 1.000000e+00 : f32
      %broadcast_in_dim3A_32 = vector.broadcast %broadcast_in_dim3A : f32 to vector<16xf32>
      %mul3A_33 = arith.constant 16 : i32
      %mul3A_34 = arith.muli %add3A_31, %mul3A_33 : i32
      %swap3A = arith.index_cast %mul3A_34 : i32 to index
      %swap3A_35 = tpu.vector_load %arg7[%swap3A] {strides = array<i32>} : memref<128xf32, #tpu.memory_space<vmem>>, vector<16xf32>,
      %swap3A_36 = vector.shape_cast %swap3A_35 : vector<16xf32> to vector<16xf32>
      %swap3A_37 = vector.shape_cast %broadcast_in_dim3A_32 : vector<16xf32> to vector<16xf32>
      tpu.vector_store %arg7[%swap3A], %swap3A_37 {strides = array<i32>} : memref<128xf32, #tpu.memory_space<vmem>>, vector<16xf32>,
    }
    %scan3A_9 = arith.constant 8 : i32
    %mul3A_10 = arith.constant 3136 : i32
    %mul3A_11 = arith.muli %arg1, %mul3A_10 : i32
    "tpu.region"() ({
      %run_scoped3A = tpu.sem_alloc : memref<!tpu.dma_semaphore, #tpu.memory_space<semaphore_mem>>
      %dma_start3A = arith.constant 0 : i32
      %dma_start3A_27 = tpu.memref_slice %arg6[%dma_start3A] : memref<3136xf32, #tpu.memory_space<vmem>> -> memref<3136xf32, #tpu.memory_space<vmem>>
      %dma_start3A_28 = tpu.memref_slice %arg4[%mul3A_11] : memref<50304xf32, #tpu.memory_space<vmem_shared>> -> memref<3136xf32, #tpu.memory_space<vmem_shared>>
      %dma_start3A_29 = tpu.memref_slice %arg4[%mul3A_11] : memref<50304xf32, #tpu.memory_space<vmem_shared>> -> memref<3136xf32, #tpu.memory_space<vmem_shared>>
      %dma_start3A_30 = arith.constant 0 : i32
      %dma_start3A_31 = tpu.memref_slice %arg6[%dma_start3A_30] : memref<3136xf32, #tpu.memory_space<vmem>> -> memref<3136xf32, #tpu.memory_space<vmem>>
      tpu.enqueue_dma source(%dma_start3A_31 : memref<3136xf32, #tpu.memory_space<vmem>>) target(%dma_start3A_29 : memref<3136xf32, #tpu.memory_space<vmem_shared>>) target_semaphore(%run_scoped3A : memref<!tpu.dma_semaphore, #tpu.memory_space<semaphore_mem>>)
      %dma_wait3A = arith.constant 0 : i32
      %dma_wait3A_32 = tpu.memref_slice %arg6[%dma_wait3A] : memref<3136xf32, #tpu.memory_space<vmem>> -> memref<3136xf32, #tpu.memory_space<vmem>>
      %dma_wait3A_33 = tpu.memref_slice %arg4[%mul3A_11] : memref<50304xf32, #tpu.memory_space<vmem_shared>> -> memref<3136xf32, #tpu.memory_space<vmem_shared>>
      %dma_wait3A_34 = tpu.memref_slice %arg4[%mul3A_11] : memref<50304xf32, #tpu.memory_space<vmem_shared>> -> memref<3136xf32, #tpu.memory_space<vmem_shared>>
      %dma_wait3A_35 = arith.constant 0 : i32
      %dma_wait3A_36 = tpu.memref_slice %arg6[%dma_wait3A_35] : memref<3136xf32, #tpu.memory_space<vmem>> -> memref<3136xf32, #tpu.memory_space<vmem>>
      tpu.wait_dma2 semaphore(%run_scoped3A : memref<!tpu.dma_semaphore, #tpu.memory_space<semaphore_mem>>) src(%dma_wait3A_36 : memref<3136xf32, #tpu.memory_space<vmem>>) dst(%dma_wait3A_34 : memref<3136xf32, #tpu.memory_space<vmem_shared>>)
      tpu.yield
    }) : () -> ()
    %eq3A = arith.constant 0 : i32
    %eq3A_12 = arith.cmpi eq, %arg1, %eq3A : i32
    %convert_element_type3A = arith.extui %eq3A_12 : i1 to i32
    %cond3A = arith.constant 0 : i32
    %cond3A_13 = arith.cmpi ne, %convert_element_type3A, %cond3A : i32
    scf.if %cond3A_13 {
      "tpu.region"() ({
        %run_scoped3A = tpu.sem_alloc : memref<!tpu.dma_semaphore, #tpu.memory_space<semaphore_mem>>
        %dma_start3A = arith.constant 0 : i32
        %dma_start3A_27 = tpu.memref_slice %arg6[%dma_start3A] : memref<3136xf32, #tpu.memory_space<vmem>> -> memref<128xf32, #tpu.memory_space<vmem>>
        %dma_start3A_28 = arith.constant 50176 : i32
        %dma_start3A_29 = tpu.memref_slice %arg4[%dma_start3A_28] : memref<50304xf32, #tpu.memory_space<vmem_shared>> -> memref<128xf32, #tpu.memory_space<vmem_shared>>
        %dma_start3A_30 = arith.constant 50176 : i32
        %dma_start3A_31 = tpu.memref_slice %arg4[%dma_start3A_30] : memref<50304xf32, #tpu.memory_space<vmem_shared>> -> memref<128xf32, #tpu.memory_space<vmem_shared>>
        %dma_start3A_32 = arith.constant 0 : i32
        %dma_start3A_33 = tpu.memref_slice %arg6[%dma_start3A_32] : memref<3136xf32, #tpu.memory_space<vmem>> -> memref<128xf32, #tpu.memory_space<vmem>>
        tpu.enqueue_dma source(%dma_start3A_33 : memref<128xf32, #tpu.memory_space<vmem>>) target(%dma_start3A_31 : memref<128xf32, #tpu.memory_space<vmem_shared>>) target_semaphore(%run_scoped3A : memref<!tpu.dma_semaphore, #tpu.memory_space<semaphore_mem>>)
        %dma_wait3A = arith.constant 0 : i32
        %dma_wait3A_34 = tpu.memref_slice %arg6[%dma_wait3A] : memref<3136xf32, #tpu.memory_space<vmem>> -> memref<128xf32, #tpu.memory_space<vmem>>
        %dma_wait3A_35 = arith.constant 50176 : i32
        %dma_wait3A_36 = tpu.memref_slice %arg4[%dma_wait3A_35] : memref<50304xf32, #tpu.memory_space<vmem_shared>> -> memref<128xf32, #tpu.memory_space<vmem_shared>>
        %dma_wait3A_37 = arith.constant 50176 : i32
        %dma_wait3A_38 = tpu.memref_slice %arg4[%dma_wait3A_37] : memref<50304xf32, #tpu.memory_space<vmem_shared>> -> memref<128xf32, #tpu.memory_space<vmem_shared>>
        %dma_wait3A_39 = arith.constant 0 : i32
        %dma_wait3A_40 = tpu.memref_slice %arg6[%dma_wait3A_39] : memref<3136xf32, #tpu.memory_space<vmem>> -> memref<128xf32, #tpu.memory_space<vmem>>
        tpu.wait_dma2 semaphore(%run_scoped3A : memref<!tpu.dma_semaphore, #tpu.memory_space<semaphore_mem>>) src(%dma_wait3A_40 : memref<128xf32, #tpu.memory_space<vmem>>) dst(%dma_wait3A_38 : memref<128xf32, #tpu.memory_space<vmem_shared>>)
        tpu.yield
      }) : () -> ()
    } else {
    }
    %barrier3A = arith.constant 0 : index
    tpu.barrier barrier_id(%barrier3A)
    %scan3A_14 = arith.constant 0 : i32
    %scan3A_15 = arith.constant 5 : i32
    %scan3A_16 = arith.addi %scan3A_14, %scan3A_15 : i32
    %scan3A_17 = arith.constant 1 : i32
    scf.for %scan3A_27 = %scan3A_14 to %scan3A_16 step %scan3A_17  : i32 {
      %mul3A_28 = arith.constant 1 : i32
      %mul3A_29 = arith.muli %scan3A_27, %mul3A_28 : i32
      %add3A_30 = arith.constant 0 : i32
      %add3A_31 = arith.addi %add3A_30, %mul3A_29 : i32
      %mul3A_32 = arith.constant 200 : i32
      %mul3A_33 = arith.muli %add3A, %mul3A_32 : i32
      %mul3A_34 = arith.constant 40 : i32
      %mul3A_35 = arith.muli %add3A_31, %mul3A_34 : i32
      %add3A_36 = arith.addi %mul3A_33, %mul3A_35 : i32
      "tpu.region"() ({
        %run_scoped3A = tpu.sem_alloc : memref<!tpu.dma_semaphore, #tpu.memory_space<semaphore_mem>>
        %dma_start3A = arith.constant 0 : i32
        %dma_start3A_42 = tpu.memref_slice %arg2[%add3A_36, %dma_start3A] : memref<6400x128xi32, #tpu.memory_space<hbm>> -> memref<40x128xi32, #tpu.memory_space<hbm>>
        %dma_start3A_43 = arith.constant 0 : i32
        %dma_start3A_44 = tpu.memref_slice %arg2[%add3A_36, %dma_start3A_43] : memref<6400x128xi32, #tpu.memory_space<hbm>> -> memref<40x128xi32, #tpu.memory_space<hbm>>
        tpu.enqueue_dma source(%dma_start3A_44 : memref<40x128xi32, #tpu.memory_space<hbm>>) target(%arg5 : memref<40x128xi32, #tpu.memory_space<vmem>>) target_semaphore(%run_scoped3A : memref<!tpu.dma_semaphore, #tpu.memory_space<semaphore_mem>>)
        %dma_wait3A = arith.constant 0 : i32
        %dma_wait3A_45 = tpu.memref_slice %arg2[%add3A_36, %dma_wait3A] : memref<6400x128xi32, #tpu.memory_space<hbm>> -> memref<40x128xi32, #tpu.memory_space<hbm>>
        %dma_wait3A_46 = arith.constant 0 : i32
        %dma_wait3A_47 = tpu.memref_slice %arg2[%add3A_36, %dma_wait3A_46] : memref<6400x128xi32, #tpu.memory_space<hbm>> -> memref<40x128xi32, #tpu.memory_space<hbm>>
        tpu.wait_dma2 semaphore(%run_scoped3A : memref<!tpu.dma_semaphore, #tpu.memory_space<semaphore_mem>>) src(%dma_wait3A_47 : memref<40x128xi32, #tpu.memory_space<hbm>>) dst(%arg5 : memref<40x128xi32, #tpu.memory_space<vmem>>)
        tpu.yield
      }) : () -> ()
      %scan3A_37 = arith.constant 0 : i32
      %scan3A_38 = arith.constant 40 : i32
      %scan3A_39 = arith.addi %scan3A_37, %scan3A_38 : i32
      %scan3A_40 = arith.constant 1 : i32
      scf.for %scan3A_42 = %scan3A_37 to %scan3A_39 step %scan3A_40  : i32 {
        %mul3A_43 = arith.constant 1 : i32
        %mul3A_44 = arith.muli %scan3A_42, %mul3A_43 : i32
        %add3A_45 = arith.constant 0 : i32
        %add3A_46 = arith.addi %add3A_45, %mul3A_44 : i32
        "tpu.region"() ({
          %run_scoped3A = tpu.sem_alloc : memref<!tpu.dma_semaphore, #tpu.memory_space<semaphore_mem>>
          %dma_start3A = arith.constant 0 : i32
          %dma_start3A_47 = tpu.memref_slice %arg5[%add3A_46, %dma_start3A] : memref<40x128xi32, #tpu.memory_space<vmem>> -> memref<1x128xi32, #tpu.memory_space<vmem>>
          %dma_start3A_48 = tpu.memref_squeeze %dma_start3A_47 : memref<1x128xi32, #tpu.memory_space<vmem>> -> memref<128xi32, #tpu.memory_space<vmem>>
          %dma_start3A_49 = arith.constant 0 : i32
          %dma_start3A_50 = tpu.memref_slice %arg4[%dma_start3A_49] : memref<50304xf32, #tpu.memory_space<vmem_shared>> -> memref<50304xf32, #tpu.memory_space<vmem_shared>>
          tpu.enqueue_indirect_dma source(%arg7 : memref<128xf32, #tpu.memory_space<vmem>>) target(%dma_start3A_50 : memref<50304xf32, #tpu.memory_space<vmem_shared>>) offsets(%dma_start3A_48 : memref<128xi32, #tpu.memory_space<vmem>>) semaphore(%run_scoped3A : memref<!tpu.dma_semaphore, #tpu.memory_space<semaphore_mem>>) {add = true}
          %dma_wait3A = arith.constant 0 : i32
          %dma_wait3A_51 = tpu.memref_slice %arg5[%add3A_46, %dma_wait3A] : memref<40x128xi32, #tpu.memory_space<vmem>> -> memref<1x128xi32, #tpu.memory_space<vmem>>
          %dma_wait3A_52 = tpu.memref_squeeze %dma_wait3A_51 : memref<1x128xi32, #tpu.memory_space<vmem>> -> memref<128xi32, #tpu.memory_space<vmem>>
          %dma_wait3A_53 = arith.constant 0 : i32
          %dma_wait3A_54 = tpu.memref_slice %arg4[%dma_wait3A_53] : memref<50304xf32, #tpu.memory_space<vmem_shared>> -> memref<50304xf32, #tpu.memory_space<vmem_shared>>
          tpu.wait_indirect_dma semaphore(%run_scoped3A : memref<!tpu.dma_semaphore, #tpu.memory_space<semaphore_mem>>) src(%arg7 : memref<128xf32, #tpu.memory_space<vmem>>) dst(%dma_wait3A_54 : memref<50304xf32, #tpu.memory_space<vmem_shared>>)
          tpu.yield
        }) : () -> ()
      }
      %scan3A_41 = arith.constant 40 : i32
    }
    %scan3A_18 = arith.constant 5 : i32
    %barrier3A_19 = arith.constant 0 : index
    tpu.barrier barrier_id(%barrier3A_19)
    %mul3A_20 = arith.constant 3136 : i32
    %mul3A_21 = arith.muli %arg1, %mul3A_20 : i32
    "tpu.region"() ({
      %run_scoped3A = tpu.sem_alloc : memref<!tpu.dma_semaphore, #tpu.memory_space<semaphore_mem>>
      %dma_start3A = tpu.memref_slice %arg4[%mul3A_21] : memref<50304xf32, #tpu.memory_space<vmem_shared>> -> memref<3136xf32, #tpu.memory_space<vmem_shared>>
      %dma_start3A_27 = tpu.memref_slice %arg4[%mul3A_21] : memref<50304xf32, #tpu.memory_space<vmem_shared>> -> memref<3136xf32, #tpu.memory_space<vmem_shared>>
      tpu.enqueue_dma source(%dma_start3A_27 : memref<3136xf32, #tpu.memory_space<vmem_shared>>) target(%arg6 : memref<3136xf32, #tpu.memory_space<vmem>>) target_semaphore(%run_scoped3A : memref<!tpu.dma_semaphore, #tpu.memory_space<semaphore_mem>>)
      %dma_wait3A = tpu.memref_slice %arg4[%mul3A_21] : memref<50304xf32, #tpu.memory_space<vmem_shared>> -> memref<3136xf32, #tpu.memory_space<vmem_shared>>
      %dma_wait3A_28 = tpu.memref_slice %arg4[%mul3A_21] : memref<50304xf32, #tpu.memory_space<vmem_shared>> -> memref<3136xf32, #tpu.memory_space<vmem_shared>>
      tpu.wait_dma2 semaphore(%run_scoped3A : memref<!tpu.dma_semaphore, #tpu.memory_space<semaphore_mem>>) src(%dma_wait3A_28 : memref<3136xf32, #tpu.memory_space<vmem_shared>>) dst(%arg6 : memref<3136xf32, #tpu.memory_space<vmem>>)
      tpu.yield
    }) : () -> ()
    %mul3A_22 = arith.constant 50176 : i32
    %mul3A_23 = arith.muli %arg0, %mul3A_22 : i32
    %mul3A_24 = arith.constant 3136 : i32
    %mul3A_25 = arith.muli %arg1, %mul3A_24 : i32
    %add3A_26 = arith.addi %mul3A_23, %mul3A_25 : i32
    "tpu.region"() ({
      %run_scoped3A = tpu.sem_alloc : memref<!tpu.dma_semaphore, #tpu.memory_space<semaphore_mem>>
      %dma_start3A = tpu.memref_slice %arg3[%add3A_26] : memref<100352xf32, #tpu.memory_space<hbm>> -> memref<3136xf32, #tpu.memory_space<hbm>>
      %dma_start3A_27 = tpu.memref_slice %arg3[%add3A_26] : memref<100352xf32, #tpu.memory_space<hbm>> -> memref<3136xf32, #tpu.memory_space<hbm>>
      tpu.enqueue_dma source(%arg6 : memref<3136xf32, #tpu.memory_space<vmem>>) target(%dma_start3A_27 : memref<3136xf32, #tpu.memory_space<hbm>>) target_semaphore(%run_scoped3A : memref<!tpu.dma_semaphore, #tpu.memory_space<semaphore_mem>>)
      %dma_wait3A = tpu.memref_slice %arg3[%add3A_26] : memref<100352xf32, #tpu.memory_space<hbm>> -> memref<3136xf32, #tpu.memory_space<hbm>>
      %dma_wait3A_28 = tpu.memref_slice %arg3[%add3A_26] : memref<100352xf32, #tpu.memory_space<hbm>> -> memref<3136xf32, #tpu.memory_space<hbm>>
      tpu.wait_dma2 semaphore(%run_scoped3A : memref<!tpu.dma_semaphore, #tpu.memory_space<semaphore_mem>>) src(%arg6 : memref<3136xf32, #tpu.memory_space<vmem>>) dst(%dma_wait3A_28 : memref<3136xf32, #tpu.memory_space<hbm>>)
      tpu.yield
    }) : () -> ()
    return
  }
}

#map = affine_map<(d0, d1) -> (0, 0)>
module attributes {stable_mosaic.version = 14 : i64} {
  func.func @_agg_kernel(%arg0: i32, %arg1: i32, %arg2: memref<50000x128xf32, #tpu.memory_space<hbm>>, %arg3: memref<6400x128xi32, #tpu.memory_space<hbm>>, %arg4: memref<6400x128xi32, #tpu.memory_space<hbm>>, %arg5: memref<50176x128xf32, #tpu.memory_space<hbm>>, %arg6: memref<6400x128xf32, #tpu.memory_space<vmem_shared>>, %arg7: memref<6400x128xf32, #tpu.memory_space<vmem_shared>>, %arg8: memref<16x128xi32, #tpu.memory_space<vmem>>, %arg9: memref<16x128xi32, #tpu.memory_space<vmem>>, %arg10: memref<16x128xi32, #tpu.memory_space<vmem>>, %arg11: memref<128x128xf32, #tpu.memory_space<vmem>>) attributes {dimension_semantics = [#tpu.dimension_semantics<core_parallel>, #tpu.dimension_semantics<subcore_parallel>], iteration_bounds = array<i64: 2, 16>, scalar_prefetch = 0 : i64, scratch_operands = 6 : i64, tpu.core_type = #tpu.core_type<sc_vector_subcore>, window_params = [{transform_indices = #map}, {transform_indices = #map}, {transform_indices = #map}, {transform_indices = #map}]} {
    %iota3A = tpu.iota {dimensions = array<i32: 0>} : vector<16xi32>
    %scan3A = arith.constant 0 : i32
    %scan3A_0 = arith.constant 2 : i32
    %scan3A_1 = arith.addi %scan3A, %scan3A_0 : i32
    %scan3A_2 = arith.constant 1 : i32
    scf.for %scan3A_4 = %scan3A to %scan3A_1 step %scan3A_2  : i32 {
      %mul3A = arith.constant 1 : i32
      %mul3A_5 = arith.muli %scan3A_4, %mul3A : i32
      %add3A = arith.constant 0 : i32
      %add3A_6 = arith.addi %add3A, %mul3A_5 : i32
      %mul3A_7 = arith.constant 4 : i32
      %mul3A_8 = arith.muli %arg0, %mul3A_7 : i32
      %mul3A_9 = arith.constant 2 : i32
      %mul3A_10 = arith.muli %add3A_6, %mul3A_9 : i32
      %add3A_11 = arith.addi %mul3A_8, %mul3A_10 : i32
      %mul3A_12 = arith.constant 6272 : i32
      %mul3A_13 = arith.muli %add3A_11, %mul3A_12 : i32
      %mul3A_14 = arith.constant 4 : i32
      %mul3A_15 = arith.muli %arg0, %mul3A_14 : i32
      %mul3A_16 = arith.constant 2 : i32
      %mul3A_17 = arith.muli %add3A_6, %mul3A_16 : i32
      %add3A_18 = arith.addi %mul3A_15, %mul3A_17 : i32
      %add3A_19 = arith.constant 1 : i32
      %add3A_20 = arith.addi %add3A_18, %add3A_19 : i32
      %mul3A_21 = arith.constant 6272 : i32
      %mul3A_22 = arith.muli %add3A_20, %mul3A_21 : i32
      %scan3A_23 = arith.constant 0 : i32
      %scan3A_24 = arith.constant 128 : i32
      %scan3A_25 = arith.addi %scan3A_23, %scan3A_24 : i32
      %scan3A_26 = arith.constant 1 : i32
      scf.for %scan3A_63 = %scan3A_23 to %scan3A_25 step %scan3A_26  : i32 {
        %mul3A_64 = arith.constant 1 : i32
        %mul3A_65 = arith.muli %scan3A_63, %mul3A_64 : i32
        %add3A_66 = arith.constant 0 : i32
        %add3A_67 = arith.addi %add3A_66, %mul3A_65 : i32
        %broadcast_in_dim3A = arith.constant 0.000000e+00 : f32
        %broadcast_in_dim3A_68 = vector.broadcast %broadcast_in_dim3A : f32 to vector<16xf32>
        %swap3A = arith.index_cast %add3A_67 : i32 to index
        %swap3A_69 = arith.constant 0 : index
        %swap3A_70 = tpu.vector_load %arg11[%swap3A, %swap3A_69] {strides = array<i32>} : memref<128x128xf32, #tpu.memory_space<vmem>>, vector<1x16xf32>,
        %swap3A_71 = vector.shape_cast %swap3A_70 : vector<1x16xf32> to vector<16xf32>
        %swap3A_72 = vector.shape_cast %broadcast_in_dim3A_68 : vector<16xf32> to vector<1x16xf32>
        tpu.vector_store %arg11[%swap3A, %swap3A_69], %swap3A_72 {strides = array<i32>} : memref<128x128xf32, #tpu.memory_space<vmem>>, vector<1x16xf32>,
        %broadcast_in_dim3A_73 = arith.constant 0.000000e+00 : f32
        %broadcast_in_dim3A_74 = vector.broadcast %broadcast_in_dim3A_73 : f32 to vector<16xf32>
        %swap3A_75 = arith.index_cast %add3A_67 : i32 to index
        %swap3A_76 = arith.constant 16 : index
        %swap3A_77 = tpu.vector_load %arg11[%swap3A_75, %swap3A_76] {strides = array<i32>} : memref<128x128xf32, #tpu.memory_space<vmem>>, vector<1x16xf32>,
        %swap3A_78 = vector.shape_cast %swap3A_77 : vector<1x16xf32> to vector<16xf32>
        %swap3A_79 = vector.shape_cast %broadcast_in_dim3A_74 : vector<16xf32> to vector<1x16xf32>
        tpu.vector_store %arg11[%swap3A_75, %swap3A_76], %swap3A_79 {strides = array<i32>} : memref<128x128xf32, #tpu.memory_space<vmem>>, vector<1x16xf32>,
        %broadcast_in_dim3A_80 = arith.constant 0.000000e+00 : f32
        %broadcast_in_dim3A_81 = vector.broadcast %broadcast_in_dim3A_80 : f32 to vector<16xf32>
        %swap3A_82 = arith.index_cast %add3A_67 : i32 to index
        %swap3A_83 = arith.constant 32 : index
        %swap3A_84 = tpu.vector_load %arg11[%swap3A_82, %swap3A_83] {strides = array<i32>} : memref<128x128xf32, #tpu.memory_space<vmem>>, vector<1x16xf32>,
        %swap3A_85 = vector.shape_cast %swap3A_84 : vector<1x16xf32> to vector<16xf32>
        %swap3A_86 = vector.shape_cast %broadcast_in_dim3A_81 : vector<16xf32> to vector<1x16xf32>
        tpu.vector_store %arg11[%swap3A_82, %swap3A_83], %swap3A_86 {strides = array<i32>} : memref<128x128xf32, #tpu.memory_space<vmem>>, vector<1x16xf32>,
        %broadcast_in_dim3A_87 = arith.constant 0.000000e+00 : f32
        %broadcast_in_dim3A_88 = vector.broadcast %broadcast_in_dim3A_87 : f32 to vector<16xf32>
        %swap3A_89 = arith.index_cast %add3A_67 : i32 to index
        %swap3A_90 = arith.constant 48 : index
        %swap3A_91 = tpu.vector_load %arg11[%swap3A_89, %swap3A_90] {strides = array<i32>} : memref<128x128xf32, #tpu.memory_space<vmem>>, vector<1x16xf32>,
        %swap3A_92 = vector.shape_cast %swap3A_91 : vector<1x16xf32> to vector<16xf32>
        %swap3A_93 = vector.shape_cast %broadcast_in_dim3A_88 : vector<16xf32> to vector<1x16xf32>
        tpu.vector_store %arg11[%swap3A_89, %swap3A_90], %swap3A_93 {strides = array<i32>} : memref<128x128xf32, #tpu.memory_space<vmem>>, vector<1x16xf32>,
        %broadcast_in_dim3A_94 = arith.constant 0.000000e+00 : f32
        %broadcast_in_dim3A_95 = vector.broadcast %broadcast_in_dim3A_94 : f32 to vector<16xf32>
        %swap3A_96 = arith.index_cast %add3A_67 : i32 to index
        %swap3A_97 = arith.constant 64 : index
        %swap3A_98 = tpu.vector_load %arg11[%swap3A_96, %swap3A_97] {strides = array<i32>} : memref<128x128xf32, #tpu.memory_space<vmem>>, vector<1x16xf32>,
        %swap3A_99 = vector.shape_cast %swap3A_98 : vector<1x16xf32> to vector<16xf32>
        %swap3A_100 = vector.shape_cast %broadcast_in_dim3A_95 : vector<16xf32> to vector<1x16xf32>
        tpu.vector_store %arg11[%swap3A_96, %swap3A_97], %swap3A_100 {strides = array<i32>} : memref<128x128xf32, #tpu.memory_space<vmem>>, vector<1x16xf32>,
        %broadcast_in_dim3A_101 = arith.constant 0.000000e+00 : f32
        %broadcast_in_dim3A_102 = vector.broadcast %broadcast_in_dim3A_101 : f32 to vector<16xf32>
        %swap3A_103 = arith.index_cast %add3A_67 : i32 to index
        %swap3A_104 = arith.constant 80 : index
        %swap3A_105 = tpu.vector_load %arg11[%swap3A_103, %swap3A_104] {strides = array<i32>} : memref<128x128xf32, #tpu.memory_space<vmem>>, vector<1x16xf32>,
        %swap3A_106 = vector.shape_cast %swap3A_105 : vector<1x16xf32> to vector<16xf32>
        %swap3A_107 = vector.shape_cast %broadcast_in_dim3A_102 : vector<16xf32> to vector<1x16xf32>
        tpu.vector_store %arg11[%swap3A_103, %swap3A_104], %swap3A_107 {strides = array<i32>} : memref<128x128xf32, #tpu.memory_space<vmem>>, vector<1x16xf32>,
        %broadcast_in_dim3A_108 = arith.constant 0.000000e+00 : f32
        %broadcast_in_dim3A_109 = vector.broadcast %broadcast_in_dim3A_108 : f32 to vector<16xf32>
        %swap3A_110 = arith.index_cast %add3A_67 : i32 to index
        %swap3A_111 = arith.constant 96 : index
        %swap3A_112 = tpu.vector_load %arg11[%swap3A_110, %swap3A_111] {strides = array<i32>} : memref<128x128xf32, #tpu.memory_space<vmem>>, vector<1x16xf32>,
        %swap3A_113 = vector.shape_cast %swap3A_112 : vector<1x16xf32> to vector<16xf32>
        %swap3A_114 = vector.shape_cast %broadcast_in_dim3A_109 : vector<16xf32> to vector<1x16xf32>
        tpu.vector_store %arg11[%swap3A_110, %swap3A_111], %swap3A_114 {strides = array<i32>} : memref<128x128xf32, #tpu.memory_space<vmem>>, vector<1x16xf32>,
        %broadcast_in_dim3A_115 = arith.constant 0.000000e+00 : f32
        %broadcast_in_dim3A_116 = vector.broadcast %broadcast_in_dim3A_115 : f32 to vector<16xf32>
        %swap3A_117 = arith.index_cast %add3A_67 : i32 to index
        %swap3A_118 = arith.constant 112 : index
        %swap3A_119 = tpu.vector_load %arg11[%swap3A_117, %swap3A_118] {strides = array<i32>} : memref<128x128xf32, #tpu.memory_space<vmem>>, vector<1x16xf32>,
        %swap3A_120 = vector.shape_cast %swap3A_119 : vector<1x16xf32> to vector<16xf32>
        %swap3A_121 = vector.shape_cast %broadcast_in_dim3A_116 : vector<16xf32> to vector<1x16xf32>
        tpu.vector_store %arg11[%swap3A_117, %swap3A_118], %swap3A_121 {strides = array<i32>} : memref<128x128xf32, #tpu.memory_space<vmem>>, vector<1x16xf32>,
      }
      %scan3A_27 = arith.constant 128 : i32
      %scan3A_28 = arith.constant 0 : i32
      %scan3A_29 = arith.constant 3 : i32
      %scan3A_30 = arith.addi %scan3A_28, %scan3A_29 : i32
      %scan3A_31 = arith.constant 1 : i32
      scf.for %scan3A_63 = %scan3A_28 to %scan3A_30 step %scan3A_31  : i32 {
        %mul3A_64 = arith.constant 1 : i32
        %mul3A_65 = arith.muli %scan3A_63, %mul3A_64 : i32
        %add3A_66 = arith.constant 0 : i32
        %add3A_67 = arith.addi %add3A_66, %mul3A_65 : i32
        %mul3A_68 = arith.constant 400 : i32
        %mul3A_69 = arith.muli %arg1, %mul3A_68 : i32
        %mul3A_70 = arith.constant 128 : i32
        %mul3A_71 = arith.muli %add3A_67, %mul3A_70 : i32
        %add3A_72 = arith.addi %mul3A_69, %mul3A_71 : i32
        "tpu.region"() ({
          %run_scoped3A = tpu.sem_alloc : memref<!tpu.dma_semaphore, #tpu.memory_space<semaphore_mem>>
          %dma_start3A = arith.constant 0 : i32
          %dma_start3A_73 = tpu.memref_slice %arg6[%add3A_72, %dma_start3A] : memref<6400x128xf32, #tpu.memory_space<vmem_shared>> -> memref<128x128xf32, #tpu.memory_space<vmem_shared>>
          %dma_start3A_74 = arith.constant 0 : i32
          %dma_start3A_75 = tpu.memref_slice %arg6[%add3A_72, %dma_start3A_74] : memref<6400x128xf32, #tpu.memory_space<vmem_shared>> -> memref<128x128xf32, #tpu.memory_space<vmem_shared>>
          tpu.enqueue_dma source(%arg11 : memref<128x128xf32, #tpu.memory_space<vmem>>) target(%dma_start3A_75 : memref<128x128xf32, #tpu.memory_space<vmem_shared>>) target_semaphore(%run_scoped3A : memref<!tpu.dma_semaphore, #tpu.memory_space<semaphore_mem>>)
          %dma_wait3A = arith.constant 0 : i32
          %dma_wait3A_76 = tpu.memref_slice %arg6[%add3A_72, %dma_wait3A] : memref<6400x128xf32, #tpu.memory_space<vmem_shared>> -> memref<128x128xf32, #tpu.memory_space<vmem_shared>>
          %dma_wait3A_77 = arith.constant 0 : i32
          %dma_wait3A_78 = tpu.memref_slice %arg6[%add3A_72, %dma_wait3A_77] : memref<6400x128xf32, #tpu.memory_space<vmem_shared>> -> memref<128x128xf32, #tpu.memory_space<vmem_shared>>
          tpu.wait_dma2 semaphore(%run_scoped3A : memref<!tpu.dma_semaphore, #tpu.memory_space<semaphore_mem>>) src(%arg11 : memref<128x128xf32, #tpu.memory_space<vmem>>) dst(%dma_wait3A_78 : memref<128x128xf32, #tpu.memory_space<vmem_shared>>)
          tpu.yield
        }) : () -> ()
      }
      %scan3A_32 = arith.constant 3 : i32
      %mul3A_33 = arith.constant 400 : i32
      %mul3A_34 = arith.muli %arg1, %mul3A_33 : i32
      %add3A_35 = arith.constant 384 : i32
      %add3A_36 = arith.addi %mul3A_34, %add3A_35 : i32
      "tpu.region"() ({
        %run_scoped3A = tpu.sem_alloc : memref<!tpu.dma_semaphore, #tpu.memory_space<semaphore_mem>>
        %dma_start3A = arith.constant 0 : i32
        %dma_start3A_63 = arith.constant 0 : i32
        %dma_start3A_64 = tpu.memref_slice %arg11[%dma_start3A, %dma_start3A_63] : memref<128x128xf32, #tpu.memory_space<vmem>> -> memref<16x128xf32, #tpu.memory_space<vmem>>
        %dma_start3A_65 = arith.constant 0 : i32
        %dma_start3A_66 = tpu.memref_slice %arg6[%add3A_36, %dma_start3A_65] : memref<6400x128xf32, #tpu.memory_space<vmem_shared>> -> memref<16x128xf32, #tpu.memory_space<vmem_shared>>
        %dma_start3A_67 = arith.constant 0 : i32
        %dma_start3A_68 = tpu.memref_slice %arg6[%add3A_36, %dma_start3A_67] : memref<6400x128xf32, #tpu.memory_space<vmem_shared>> -> memref<16x128xf32, #tpu.memory_space<vmem_shared>>
        %dma_start3A_69 = arith.constant 0 : i32
        %dma_start3A_70 = arith.constant 0 : i32
        %dma_start3A_71 = tpu.memref_slice %arg11[%dma_start3A_69, %dma_start3A_70] : memref<128x128xf32, #tpu.memory_space<vmem>> -> memref<16x128xf32, #tpu.memory_space<vmem>>
        tpu.enqueue_dma source(%dma_start3A_71 : memref<16x128xf32, #tpu.memory_space<vmem>>) target(%dma_start3A_68 : memref<16x128xf32, #tpu.memory_space<vmem_shared>>) target_semaphore(%run_scoped3A : memref<!tpu.dma_semaphore, #tpu.memory_space<semaphore_mem>>)
        %dma_wait3A = arith.constant 0 : i32
        %dma_wait3A_72 = arith.constant 0 : i32
        %dma_wait3A_73 = tpu.memref_slice %arg11[%dma_wait3A, %dma_wait3A_72] : memref<128x128xf32, #tpu.memory_space<vmem>> -> memref<16x128xf32, #tpu.memory_space<vmem>>
        %dma_wait3A_74 = arith.constant 0 : i32
        %dma_wait3A_75 = tpu.memref_slice %arg6[%add3A_36, %dma_wait3A_74] : memref<6400x128xf32, #tpu.memory_space<vmem_shared>> -> memref<16x128xf32, #tpu.memory_space<vmem_shared>>
        %dma_wait3A_76 = arith.constant 0 : i32
        %dma_wait3A_77 = tpu.memref_slice %arg6[%add3A_36, %dma_wait3A_76] : memref<6400x128xf32, #tpu.memory_space<vmem_shared>> -> memref<16x128xf32, #tpu.memory_space<vmem_shared>>
        %dma_wait3A_78 = arith.constant 0 : i32
        %dma_wait3A_79 = arith.constant 0 : i32
        %dma_wait3A_80 = tpu.memref_slice %arg11[%dma_wait3A_78, %dma_wait3A_79] : memref<128x128xf32, #tpu.memory_space<vmem>> -> memref<16x128xf32, #tpu.memory_space<vmem>>
        tpu.wait_dma2 semaphore(%run_scoped3A : memref<!tpu.dma_semaphore, #tpu.memory_space<semaphore_mem>>) src(%dma_wait3A_80 : memref<16x128xf32, #tpu.memory_space<vmem>>) dst(%dma_wait3A_77 : memref<16x128xf32, #tpu.memory_space<vmem_shared>>)
        tpu.yield
      }) : () -> ()
      %scan3A_37 = arith.constant 0 : i32
      %scan3A_38 = arith.constant 3 : i32
      %scan3A_39 = arith.addi %scan3A_37, %scan3A_38 : i32
      %scan3A_40 = arith.constant 1 : i32
      scf.for %scan3A_63 = %scan3A_37 to %scan3A_39 step %scan3A_40  : i32 {
        %mul3A_64 = arith.constant 1 : i32
        %mul3A_65 = arith.muli %scan3A_63, %mul3A_64 : i32
        %add3A_66 = arith.constant 0 : i32
        %add3A_67 = arith.addi %add3A_66, %mul3A_65 : i32
        %mul3A_68 = arith.constant 400 : i32
        %mul3A_69 = arith.muli %arg1, %mul3A_68 : i32
        %mul3A_70 = arith.constant 128 : i32
        %mul3A_71 = arith.muli %add3A_67, %mul3A_70 : i32
        %add3A_72 = arith.addi %mul3A_69, %mul3A_71 : i32
        "tpu.region"() ({
          %run_scoped3A = tpu.sem_alloc : memref<!tpu.dma_semaphore, #tpu.memory_space<semaphore_mem>>
          %dma_start3A = arith.constant 0 : i32
          %dma_start3A_73 = tpu.memref_slice %arg7[%add3A_72, %dma_start3A] : memref<6400x128xf32, #tpu.memory_space<vmem_shared>> -> memref<128x128xf32, #tpu.memory_space<vmem_shared>>
          %dma_start3A_74 = arith.constant 0 : i32
          %dma_start3A_75 = tpu.memref_slice %arg7[%add3A_72, %dma_start3A_74] : memref<6400x128xf32, #tpu.memory_space<vmem_shared>> -> memref<128x128xf32, #tpu.memory_space<vmem_shared>>
          tpu.enqueue_dma source(%arg11 : memref<128x128xf32, #tpu.memory_space<vmem>>) target(%dma_start3A_75 : memref<128x128xf32, #tpu.memory_space<vmem_shared>>) target_semaphore(%run_scoped3A : memref<!tpu.dma_semaphore, #tpu.memory_space<semaphore_mem>>)
          %dma_wait3A = arith.constant 0 : i32
          %dma_wait3A_76 = tpu.memref_slice %arg7[%add3A_72, %dma_wait3A] : memref<6400x128xf32, #tpu.memory_space<vmem_shared>> -> memref<128x128xf32, #tpu.memory_space<vmem_shared>>
          %dma_wait3A_77 = arith.constant 0 : i32
          %dma_wait3A_78 = tpu.memref_slice %arg7[%add3A_72, %dma_wait3A_77] : memref<6400x128xf32, #tpu.memory_space<vmem_shared>> -> memref<128x128xf32, #tpu.memory_space<vmem_shared>>
          tpu.wait_dma2 semaphore(%run_scoped3A : memref<!tpu.dma_semaphore, #tpu.memory_space<semaphore_mem>>) src(%arg11 : memref<128x128xf32, #tpu.memory_space<vmem>>) dst(%dma_wait3A_78 : memref<128x128xf32, #tpu.memory_space<vmem_shared>>)
          tpu.yield
        }) : () -> ()
      }
      %scan3A_41 = arith.constant 3 : i32
      %mul3A_42 = arith.constant 400 : i32
      %mul3A_43 = arith.muli %arg1, %mul3A_42 : i32
      %add3A_44 = arith.constant 384 : i32
      %add3A_45 = arith.addi %mul3A_43, %add3A_44 : i32
      "tpu.region"() ({
        %run_scoped3A = tpu.sem_alloc : memref<!tpu.dma_semaphore, #tpu.memory_space<semaphore_mem>>
        %dma_start3A = arith.constant 0 : i32
        %dma_start3A_63 = arith.constant 0 : i32
        %dma_start3A_64 = tpu.memref_slice %arg11[%dma_start3A, %dma_start3A_63] : memref<128x128xf32, #tpu.memory_space<vmem>> -> memref<16x128xf32, #tpu.memory_space<vmem>>
        %dma_start3A_65 = arith.constant 0 : i32
        %dma_start3A_66 = tpu.memref_slice %arg7[%add3A_45, %dma_start3A_65] : memref<6400x128xf32, #tpu.memory_space<vmem_shared>> -> memref<16x128xf32, #tpu.memory_space<vmem_shared>>
        %dma_start3A_67 = arith.constant 0 : i32
        %dma_start3A_68 = tpu.memref_slice %arg7[%add3A_45, %dma_start3A_67] : memref<6400x128xf32, #tpu.memory_space<vmem_shared>> -> memref<16x128xf32, #tpu.memory_space<vmem_shared>>
        %dma_start3A_69 = arith.constant 0 : i32
        %dma_start3A_70 = arith.constant 0 : i32
        %dma_start3A_71 = tpu.memref_slice %arg11[%dma_start3A_69, %dma_start3A_70] : memref<128x128xf32, #tpu.memory_space<vmem>> -> memref<16x128xf32, #tpu.memory_space<vmem>>
        tpu.enqueue_dma source(%dma_start3A_71 : memref<16x128xf32, #tpu.memory_space<vmem>>) target(%dma_start3A_68 : memref<16x128xf32, #tpu.memory_space<vmem_shared>>) target_semaphore(%run_scoped3A : memref<!tpu.dma_semaphore, #tpu.memory_space<semaphore_mem>>)
        %dma_wait3A = arith.constant 0 : i32
        %dma_wait3A_72 = arith.constant 0 : i32
        %dma_wait3A_73 = tpu.memref_slice %arg11[%dma_wait3A, %dma_wait3A_72] : memref<128x128xf32, #tpu.memory_space<vmem>> -> memref<16x128xf32, #tpu.memory_space<vmem>>
        %dma_wait3A_74 = arith.constant 0 : i32
        %dma_wait3A_75 = tpu.memref_slice %arg7[%add3A_45, %dma_wait3A_74] : memref<6400x128xf32, #tpu.memory_space<vmem_shared>> -> memref<16x128xf32, #tpu.memory_space<vmem_shared>>
        %dma_wait3A_76 = arith.constant 0 : i32
        %dma_wait3A_77 = tpu.memref_slice %arg7[%add3A_45, %dma_wait3A_76] : memref<6400x128xf32, #tpu.memory_space<vmem_shared>> -> memref<16x128xf32, #tpu.memory_space<vmem_shared>>
        %dma_wait3A_78 = arith.constant 0 : i32
        %dma_wait3A_79 = arith.constant 0 : i32
        %dma_wait3A_80 = tpu.memref_slice %arg11[%dma_wait3A_78, %dma_wait3A_79] : memref<128x128xf32, #tpu.memory_space<vmem>> -> memref<16x128xf32, #tpu.memory_space<vmem>>
        tpu.wait_dma2 semaphore(%run_scoped3A : memref<!tpu.dma_semaphore, #tpu.memory_space<semaphore_mem>>) src(%dma_wait3A_80 : memref<16x128xf32, #tpu.memory_space<vmem>>) dst(%dma_wait3A_77 : memref<16x128xf32, #tpu.memory_space<vmem_shared>>)
        tpu.yield
      }) : () -> ()
      %barrier3A = arith.constant 0 : index
      tpu.barrier barrier_id(%barrier3A)
      %scan3A_46 = arith.constant 0 : i32
      %scan3A_47 = arith.constant 25 : i32
      %scan3A_48 = arith.addi %scan3A_46, %scan3A_47 : i32
      %scan3A_49 = arith.constant 1 : i32
      scf.for %scan3A_63 = %scan3A_46 to %scan3A_48 step %scan3A_49  : i32 {
        %mul3A_64 = arith.constant 1 : i32
        %mul3A_65 = arith.muli %scan3A_63, %mul3A_64 : i32
        %add3A_66 = arith.constant 0 : i32
        %add3A_67 = arith.addi %add3A_66, %mul3A_65 : i32
        %mul3A_68 = arith.constant 400 : i32
        %mul3A_69 = arith.muli %arg1, %mul3A_68 : i32
        %mul3A_70 = arith.constant 16 : i32
        %mul3A_71 = arith.muli %add3A_67, %mul3A_70 : i32
        %add3A_72 = arith.addi %mul3A_69, %mul3A_71 : i32
        "tpu.region"() ({
          %run_scoped3A = tpu.sem_alloc : memref<!tpu.dma_semaphore, #tpu.memory_space<semaphore_mem>>
          %dma_start3A = arith.constant 0 : i32
          %dma_start3A_78 = tpu.memref_slice %arg3[%add3A_72, %dma_start3A] : memref<6400x128xi32, #tpu.memory_space<hbm>> -> memref<16x128xi32, #tpu.memory_space<hbm>>
          %dma_start3A_79 = arith.constant 0 : i32
          %dma_start3A_80 = tpu.memref_slice %arg3[%add3A_72, %dma_start3A_79] : memref<6400x128xi32, #tpu.memory_space<hbm>> -> memref<16x128xi32, #tpu.memory_space<hbm>>
          tpu.enqueue_dma source(%dma_start3A_80 : memref<16x128xi32, #tpu.memory_space<hbm>>) target(%arg8 : memref<16x128xi32, #tpu.memory_space<vmem>>) target_semaphore(%run_scoped3A : memref<!tpu.dma_semaphore, #tpu.memory_space<semaphore_mem>>)
          %dma_wait3A = arith.constant 0 : i32
          %dma_wait3A_81 = tpu.memref_slice %arg3[%add3A_72, %dma_wait3A] : memref<6400x128xi32, #tpu.memory_space<hbm>> -> memref<16x128xi32, #tpu.memory_space<hbm>>
          %dma_wait3A_82 = arith.constant 0 : i32
          %dma_wait3A_83 = tpu.memref_slice %arg3[%add3A_72, %dma_wait3A_82] : memref<6400x128xi32, #tpu.memory_space<hbm>> -> memref<16x128xi32, #tpu.memory_space<hbm>>
          tpu.wait_dma2 semaphore(%run_scoped3A : memref<!tpu.dma_semaphore, #tpu.memory_space<semaphore_mem>>) src(%dma_wait3A_83 : memref<16x128xi32, #tpu.memory_space<hbm>>) dst(%arg8 : memref<16x128xi32, #tpu.memory_space<vmem>>)
          tpu.yield
        }) : () -> ()
        "tpu.region"() ({
          %run_scoped3A = tpu.sem_alloc : memref<!tpu.dma_semaphore, #tpu.memory_space<semaphore_mem>>
          %dma_start3A = arith.constant 0 : i32
          %dma_start3A_78 = tpu.memref_slice %arg4[%add3A_72, %dma_start3A] : memref<6400x128xi32, #tpu.memory_space<hbm>> -> memref<16x128xi32, #tpu.memory_space<hbm>>
          %dma_start3A_79 = arith.constant 0 : i32
          %dma_start3A_80 = tpu.memref_slice %arg4[%add3A_72, %dma_start3A_79] : memref<6400x128xi32, #tpu.memory_space<hbm>> -> memref<16x128xi32, #tpu.memory_space<hbm>>
          tpu.enqueue_dma source(%dma_start3A_80 : memref<16x128xi32, #tpu.memory_space<hbm>>) target(%arg9 : memref<16x128xi32, #tpu.memory_space<vmem>>) target_semaphore(%run_scoped3A : memref<!tpu.dma_semaphore, #tpu.memory_space<semaphore_mem>>)
          %dma_wait3A = arith.constant 0 : i32
          %dma_wait3A_81 = tpu.memref_slice %arg4[%add3A_72, %dma_wait3A] : memref<6400x128xi32, #tpu.memory_space<hbm>> -> memref<16x128xi32, #tpu.memory_space<hbm>>
          %dma_wait3A_82 = arith.constant 0 : i32
          %dma_wait3A_83 = tpu.memref_slice %arg4[%add3A_72, %dma_wait3A_82] : memref<6400x128xi32, #tpu.memory_space<hbm>> -> memref<16x128xi32, #tpu.memory_space<hbm>>
          tpu.wait_dma2 semaphore(%run_scoped3A : memref<!tpu.dma_semaphore, #tpu.memory_space<semaphore_mem>>) src(%dma_wait3A_83 : memref<16x128xi32, #tpu.memory_space<hbm>>) dst(%arg9 : memref<16x128xi32, #tpu.memory_space<vmem>>)
          tpu.yield
        }) : () -> ()
        %scan3A_73 = arith.constant 0 : i32
        %scan3A_74 = arith.constant 16 : i32
        %scan3A_75 = arith.addi %scan3A_73, %scan3A_74 : i32
        %scan3A_76 = arith.constant 1 : i32
        scf.for %scan3A_78 = %scan3A_73 to %scan3A_75 step %scan3A_76  : i32 {
          %mul3A_79 = arith.constant 1 : i32
          %mul3A_80 = arith.muli %scan3A_78, %mul3A_79 : i32
          %add3A_81 = arith.constant 0 : i32
          %add3A_82 = arith.addi %add3A_81, %mul3A_80 : i32
          %get3A = arith.index_cast %add3A_82 : i32 to index
          %get3A_83 = arith.constant 0 : index
          %get3A_84 = tpu.vector_load %arg9[%get3A, %get3A_83] {strides = array<i32>} : memref<16x128xi32, #tpu.memory_space<vmem>>, vector<1x16xi32>,
          %get3A_85 = vector.shape_cast %get3A_84 : vector<1x16xi32> to vector<16xi32>
          %ge3A = vector.broadcast %mul3A_13 : i32 to vector<16xi32>
          %ge3A_86 = arith.cmpi sge, %get3A_85, %ge3A : vector<16xi32>
          %add3A_87 = arith.constant 6272 : i32
          %add3A_88 = arith.addi %mul3A_13, %add3A_87 : i32
          %lt3A = vector.broadcast %add3A_88 : i32 to vector<16xi32>
          %lt3A_89 = arith.cmpi slt, %get3A_85, %lt3A : vector<16xi32>
          %and3A = arith.andi %ge3A_86, %lt3A_89 : vector<16xi1>
          %mul3A_90 = arith.constant 5 : i32
          %mul3A_91 = vector.broadcast %mul3A_90 : i32 to vector<16xi32>
          %mul3A_92 = arith.muli %iota3A, %mul3A_91 : vector<16xi32>
          %mul3A_93 = arith.constant 8 : i32
          %mul3A_94 = arith.muli %arg1, %mul3A_93 : i32
          %add3A_95 = arith.constant 0 : i32
          %add3A_96 = arith.addi %mul3A_94, %add3A_95 : i32
          %mul3A_97 = arith.constant 7 : i32
          %mul3A_98 = arith.muli %add3A_96, %mul3A_97 : i32
          %add3A_99 = vector.broadcast %mul3A_98 : i32 to vector<16xi32>
          %add3A_100 = arith.addi %mul3A_92, %add3A_99 : vector<16xi32>
          %and3A_101 = arith.constant 127 : i32
          %and3A_102 = vector.broadcast %and3A_101 : i32 to vector<16xi32>
          %and3A_103 = arith.andi %add3A_100, %and3A_102 : vector<16xi32>
          %add3A_104 = arith.constant 6272 : i32
          %add3A_105 = vector.broadcast %add3A_104 : i32 to vector<16xi32>
          %add3A_106 = arith.addi %add3A_105, %and3A_103 : vector<16xi32>
          %sub3A = vector.broadcast %mul3A_13 : i32 to vector<16xi32>
          %sub3A_107 = arith.subi %get3A_85, %sub3A : vector<16xi32>
          %select_n3A = arith.select %and3A, %sub3A_107, %add3A_106 : vector<16xi1>, vector<16xi32>
          %swap3A = arith.index_cast %add3A_82 : i32 to index
          %swap3A_108 = arith.constant 0 : index
          %swap3A_109 = tpu.vector_load %arg10[%swap3A, %swap3A_108] {strides = array<i32>} : memref<16x128xi32, #tpu.memory_space<vmem>>, vector<1x16xi32>,
          %swap3A_110 = vector.shape_cast %swap3A_109 : vector<1x16xi32> to vector<16xi32>
          %swap3A_111 = vector.shape_cast %select_n3A : vector<16xi32> to vector<1x16xi32>
          tpu.vector_store %arg10[%swap3A, %swap3A_108], %swap3A_111 {strides = array<i32>} : memref<16x128xi32, #tpu.memory_space<vmem>>, vector<1x16xi32>,
          %get3A_112 = arith.index_cast %add3A_82 : i32 to index
          %get3A_113 = arith.constant 16 : index
          %get3A_114 = tpu.vector_load %arg9[%get3A_112, %get3A_113] {strides = array<i32>} : memref<16x128xi32, #tpu.memory_space<vmem>>, vector<1x16xi32>,
          %get3A_115 = vector.shape_cast %get3A_114 : vector<1x16xi32> to vector<16xi32>
          %ge3A_116 = vector.broadcast %mul3A_13 : i32 to vector<16xi32>
          %ge3A_117 = arith.cmpi sge, %get3A_115, %ge3A_116 : vector<16xi32>
          %add3A_118 = arith.constant 6272 : i32
          %add3A_119 = arith.addi %mul3A_13, %add3A_118 : i32
          %lt3A_120 = vector.broadcast %add3A_119 : i32 to vector<16xi32>
          %lt3A_121 = arith.cmpi slt, %get3A_115, %lt3A_120 : vector<16xi32>
          %and3A_122 = arith.andi %ge3A_117, %lt3A_121 : vector<16xi1>
          %mul3A_123 = arith.constant 5 : i32
          %mul3A_124 = vector.broadcast %mul3A_123 : i32 to vector<16xi32>
          %mul3A_125 = arith.muli %iota3A, %mul3A_124 : vector<16xi32>
          %mul3A_126 = arith.constant 8 : i32
          %mul3A_127 = arith.muli %arg1, %mul3A_126 : i32
          %add3A_128 = arith.constant 1 : i32
          %add3A_129 = arith.addi %mul3A_127, %add3A_128 : i32
          %mul3A_130 = arith.constant 7 : i32
          %mul3A_131 = arith.muli %add3A_129, %mul3A_130 : i32
          %add3A_132 = vector.broadcast %mul3A_131 : i32 to vector<16xi32>
          %add3A_133 = arith.addi %mul3A_125, %add3A_132 : vector<16xi32>
          %and3A_134 = arith.constant 127 : i32
          %and3A_135 = vector.broadcast %and3A_134 : i32 to vector<16xi32>
          %and3A_136 = arith.andi %add3A_133, %and3A_135 : vector<16xi32>
          %add3A_137 = arith.constant 6272 : i32
          %add3A_138 = vector.broadcast %add3A_137 : i32 to vector<16xi32>
          %add3A_139 = arith.addi %add3A_138, %and3A_136 : vector<16xi32>
          %sub3A_140 = vector.broadcast %mul3A_13 : i32 to vector<16xi32>
          %sub3A_141 = arith.subi %get3A_115, %sub3A_140 : vector<16xi32>
          %select_n3A_142 = arith.select %and3A_122, %sub3A_141, %add3A_139 : vector<16xi1>, vector<16xi32>
          %swap3A_143 = arith.index_cast %add3A_82 : i32 to index
          %swap3A_144 = arith.constant 16 : index
          %swap3A_145 = tpu.vector_load %arg10[%swap3A_143, %swap3A_144] {strides = array<i32>} : memref<16x128xi32, #tpu.memory_space<vmem>>, vector<1x16xi32>,
          %swap3A_146 = vector.shape_cast %swap3A_145 : vector<1x16xi32> to vector<16xi32>
          %swap3A_147 = vector.shape_cast %select_n3A_142 : vector<16xi32> to vector<1x16xi32>
          tpu.vector_store %arg10[%swap3A_143, %swap3A_144], %swap3A_147 {strides = array<i32>} : memref<16x128xi32, #tpu.memory_space<vmem>>, vector<1x16xi32>,
          %get3A_148 = arith.index_cast %add3A_82 : i32 to index
          %get3A_149 = arith.constant 32 : index
          %get3A_150 = tpu.vector_load %arg9[%get3A_148, %get3A_149] {strides = array<i32>} : memref<16x128xi32, #tpu.memory_space<vmem>>, vector<1x16xi32>,
          %get3A_151 = vector.shape_cast %get3A_150 : vector<1x16xi32> to vector<16xi32>
          %ge3A_152 = vector.broadcast %mul3A_13 : i32 to vector<16xi32>
          %ge3A_153 = arith.cmpi sge, %get3A_151, %ge3A_152 : vector<16xi32>
          %add3A_154 = arith.constant 6272 : i32
          %add3A_155 = arith.addi %mul3A_13, %add3A_154 : i32
          %lt3A_156 = vector.broadcast %add3A_155 : i32 to vector<16xi32>
          %lt3A_157 = arith.cmpi slt, %get3A_151, %lt3A_156 : vector<16xi32>
          %and3A_158 = arith.andi %ge3A_153, %lt3A_157 : vector<16xi1>
          %mul3A_159 = arith.constant 5 : i32
          %mul3A_160 = vector.broadcast %mul3A_159 : i32 to vector<16xi32>
          %mul3A_161 = arith.muli %iota3A, %mul3A_160 : vector<16xi32>
          %mul3A_162 = arith.constant 8 : i32
          %mul3A_163 = arith.muli %arg1, %mul3A_162 : i32
          %add3A_164 = arith.constant 2 : i32
          %add3A_165 = arith.addi %mul3A_163, %add3A_164 : i32
          %mul3A_166 = arith.constant 7 : i32
          %mul3A_167 = arith.muli %add3A_165, %mul3A_166 : i32
          %add3A_168 = vector.broadcast %mul3A_167 : i32 to vector<16xi32>
          %add3A_169 = arith.addi %mul3A_161, %add3A_168 : vector<16xi32>
          %and3A_170 = arith.constant 127 : i32
          %and3A_171 = vector.broadcast %and3A_170 : i32 to vector<16xi32>
          %and3A_172 = arith.andi %add3A_169, %and3A_171 : vector<16xi32>
          %add3A_173 = arith.constant 6272 : i32
          %add3A_174 = vector.broadcast %add3A_173 : i32 to vector<16xi32>
          %add3A_175 = arith.addi %add3A_174, %and3A_172 : vector<16xi32>
          %sub3A_176 = vector.broadcast %mul3A_13 : i32 to vector<16xi32>
          %sub3A_177 = arith.subi %get3A_151, %sub3A_176 : vector<16xi32>
          %select_n3A_178 = arith.select %and3A_158, %sub3A_177, %add3A_175 : vector<16xi1>, vector<16xi32>
          %swap3A_179 = arith.index_cast %add3A_82 : i32 to index
          %swap3A_180 = arith.constant 32 : index
          %swap3A_181 = tpu.vector_load %arg10[%swap3A_179, %swap3A_180] {strides = array<i32>} : memref<16x128xi32, #tpu.memory_space<vmem>>, vector<1x16xi32>,
          %swap3A_182 = vector.shape_cast %swap3A_181 : vector<1x16xi32> to vector<16xi32>
          %swap3A_183 = vector.shape_cast %select_n3A_178 : vector<16xi32> to vector<1x16xi32>
          tpu.vector_store %arg10[%swap3A_179, %swap3A_180], %swap3A_183 {strides = array<i32>} : memref<16x128xi32, #tpu.memory_space<vmem>>, vector<1x16xi32>,
          %get3A_184 = arith.index_cast %add3A_82 : i32 to index
          %get3A_185 = arith.constant 48 : index
          %get3A_186 = tpu.vector_load %arg9[%get3A_184, %get3A_185] {strides = array<i32>} : memref<16x128xi32, #tpu.memory_space<vmem>>, vector<1x16xi32>,
          %get3A_187 = vector.shape_cast %get3A_186 : vector<1x16xi32> to vector<16xi32>
          %ge3A_188 = vector.broadcast %mul3A_13 : i32 to vector<16xi32>
          %ge3A_189 = arith.cmpi sge, %get3A_187, %ge3A_188 : vector<16xi32>
          %add3A_190 = arith.constant 6272 : i32
          %add3A_191 = arith.addi %mul3A_13, %add3A_190 : i32
          %lt3A_192 = vector.broadcast %add3A_191 : i32 to vector<16xi32>
          %lt3A_193 = arith.cmpi slt, %get3A_187, %lt3A_192 : vector<16xi32>
          %and3A_194 = arith.andi %ge3A_189, %lt3A_193 : vector<16xi1>
          %mul3A_195 = arith.constant 5 : i32
          %mul3A_196 = vector.broadcast %mul3A_195 : i32 to vector<16xi32>
          %mul3A_197 = arith.muli %iota3A, %mul3A_196 : vector<16xi32>
          %mul3A_198 = arith.constant 8 : i32
          %mul3A_199 = arith.muli %arg1, %mul3A_198 : i32
          %add3A_200 = arith.constant 3 : i32
          %add3A_201 = arith.addi %mul3A_199, %add3A_200 : i32
          %mul3A_202 = arith.constant 7 : i32
          %mul3A_203 = arith.muli %add3A_201, %mul3A_202 : i32
          %add3A_204 = vector.broadcast %mul3A_203 : i32 to vector<16xi32>
          %add3A_205 = arith.addi %mul3A_197, %add3A_204 : vector<16xi32>
          %and3A_206 = arith.constant 127 : i32
          %and3A_207 = vector.broadcast %and3A_206 : i32 to vector<16xi32>
          %and3A_208 = arith.andi %add3A_205, %and3A_207 : vector<16xi32>
          %add3A_209 = arith.constant 6272 : i32
          %add3A_210 = vector.broadcast %add3A_209 : i32 to vector<16xi32>
          %add3A_211 = arith.addi %add3A_210, %and3A_208 : vector<16xi32>
          %sub3A_212 = vector.broadcast %mul3A_13 : i32 to vector<16xi32>
          %sub3A_213 = arith.subi %get3A_187, %sub3A_212 : vector<16xi32>
          %select_n3A_214 = arith.select %and3A_194, %sub3A_213, %add3A_211 : vector<16xi1>, vector<16xi32>
          %swap3A_215 = arith.index_cast %add3A_82 : i32 to index
          %swap3A_216 = arith.constant 48 : index
          %swap3A_217 = tpu.vector_load %arg10[%swap3A_215, %swap3A_216] {strides = array<i32>} : memref<16x128xi32, #tpu.memory_space<vmem>>, vector<1x16xi32>,
          %swap3A_218 = vector.shape_cast %swap3A_217 : vector<1x16xi32> to vector<16xi32>
          %swap3A_219 = vector.shape_cast %select_n3A_214 : vector<16xi32> to vector<1x16xi32>
          tpu.vector_store %arg10[%swap3A_215, %swap3A_216], %swap3A_219 {strides = array<i32>} : memref<16x128xi32, #tpu.memory_space<vmem>>, vector<1x16xi32>,
          %get3A_220 = arith.index_cast %add3A_82 : i32 to index
          %get3A_221 = arith.constant 64 : index
          %get3A_222 = tpu.vector_load %arg9[%get3A_220, %get3A_221] {strides = array<i32>} : memref<16x128xi32, #tpu.memory_space<vmem>>, vector<1x16xi32>,
          %get3A_223 = vector.shape_cast %get3A_222 : vector<1x16xi32> to vector<16xi32>
          %ge3A_224 = vector.broadcast %mul3A_13 : i32 to vector<16xi32>
          %ge3A_225 = arith.cmpi sge, %get3A_223, %ge3A_224 : vector<16xi32>
          %add3A_226 = arith.constant 6272 : i32
          %add3A_227 = arith.addi %mul3A_13, %add3A_226 : i32
          %lt3A_228 = vector.broadcast %add3A_227 : i32 to vector<16xi32>
          %lt3A_229 = arith.cmpi slt, %get3A_223, %lt3A_228 : vector<16xi32>
          %and3A_230 = arith.andi %ge3A_225, %lt3A_229 : vector<16xi1>
          %mul3A_231 = arith.constant 5 : i32
          %mul3A_232 = vector.broadcast %mul3A_231 : i32 to vector<16xi32>
          %mul3A_233 = arith.muli %iota3A, %mul3A_232 : vector<16xi32>
          %mul3A_234 = arith.constant 8 : i32
          %mul3A_235 = arith.muli %arg1, %mul3A_234 : i32
          %add3A_236 = arith.constant 4 : i32
          %add3A_237 = arith.addi %mul3A_235, %add3A_236 : i32
          %mul3A_238 = arith.constant 7 : i32
          %mul3A_239 = arith.muli %add3A_237, %mul3A_238 : i32
          %add3A_240 = vector.broadcast %mul3A_239 : i32 to vector<16xi32>
          %add3A_241 = arith.addi %mul3A_233, %add3A_240 : vector<16xi32>
          %and3A_242 = arith.constant 127 : i32
          %and3A_243 = vector.broadcast %and3A_242 : i32 to vector<16xi32>
          %and3A_244 = arith.andi %add3A_241, %and3A_243 : vector<16xi32>
          %add3A_245 = arith.constant 6272 : i32
          %add3A_246 = vector.broadcast %add3A_245 : i32 to vector<16xi32>
          %add3A_247 = arith.addi %add3A_246, %and3A_244 : vector<16xi32>
          %sub3A_248 = vector.broadcast %mul3A_13 : i32 to vector<16xi32>
          %sub3A_249 = arith.subi %get3A_223, %sub3A_248 : vector<16xi32>
          %select_n3A_250 = arith.select %and3A_230, %sub3A_249, %add3A_247 : vector<16xi1>, vector<16xi32>
          %swap3A_251 = arith.index_cast %add3A_82 : i32 to index
          %swap3A_252 = arith.constant 64 : index
          %swap3A_253 = tpu.vector_load %arg10[%swap3A_251, %swap3A_252] {strides = array<i32>} : memref<16x128xi32, #tpu.memory_space<vmem>>, vector<1x16xi32>,
          %swap3A_254 = vector.shape_cast %swap3A_253 : vector<1x16xi32> to vector<16xi32>
          %swap3A_255 = vector.shape_cast %select_n3A_250 : vector<16xi32> to vector<1x16xi32>
          tpu.vector_store %arg10[%swap3A_251, %swap3A_252], %swap3A_255 {strides = array<i32>} : memref<16x128xi32, #tpu.memory_space<vmem>>, vector<1x16xi32>,
          %get3A_256 = arith.index_cast %add3A_82 : i32 to index
          %get3A_257 = arith.constant 80 : index
          %get3A_258 = tpu.vector_load %arg9[%get3A_256, %get3A_257] {strides = array<i32>} : memref<16x128xi32, #tpu.memory_space<vmem>>, vector<1x16xi32>,
          %get3A_259 = vector.shape_cast %get3A_258 : vector<1x16xi32> to vector<16xi32>
          %ge3A_260 = vector.broadcast %mul3A_13 : i32 to vector<16xi32>
          %ge3A_261 = arith.cmpi sge, %get3A_259, %ge3A_260 : vector<16xi32>
          %add3A_262 = arith.constant 6272 : i32
          %add3A_263 = arith.addi %mul3A_13, %add3A_262 : i32
          %lt3A_264 = vector.broadcast %add3A_263 : i32 to vector<16xi32>
          %lt3A_265 = arith.cmpi slt, %get3A_259, %lt3A_264 : vector<16xi32>
          %and3A_266 = arith.andi %ge3A_261, %lt3A_265 : vector<16xi1>
          %mul3A_267 = arith.constant 5 : i32
          %mul3A_268 = vector.broadcast %mul3A_267 : i32 to vector<16xi32>
          %mul3A_269 = arith.muli %iota3A, %mul3A_268 : vector<16xi32>
          %mul3A_270 = arith.constant 8 : i32
          %mul3A_271 = arith.muli %arg1, %mul3A_270 : i32
          %add3A_272 = arith.constant 5 : i32
          %add3A_273 = arith.addi %mul3A_271, %add3A_272 : i32
          %mul3A_274 = arith.constant 7 : i32
          %mul3A_275 = arith.muli %add3A_273, %mul3A_274 : i32
          %add3A_276 = vector.broadcast %mul3A_275 : i32 to vector<16xi32>
          %add3A_277 = arith.addi %mul3A_269, %add3A_276 : vector<16xi32>
          %and3A_278 = arith.constant 127 : i32
          %and3A_279 = vector.broadcast %and3A_278 : i32 to vector<16xi32>
          %and3A_280 = arith.andi %add3A_277, %and3A_279 : vector<16xi32>
          %add3A_281 = arith.constant 6272 : i32
          %add3A_282 = vector.broadcast %add3A_281 : i32 to vector<16xi32>
          %add3A_283 = arith.addi %add3A_282, %and3A_280 : vector<16xi32>
          %sub3A_284 = vector.broadcast %mul3A_13 : i32 to vector<16xi32>
          %sub3A_285 = arith.subi %get3A_259, %sub3A_284 : vector<16xi32>
          %select_n3A_286 = arith.select %and3A_266, %sub3A_285, %add3A_283 : vector<16xi1>, vector<16xi32>
          %swap3A_287 = arith.index_cast %add3A_82 : i32 to index
          %swap3A_288 = arith.constant 80 : index
          %swap3A_289 = tpu.vector_load %arg10[%swap3A_287, %swap3A_288] {strides = array<i32>} : memref<16x128xi32, #tpu.memory_space<vmem>>, vector<1x16xi32>,
          %swap3A_290 = vector.shape_cast %swap3A_289 : vector<1x16xi32> to vector<16xi32>
          %swap3A_291 = vector.shape_cast %select_n3A_286 : vector<16xi32> to vector<1x16xi32>
          tpu.vector_store %arg10[%swap3A_287, %swap3A_288], %swap3A_291 {strides = array<i32>} : memref<16x128xi32, #tpu.memory_space<vmem>>, vector<1x16xi32>,
          %get3A_292 = arith.index_cast %add3A_82 : i32 to index
          %get3A_293 = arith.constant 96 : index
          %get3A_294 = tpu.vector_load %arg9[%get3A_292, %get3A_293] {strides = array<i32>} : memref<16x128xi32, #tpu.memory_space<vmem>>, vector<1x16xi32>,
          %get3A_295 = vector.shape_cast %get3A_294 : vector<1x16xi32> to vector<16xi32>
          %ge3A_296 = vector.broadcast %mul3A_13 : i32 to vector<16xi32>
          %ge3A_297 = arith.cmpi sge, %get3A_295, %ge3A_296 : vector<16xi32>
          %add3A_298 = arith.constant 6272 : i32
          %add3A_299 = arith.addi %mul3A_13, %add3A_298 : i32
          %lt3A_300 = vector.broadcast %add3A_299 : i32 to vector<16xi32>
          %lt3A_301 = arith.cmpi slt, %get3A_295, %lt3A_300 : vector<16xi32>
          %and3A_302 = arith.andi %ge3A_297, %lt3A_301 : vector<16xi1>
          %mul3A_303 = arith.constant 5 : i32
          %mul3A_304 = vector.broadcast %mul3A_303 : i32 to vector<16xi32>
          %mul3A_305 = arith.muli %iota3A, %mul3A_304 : vector<16xi32>
          %mul3A_306 = arith.constant 8 : i32
          %mul3A_307 = arith.muli %arg1, %mul3A_306 : i32
          %add3A_308 = arith.constant 6 : i32
          %add3A_309 = arith.addi %mul3A_307, %add3A_308 : i32
          %mul3A_310 = arith.constant 7 : i32
          %mul3A_311 = arith.muli %add3A_309, %mul3A_310 : i32
          %add3A_312 = vector.broadcast %mul3A_311 : i32 to vector<16xi32>
          %add3A_313 = arith.addi %mul3A_305, %add3A_312 : vector<16xi32>
          %and3A_314 = arith.constant 127 : i32
          %and3A_315 = vector.broadcast %and3A_314 : i32 to vector<16xi32>
          %and3A_316 = arith.andi %add3A_313, %and3A_315 : vector<16xi32>
          %add3A_317 = arith.constant 6272 : i32
          %add3A_318 = vector.broadcast %add3A_317 : i32 to vector<16xi32>
          %add3A_319 = arith.addi %add3A_318, %and3A_316 : vector<16xi32>
          %sub3A_320 = vector.broadcast %mul3A_13 : i32 to vector<16xi32>
          %sub3A_321 = arith.subi %get3A_295, %sub3A_320 : vector<16xi32>
          %select_n3A_322 = arith.select %and3A_302, %sub3A_321, %add3A_319 : vector<16xi1>, vector<16xi32>
          %swap3A_323 = arith.index_cast %add3A_82 : i32 to index
          %swap3A_324 = arith.constant 96 : index
          %swap3A_325 = tpu.vector_load %arg10[%swap3A_323, %swap3A_324] {strides = array<i32>} : memref<16x128xi32, #tpu.memory_space<vmem>>, vector<1x16xi32>,
          %swap3A_326 = vector.shape_cast %swap3A_325 : vector<1x16xi32> to vector<16xi32>
          %swap3A_327 = vector.shape_cast %select_n3A_322 : vector<16xi32> to vector<1x16xi32>
          tpu.vector_store %arg10[%swap3A_323, %swap3A_324], %swap3A_327 {strides = array<i32>} : memref<16x128xi32, #tpu.memory_space<vmem>>, vector<1x16xi32>,
          %get3A_328 = arith.index_cast %add3A_82 : i32 to index
          %get3A_329 = arith.constant 112 : index
          %get3A_330 = tpu.vector_load %arg9[%get3A_328, %get3A_329] {strides = array<i32>} : memref<16x128xi32, #tpu.memory_space<vmem>>, vector<1x16xi32>,
          %get3A_331 = vector.shape_cast %get3A_330 : vector<1x16xi32> to vector<16xi32>
          %ge3A_332 = vector.broadcast %mul3A_13 : i32 to vector<16xi32>
          %ge3A_333 = arith.cmpi sge, %get3A_331, %ge3A_332 : vector<16xi32>
          %add3A_334 = arith.constant 6272 : i32
          %add3A_335 = arith.addi %mul3A_13, %add3A_334 : i32
          %lt3A_336 = vector.broadcast %add3A_335 : i32 to vector<16xi32>
          %lt3A_337 = arith.cmpi slt, %get3A_331, %lt3A_336 : vector<16xi32>
          %and3A_338 = arith.andi %ge3A_333, %lt3A_337 : vector<16xi1>
          %mul3A_339 = arith.constant 5 : i32
          %mul3A_340 = vector.broadcast %mul3A_339 : i32 to vector<16xi32>
          %mul3A_341 = arith.muli %iota3A, %mul3A_340 : vector<16xi32>
          %mul3A_342 = arith.constant 8 : i32
          %mul3A_343 = arith.muli %arg1, %mul3A_342 : i32
          %add3A_344 = arith.constant 7 : i32
          %add3A_345 = arith.addi %mul3A_343, %add3A_344 : i32
          %mul3A_346 = arith.constant 7 : i32
          %mul3A_347 = arith.muli %add3A_345, %mul3A_346 : i32
          %add3A_348 = vector.broadcast %mul3A_347 : i32 to vector<16xi32>
          %add3A_349 = arith.addi %mul3A_341, %add3A_348 : vector<16xi32>
          %and3A_350 = arith.constant 127 : i32
          %and3A_351 = vector.broadcast %and3A_350 : i32 to vector<16xi32>
          %and3A_352 = arith.andi %add3A_349, %and3A_351 : vector<16xi32>
          %add3A_353 = arith.constant 6272 : i32
          %add3A_354 = vector.broadcast %add3A_353 : i32 to vector<16xi32>
          %add3A_355 = arith.addi %add3A_354, %and3A_352 : vector<16xi32>
          %sub3A_356 = vector.broadcast %mul3A_13 : i32 to vector<16xi32>
          %sub3A_357 = arith.subi %get3A_331, %sub3A_356 : vector<16xi32>
          %select_n3A_358 = arith.select %and3A_338, %sub3A_357, %add3A_355 : vector<16xi1>, vector<16xi32>
          %swap3A_359 = arith.index_cast %add3A_82 : i32 to index
          %swap3A_360 = arith.constant 112 : index
          %swap3A_361 = tpu.vector_load %arg10[%swap3A_359, %swap3A_360] {strides = array<i32>} : memref<16x128xi32, #tpu.memory_space<vmem>>, vector<1x16xi32>,
          %swap3A_362 = vector.shape_cast %swap3A_361 : vector<1x16xi32> to vector<16xi32>
          %swap3A_363 = vector.shape_cast %select_n3A_358 : vector<16xi32> to vector<1x16xi32>
          tpu.vector_store %arg10[%swap3A_359, %swap3A_360], %swap3A_363 {strides = array<i32>} : memref<16x128xi32, #tpu.memory_space<vmem>>, vector<1x16xi32>,
          "tpu.region"() ({
            %run_scoped3A = tpu.sem_alloc : memref<!tpu.dma_semaphore, #tpu.memory_space<semaphore_mem>>
            %dma_start3A = arith.constant 0 : i32
            %dma_start3A_652 = tpu.memref_slice %arg8[%add3A_82, %dma_start3A] : memref<16x128xi32, #tpu.memory_space<vmem>> -> memref<1x128xi32, #tpu.memory_space<vmem>>
            %dma_start3A_653 = tpu.memref_squeeze %dma_start3A_652 : memref<1x128xi32, #tpu.memory_space<vmem>> -> memref<128xi32, #tpu.memory_space<vmem>>
            %dma_start3A_654 = arith.constant 0 : i32
            %dma_start3A_655 = arith.constant 0 : i32
            %dma_start3A_656 = tpu.memref_slice %arg2[%dma_start3A_654, %dma_start3A_655] : memref<50000x128xf32, #tpu.memory_space<hbm>> -> memref<50000x128xf32, #tpu.memory_space<hbm>>
            tpu.enqueue_indirect_dma source(%dma_start3A_656 : memref<50000x128xf32, #tpu.memory_space<hbm>>) target(%arg11 : memref<128x128xf32, #tpu.memory_space<vmem>>) offsets(%dma_start3A_653 : memref<128xi32, #tpu.memory_space<vmem>>) semaphore(%run_scoped3A : memref<!tpu.dma_semaphore, #tpu.memory_space<semaphore_mem>>)
            %dma_wait3A = arith.constant 0 : i32
            %dma_wait3A_657 = tpu.memref_slice %arg8[%add3A_82, %dma_wait3A] : memref<16x128xi32, #tpu.memory_space<vmem>> -> memref<1x128xi32, #tpu.memory_space<vmem>>
            %dma_wait3A_658 = tpu.memref_squeeze %dma_wait3A_657 : memref<1x128xi32, #tpu.memory_space<vmem>> -> memref<128xi32, #tpu.memory_space<vmem>>
            %dma_wait3A_659 = arith.constant 0 : i32
            %dma_wait3A_660 = arith.constant 0 : i32
            %dma_wait3A_661 = tpu.memref_slice %arg2[%dma_wait3A_659, %dma_wait3A_660] : memref<50000x128xf32, #tpu.memory_space<hbm>> -> memref<50000x128xf32, #tpu.memory_space<hbm>>
            tpu.wait_indirect_dma semaphore(%run_scoped3A : memref<!tpu.dma_semaphore, #tpu.memory_space<semaphore_mem>>) src(%dma_wait3A_661 : memref<50000x128xf32, #tpu.memory_space<hbm>>) dst(%arg11 : memref<128x128xf32, #tpu.memory_space<vmem>>)
            tpu.yield
          }) : () -> ()
          "tpu.region"() ({
            %run_scoped3A = tpu.sem_alloc : memref<!tpu.dma_semaphore, #tpu.memory_space<semaphore_mem>>
            %dma_start3A = arith.constant 0 : i32
            %dma_start3A_652 = tpu.memref_slice %arg10[%add3A_82, %dma_start3A] : memref<16x128xi32, #tpu.memory_space<vmem>> -> memref<1x128xi32, #tpu.memory_space<vmem>>
            %dma_start3A_653 = tpu.memref_squeeze %dma_start3A_652 : memref<1x128xi32, #tpu.memory_space<vmem>> -> memref<128xi32, #tpu.memory_space<vmem>>
            %dma_start3A_654 = arith.constant 0 : i32
            %dma_start3A_655 = arith.constant 0 : i32
            %dma_start3A_656 = tpu.memref_slice %arg6[%dma_start3A_654, %dma_start3A_655] : memref<6400x128xf32, #tpu.memory_space<vmem_shared>> -> memref<6400x128xf32, #tpu.memory_space<vmem_shared>>
            tpu.enqueue_indirect_dma source(%arg11 : memref<128x128xf32, #tpu.memory_space<vmem>>) target(%dma_start3A_656 : memref<6400x128xf32, #tpu.memory_space<vmem_shared>>) offsets(%dma_start3A_653 : memref<128xi32, #tpu.memory_space<vmem>>) semaphore(%run_scoped3A : memref<!tpu.dma_semaphore, #tpu.memory_space<semaphore_mem>>) {add = true}
            %dma_wait3A = arith.constant 0 : i32
            %dma_wait3A_657 = tpu.memref_slice %arg10[%add3A_82, %dma_wait3A] : memref<16x128xi32, #tpu.memory_space<vmem>> -> memref<1x128xi32, #tpu.memory_space<vmem>>
            %dma_wait3A_658 = tpu.memref_squeeze %dma_wait3A_657 : memref<1x128xi32, #tpu.memory_space<vmem>> -> memref<128xi32, #tpu.memory_space<vmem>>
            %dma_wait3A_659 = arith.constant 0 : i32
            %dma_wait3A_660 = arith.constant 0 : i32
            %dma_wait3A_661 = tpu.memref_slice %arg6[%dma_wait3A_659, %dma_wait3A_660] : memref<6400x128xf32, #tpu.memory_space<vmem_shared>> -> memref<6400x128xf32, #tpu.memory_space<vmem_shared>>
            tpu.wait_indirect_dma semaphore(%run_scoped3A : memref<!tpu.dma_semaphore, #tpu.memory_space<semaphore_mem>>) src(%arg11 : memref<128x128xf32, #tpu.memory_space<vmem>>) dst(%dma_wait3A_661 : memref<6400x128xf32, #tpu.memory_space<vmem_shared>>)
            tpu.yield
          }) : () -> ()
          %get3A_364 = arith.index_cast %add3A_82 : i32 to index
          %get3A_365 = arith.constant 0 : index
          %get3A_366 = tpu.vector_load %arg9[%get3A_364, %get3A_365] {strides = array<i32>} : memref<16x128xi32, #tpu.memory_space<vmem>>, vector<1x16xi32>,
          %get3A_367 = vector.shape_cast %get3A_366 : vector<1x16xi32> to vector<16xi32>
          %ge3A_368 = vector.broadcast %mul3A_22 : i32 to vector<16xi32>
          %ge3A_369 = arith.cmpi sge, %get3A_367, %ge3A_368 : vector<16xi32>
          %add3A_370 = arith.constant 6272 : i32
          %add3A_371 = arith.addi %mul3A_22, %add3A_370 : i32
          %lt3A_372 = vector.broadcast %add3A_371 : i32 to vector<16xi32>
          %lt3A_373 = arith.cmpi slt, %get3A_367, %lt3A_372 : vector<16xi32>
          %and3A_374 = arith.andi %ge3A_369, %lt3A_373 : vector<16xi1>
          %mul3A_375 = arith.constant 5 : i32
          %mul3A_376 = vector.broadcast %mul3A_375 : i32 to vector<16xi32>
          %mul3A_377 = arith.muli %iota3A, %mul3A_376 : vector<16xi32>
          %mul3A_378 = arith.constant 8 : i32
          %mul3A_379 = arith.muli %arg1, %mul3A_378 : i32
          %add3A_380 = arith.constant 0 : i32
          %add3A_381 = arith.addi %mul3A_379, %add3A_380 : i32
          %mul3A_382 = arith.constant 7 : i32
          %mul3A_383 = arith.muli %add3A_381, %mul3A_382 : i32
          %add3A_384 = vector.broadcast %mul3A_383 : i32 to vector<16xi32>
          %add3A_385 = arith.addi %mul3A_377, %add3A_384 : vector<16xi32>
          %and3A_386 = arith.constant 127 : i32
          %and3A_387 = vector.broadcast %and3A_386 : i32 to vector<16xi32>
          %and3A_388 = arith.andi %add3A_385, %and3A_387 : vector<16xi32>
          %add3A_389 = arith.constant 6272 : i32
          %add3A_390 = vector.broadcast %add3A_389 : i32 to vector<16xi32>
          %add3A_391 = arith.addi %add3A_390, %and3A_388 : vector<16xi32>
          %sub3A_392 = vector.broadcast %mul3A_22 : i32 to vector<16xi32>
          %sub3A_393 = arith.subi %get3A_367, %sub3A_392 : vector<16xi32>
          %select_n3A_394 = arith.select %and3A_374, %sub3A_393, %add3A_391 : vector<16xi1>, vector<16xi32>
          %swap3A_395 = arith.index_cast %add3A_82 : i32 to index
          %swap3A_396 = arith.constant 0 : index
          %swap3A_397 = tpu.vector_load %arg10[%swap3A_395, %swap3A_396] {strides = array<i32>} : memref<16x128xi32, #tpu.memory_space<vmem>>, vector<1x16xi32>,
          %swap3A_398 = vector.shape_cast %swap3A_397 : vector<1x16xi32> to vector<16xi32>
          %swap3A_399 = vector.shape_cast %select_n3A_394 : vector<16xi32> to vector<1x16xi32>
          tpu.vector_store %arg10[%swap3A_395, %swap3A_396], %swap3A_399 {strides = array<i32>} : memref<16x128xi32, #tpu.memory_space<vmem>>, vector<1x16xi32>,
          %get3A_400 = arith.index_cast %add3A_82 : i32 to index
          %get3A_401 = arith.constant 16 : index
          %get3A_402 = tpu.vector_load %arg9[%get3A_400, %get3A_401] {strides = array<i32>} : memref<16x128xi32, #tpu.memory_space<vmem>>, vector<1x16xi32>,
          %get3A_403 = vector.shape_cast %get3A_402 : vector<1x16xi32> to vector<16xi32>
          %ge3A_404 = vector.broadcast %mul3A_22 : i32 to vector<16xi32>
          %ge3A_405 = arith.cmpi sge, %get3A_403, %ge3A_404 : vector<16xi32>
          %add3A_406 = arith.constant 6272 : i32
          %add3A_407 = arith.addi %mul3A_22, %add3A_406 : i32
          %lt3A_408 = vector.broadcast %add3A_407 : i32 to vector<16xi32>
          %lt3A_409 = arith.cmpi slt, %get3A_403, %lt3A_408 : vector<16xi32>
          %and3A_410 = arith.andi %ge3A_405, %lt3A_409 : vector<16xi1>
          %mul3A_411 = arith.constant 5 : i32
          %mul3A_412 = vector.broadcast %mul3A_411 : i32 to vector<16xi32>
          %mul3A_413 = arith.muli %iota3A, %mul3A_412 : vector<16xi32>
          %mul3A_414 = arith.constant 8 : i32
          %mul3A_415 = arith.muli %arg1, %mul3A_414 : i32
          %add3A_416 = arith.constant 1 : i32
          %add3A_417 = arith.addi %mul3A_415, %add3A_416 : i32
          %mul3A_418 = arith.constant 7 : i32
          %mul3A_419 = arith.muli %add3A_417, %mul3A_418 : i32
          %add3A_420 = vector.broadcast %mul3A_419 : i32 to vector<16xi32>
          %add3A_421 = arith.addi %mul3A_413, %add3A_420 : vector<16xi32>
          %and3A_422 = arith.constant 127 : i32
          %and3A_423 = vector.broadcast %and3A_422 : i32 to vector<16xi32>
          %and3A_424 = arith.andi %add3A_421, %and3A_423 : vector<16xi32>
          %add3A_425 = arith.constant 6272 : i32
          %add3A_426 = vector.broadcast %add3A_425 : i32 to vector<16xi32>
          %add3A_427 = arith.addi %add3A_426, %and3A_424 : vector<16xi32>
          %sub3A_428 = vector.broadcast %mul3A_22 : i32 to vector<16xi32>
          %sub3A_429 = arith.subi %get3A_403, %sub3A_428 : vector<16xi32>
          %select_n3A_430 = arith.select %and3A_410, %sub3A_429, %add3A_427 : vector<16xi1>, vector<16xi32>
          %swap3A_431 = arith.index_cast %add3A_82 : i32 to index
          %swap3A_432 = arith.constant 16 : index
          %swap3A_433 = tpu.vector_load %arg10[%swap3A_431, %swap3A_432] {strides = array<i32>} : memref<16x128xi32, #tpu.memory_space<vmem>>, vector<1x16xi32>,
          %swap3A_434 = vector.shape_cast %swap3A_433 : vector<1x16xi32> to vector<16xi32>
          %swap3A_435 = vector.shape_cast %select_n3A_430 : vector<16xi32> to vector<1x16xi32>
          tpu.vector_store %arg10[%swap3A_431, %swap3A_432], %swap3A_435 {strides = array<i32>} : memref<16x128xi32, #tpu.memory_space<vmem>>, vector<1x16xi32>,
          %get3A_436 = arith.index_cast %add3A_82 : i32 to index
          %get3A_437 = arith.constant 32 : index
          %get3A_438 = tpu.vector_load %arg9[%get3A_436, %get3A_437] {strides = array<i32>} : memref<16x128xi32, #tpu.memory_space<vmem>>, vector<1x16xi32>,
          %get3A_439 = vector.shape_cast %get3A_438 : vector<1x16xi32> to vector<16xi32>
          %ge3A_440 = vector.broadcast %mul3A_22 : i32 to vector<16xi32>
          %ge3A_441 = arith.cmpi sge, %get3A_439, %ge3A_440 : vector<16xi32>
          %add3A_442 = arith.constant 6272 : i32
          %add3A_443 = arith.addi %mul3A_22, %add3A_442 : i32
          %lt3A_444 = vector.broadcast %add3A_443 : i32 to vector<16xi32>
          %lt3A_445 = arith.cmpi slt, %get3A_439, %lt3A_444 : vector<16xi32>
          %and3A_446 = arith.andi %ge3A_441, %lt3A_445 : vector<16xi1>
          %mul3A_447 = arith.constant 5 : i32
          %mul3A_448 = vector.broadcast %mul3A_447 : i32 to vector<16xi32>
          %mul3A_449 = arith.muli %iota3A, %mul3A_448 : vector<16xi32>
          %mul3A_450 = arith.constant 8 : i32
          %mul3A_451 = arith.muli %arg1, %mul3A_450 : i32
          %add3A_452 = arith.constant 2 : i32
          %add3A_453 = arith.addi %mul3A_451, %add3A_452 : i32
          %mul3A_454 = arith.constant 7 : i32
          %mul3A_455 = arith.muli %add3A_453, %mul3A_454 : i32
          %add3A_456 = vector.broadcast %mul3A_455 : i32 to vector<16xi32>
          %add3A_457 = arith.addi %mul3A_449, %add3A_456 : vector<16xi32>
          %and3A_458 = arith.constant 127 : i32
          %and3A_459 = vector.broadcast %and3A_458 : i32 to vector<16xi32>
          %and3A_460 = arith.andi %add3A_457, %and3A_459 : vector<16xi32>
          %add3A_461 = arith.constant 6272 : i32
          %add3A_462 = vector.broadcast %add3A_461 : i32 to vector<16xi32>
          %add3A_463 = arith.addi %add3A_462, %and3A_460 : vector<16xi32>
          %sub3A_464 = vector.broadcast %mul3A_22 : i32 to vector<16xi32>
          %sub3A_465 = arith.subi %get3A_439, %sub3A_464 : vector<16xi32>
          %select_n3A_466 = arith.select %and3A_446, %sub3A_465, %add3A_463 : vector<16xi1>, vector<16xi32>
          %swap3A_467 = arith.index_cast %add3A_82 : i32 to index
          %swap3A_468 = arith.constant 32 : index
          %swap3A_469 = tpu.vector_load %arg10[%swap3A_467, %swap3A_468] {strides = array<i32>} : memref<16x128xi32, #tpu.memory_space<vmem>>, vector<1x16xi32>,
          %swap3A_470 = vector.shape_cast %swap3A_469 : vector<1x16xi32> to vector<16xi32>
          %swap3A_471 = vector.shape_cast %select_n3A_466 : vector<16xi32> to vector<1x16xi32>
          tpu.vector_store %arg10[%swap3A_467, %swap3A_468], %swap3A_471 {strides = array<i32>} : memref<16x128xi32, #tpu.memory_space<vmem>>, vector<1x16xi32>,
          %get3A_472 = arith.index_cast %add3A_82 : i32 to index
          %get3A_473 = arith.constant 48 : index
          %get3A_474 = tpu.vector_load %arg9[%get3A_472, %get3A_473] {strides = array<i32>} : memref<16x128xi32, #tpu.memory_space<vmem>>, vector<1x16xi32>,
          %get3A_475 = vector.shape_cast %get3A_474 : vector<1x16xi32> to vector<16xi32>
          %ge3A_476 = vector.broadcast %mul3A_22 : i32 to vector<16xi32>
          %ge3A_477 = arith.cmpi sge, %get3A_475, %ge3A_476 : vector<16xi32>
          %add3A_478 = arith.constant 6272 : i32
          %add3A_479 = arith.addi %mul3A_22, %add3A_478 : i32
          %lt3A_480 = vector.broadcast %add3A_479 : i32 to vector<16xi32>
          %lt3A_481 = arith.cmpi slt, %get3A_475, %lt3A_480 : vector<16xi32>
          %and3A_482 = arith.andi %ge3A_477, %lt3A_481 : vector<16xi1>
          %mul3A_483 = arith.constant 5 : i32
          %mul3A_484 = vector.broadcast %mul3A_483 : i32 to vector<16xi32>
          %mul3A_485 = arith.muli %iota3A, %mul3A_484 : vector<16xi32>
          %mul3A_486 = arith.constant 8 : i32
          %mul3A_487 = arith.muli %arg1, %mul3A_486 : i32
          %add3A_488 = arith.constant 3 : i32
          %add3A_489 = arith.addi %mul3A_487, %add3A_488 : i32
          %mul3A_490 = arith.constant 7 : i32
          %mul3A_491 = arith.muli %add3A_489, %mul3A_490 : i32
          %add3A_492 = vector.broadcast %mul3A_491 : i32 to vector<16xi32>
          %add3A_493 = arith.addi %mul3A_485, %add3A_492 : vector<16xi32>
          %and3A_494 = arith.constant 127 : i32
          %and3A_495 = vector.broadcast %and3A_494 : i32 to vector<16xi32>
          %and3A_496 = arith.andi %add3A_493, %and3A_495 : vector<16xi32>
          %add3A_497 = arith.constant 6272 : i32
          %add3A_498 = vector.broadcast %add3A_497 : i32 to vector<16xi32>
          %add3A_499 = arith.addi %add3A_498, %and3A_496 : vector<16xi32>
          %sub3A_500 = vector.broadcast %mul3A_22 : i32 to vector<16xi32>
          %sub3A_501 = arith.subi %get3A_475, %sub3A_500 : vector<16xi32>
          %select_n3A_502 = arith.select %and3A_482, %sub3A_501, %add3A_499 : vector<16xi1>, vector<16xi32>
          %swap3A_503 = arith.index_cast %add3A_82 : i32 to index
          %swap3A_504 = arith.constant 48 : index
          %swap3A_505 = tpu.vector_load %arg10[%swap3A_503, %swap3A_504] {strides = array<i32>} : memref<16x128xi32, #tpu.memory_space<vmem>>, vector<1x16xi32>,
          %swap3A_506 = vector.shape_cast %swap3A_505 : vector<1x16xi32> to vector<16xi32>
          %swap3A_507 = vector.shape_cast %select_n3A_502 : vector<16xi32> to vector<1x16xi32>
          tpu.vector_store %arg10[%swap3A_503, %swap3A_504], %swap3A_507 {strides = array<i32>} : memref<16x128xi32, #tpu.memory_space<vmem>>, vector<1x16xi32>,
          %get3A_508 = arith.index_cast %add3A_82 : i32 to index
          %get3A_509 = arith.constant 64 : index
          %get3A_510 = tpu.vector_load %arg9[%get3A_508, %get3A_509] {strides = array<i32>} : memref<16x128xi32, #tpu.memory_space<vmem>>, vector<1x16xi32>,
          %get3A_511 = vector.shape_cast %get3A_510 : vector<1x16xi32> to vector<16xi32>
          %ge3A_512 = vector.broadcast %mul3A_22 : i32 to vector<16xi32>
          %ge3A_513 = arith.cmpi sge, %get3A_511, %ge3A_512 : vector<16xi32>
          %add3A_514 = arith.constant 6272 : i32
          %add3A_515 = arith.addi %mul3A_22, %add3A_514 : i32
          %lt3A_516 = vector.broadcast %add3A_515 : i32 to vector<16xi32>
          %lt3A_517 = arith.cmpi slt, %get3A_511, %lt3A_516 : vector<16xi32>
          %and3A_518 = arith.andi %ge3A_513, %lt3A_517 : vector<16xi1>
          %mul3A_519 = arith.constant 5 : i32
          %mul3A_520 = vector.broadcast %mul3A_519 : i32 to vector<16xi32>
          %mul3A_521 = arith.muli %iota3A, %mul3A_520 : vector<16xi32>
          %mul3A_522 = arith.constant 8 : i32
          %mul3A_523 = arith.muli %arg1, %mul3A_522 : i32
          %add3A_524 = arith.constant 4 : i32
          %add3A_525 = arith.addi %mul3A_523, %add3A_524 : i32
          %mul3A_526 = arith.constant 7 : i32
          %mul3A_527 = arith.muli %add3A_525, %mul3A_526 : i32
          %add3A_528 = vector.broadcast %mul3A_527 : i32 to vector<16xi32>
          %add3A_529 = arith.addi %mul3A_521, %add3A_528 : vector<16xi32>
          %and3A_530 = arith.constant 127 : i32
          %and3A_531 = vector.broadcast %and3A_530 : i32 to vector<16xi32>
          %and3A_532 = arith.andi %add3A_529, %and3A_531 : vector<16xi32>
          %add3A_533 = arith.constant 6272 : i32
          %add3A_534 = vector.broadcast %add3A_533 : i32 to vector<16xi32>
          %add3A_535 = arith.addi %add3A_534, %and3A_532 : vector<16xi32>
          %sub3A_536 = vector.broadcast %mul3A_22 : i32 to vector<16xi32>
          %sub3A_537 = arith.subi %get3A_511, %sub3A_536 : vector<16xi32>
          %select_n3A_538 = arith.select %and3A_518, %sub3A_537, %add3A_535 : vector<16xi1>, vector<16xi32>
          %swap3A_539 = arith.index_cast %add3A_82 : i32 to index
          %swap3A_540 = arith.constant 64 : index
          %swap3A_541 = tpu.vector_load %arg10[%swap3A_539, %swap3A_540] {strides = array<i32>} : memref<16x128xi32, #tpu.memory_space<vmem>>, vector<1x16xi32>,
          %swap3A_542 = vector.shape_cast %swap3A_541 : vector<1x16xi32> to vector<16xi32>
          %swap3A_543 = vector.shape_cast %select_n3A_538 : vector<16xi32> to vector<1x16xi32>
          tpu.vector_store %arg10[%swap3A_539, %swap3A_540], %swap3A_543 {strides = array<i32>} : memref<16x128xi32, #tpu.memory_space<vmem>>, vector<1x16xi32>,
          %get3A_544 = arith.index_cast %add3A_82 : i32 to index
          %get3A_545 = arith.constant 80 : index
          %get3A_546 = tpu.vector_load %arg9[%get3A_544, %get3A_545] {strides = array<i32>} : memref<16x128xi32, #tpu.memory_space<vmem>>, vector<1x16xi32>,
          %get3A_547 = vector.shape_cast %get3A_546 : vector<1x16xi32> to vector<16xi32>
          %ge3A_548 = vector.broadcast %mul3A_22 : i32 to vector<16xi32>
          %ge3A_549 = arith.cmpi sge, %get3A_547, %ge3A_548 : vector<16xi32>
          %add3A_550 = arith.constant 6272 : i32
          %add3A_551 = arith.addi %mul3A_22, %add3A_550 : i32
          %lt3A_552 = vector.broadcast %add3A_551 : i32 to vector<16xi32>
          %lt3A_553 = arith.cmpi slt, %get3A_547, %lt3A_552 : vector<16xi32>
          %and3A_554 = arith.andi %ge3A_549, %lt3A_553 : vector<16xi1>
          %mul3A_555 = arith.constant 5 : i32
          %mul3A_556 = vector.broadcast %mul3A_555 : i32 to vector<16xi32>
          %mul3A_557 = arith.muli %iota3A, %mul3A_556 : vector<16xi32>
          %mul3A_558 = arith.constant 8 : i32
          %mul3A_559 = arith.muli %arg1, %mul3A_558 : i32
          %add3A_560 = arith.constant 5 : i32
          %add3A_561 = arith.addi %mul3A_559, %add3A_560 : i32
          %mul3A_562 = arith.constant 7 : i32
          %mul3A_563 = arith.muli %add3A_561, %mul3A_562 : i32
          %add3A_564 = vector.broadcast %mul3A_563 : i32 to vector<16xi32>
          %add3A_565 = arith.addi %mul3A_557, %add3A_564 : vector<16xi32>
          %and3A_566 = arith.constant 127 : i32
          %and3A_567 = vector.broadcast %and3A_566 : i32 to vector<16xi32>
          %and3A_568 = arith.andi %add3A_565, %and3A_567 : vector<16xi32>
          %add3A_569 = arith.constant 6272 : i32
          %add3A_570 = vector.broadcast %add3A_569 : i32 to vector<16xi32>
          %add3A_571 = arith.addi %add3A_570, %and3A_568 : vector<16xi32>
          %sub3A_572 = vector.broadcast %mul3A_22 : i32 to vector<16xi32>
          %sub3A_573 = arith.subi %get3A_547, %sub3A_572 : vector<16xi32>
          %select_n3A_574 = arith.select %and3A_554, %sub3A_573, %add3A_571 : vector<16xi1>, vector<16xi32>
          %swap3A_575 = arith.index_cast %add3A_82 : i32 to index
          %swap3A_576 = arith.constant 80 : index
          %swap3A_577 = tpu.vector_load %arg10[%swap3A_575, %swap3A_576] {strides = array<i32>} : memref<16x128xi32, #tpu.memory_space<vmem>>, vector<1x16xi32>,
          %swap3A_578 = vector.shape_cast %swap3A_577 : vector<1x16xi32> to vector<16xi32>
          %swap3A_579 = vector.shape_cast %select_n3A_574 : vector<16xi32> to vector<1x16xi32>
          tpu.vector_store %arg10[%swap3A_575, %swap3A_576], %swap3A_579 {strides = array<i32>} : memref<16x128xi32, #tpu.memory_space<vmem>>, vector<1x16xi32>,
          %get3A_580 = arith.index_cast %add3A_82 : i32 to index
          %get3A_581 = arith.constant 96 : index
          %get3A_582 = tpu.vector_load %arg9[%get3A_580, %get3A_581] {strides = array<i32>} : memref<16x128xi32, #tpu.memory_space<vmem>>, vector<1x16xi32>,
          %get3A_583 = vector.shape_cast %get3A_582 : vector<1x16xi32> to vector<16xi32>
          %ge3A_584 = vector.broadcast %mul3A_22 : i32 to vector<16xi32>
          %ge3A_585 = arith.cmpi sge, %get3A_583, %ge3A_584 : vector<16xi32>
          %add3A_586 = arith.constant 6272 : i32
          %add3A_587 = arith.addi %mul3A_22, %add3A_586 : i32
          %lt3A_588 = vector.broadcast %add3A_587 : i32 to vector<16xi32>
          %lt3A_589 = arith.cmpi slt, %get3A_583, %lt3A_588 : vector<16xi32>
          %and3A_590 = arith.andi %ge3A_585, %lt3A_589 : vector<16xi1>
          %mul3A_591 = arith.constant 5 : i32
          %mul3A_592 = vector.broadcast %mul3A_591 : i32 to vector<16xi32>
          %mul3A_593 = arith.muli %iota3A, %mul3A_592 : vector<16xi32>
          %mul3A_594 = arith.constant 8 : i32
          %mul3A_595 = arith.muli %arg1, %mul3A_594 : i32
          %add3A_596 = arith.constant 6 : i32
          %add3A_597 = arith.addi %mul3A_595, %add3A_596 : i32
          %mul3A_598 = arith.constant 7 : i32
          %mul3A_599 = arith.muli %add3A_597, %mul3A_598 : i32
          %add3A_600 = vector.broadcast %mul3A_599 : i32 to vector<16xi32>
          %add3A_601 = arith.addi %mul3A_593, %add3A_600 : vector<16xi32>
          %and3A_602 = arith.constant 127 : i32
          %and3A_603 = vector.broadcast %and3A_602 : i32 to vector<16xi32>
          %and3A_604 = arith.andi %add3A_601, %and3A_603 : vector<16xi32>
          %add3A_605 = arith.constant 6272 : i32
          %add3A_606 = vector.broadcast %add3A_605 : i32 to vector<16xi32>
          %add3A_607 = arith.addi %add3A_606, %and3A_604 : vector<16xi32>
          %sub3A_608 = vector.broadcast %mul3A_22 : i32 to vector<16xi32>
          %sub3A_609 = arith.subi %get3A_583, %sub3A_608 : vector<16xi32>
          %select_n3A_610 = arith.select %and3A_590, %sub3A_609, %add3A_607 : vector<16xi1>, vector<16xi32>
          %swap3A_611 = arith.index_cast %add3A_82 : i32 to index
          %swap3A_612 = arith.constant 96 : index
          %swap3A_613 = tpu.vector_load %arg10[%swap3A_611, %swap3A_612] {strides = array<i32>} : memref<16x128xi32, #tpu.memory_space<vmem>>, vector<1x16xi32>,
          %swap3A_614 = vector.shape_cast %swap3A_613 : vector<1x16xi32> to vector<16xi32>
          %swap3A_615 = vector.shape_cast %select_n3A_610 : vector<16xi32> to vector<1x16xi32>
          tpu.vector_store %arg10[%swap3A_611, %swap3A_612], %swap3A_615 {strides = array<i32>} : memref<16x128xi32, #tpu.memory_space<vmem>>, vector<1x16xi32>,
          %get3A_616 = arith.index_cast %add3A_82 : i32 to index
          %get3A_617 = arith.constant 112 : index
          %get3A_618 = tpu.vector_load %arg9[%get3A_616, %get3A_617] {strides = array<i32>} : memref<16x128xi32, #tpu.memory_space<vmem>>, vector<1x16xi32>,
          %get3A_619 = vector.shape_cast %get3A_618 : vector<1x16xi32> to vector<16xi32>
          %ge3A_620 = vector.broadcast %mul3A_22 : i32 to vector<16xi32>
          %ge3A_621 = arith.cmpi sge, %get3A_619, %ge3A_620 : vector<16xi32>
          %add3A_622 = arith.constant 6272 : i32
          %add3A_623 = arith.addi %mul3A_22, %add3A_622 : i32
          %lt3A_624 = vector.broadcast %add3A_623 : i32 to vector<16xi32>
          %lt3A_625 = arith.cmpi slt, %get3A_619, %lt3A_624 : vector<16xi32>
          %and3A_626 = arith.andi %ge3A_621, %lt3A_625 : vector<16xi1>
          %mul3A_627 = arith.constant 5 : i32
          %mul3A_628 = vector.broadcast %mul3A_627 : i32 to vector<16xi32>
          %mul3A_629 = arith.muli %iota3A, %mul3A_628 : vector<16xi32>
          %mul3A_630 = arith.constant 8 : i32
          %mul3A_631 = arith.muli %arg1, %mul3A_630 : i32
          %add3A_632 = arith.constant 7 : i32
          %add3A_633 = arith.addi %mul3A_631, %add3A_632 : i32
          %mul3A_634 = arith.constant 7 : i32
          %mul3A_635 = arith.muli %add3A_633, %mul3A_634 : i32
          %add3A_636 = vector.broadcast %mul3A_635 : i32 to vector<16xi32>
          %add3A_637 = arith.addi %mul3A_629, %add3A_636 : vector<16xi32>
          %and3A_638 = arith.constant 127 : i32
          %and3A_639 = vector.broadcast %and3A_638 : i32 to vector<16xi32>
          %and3A_640 = arith.andi %add3A_637, %and3A_639 : vector<16xi32>
          %add3A_641 = arith.constant 6272 : i32
          %add3A_642 = vector.broadcast %add3A_641 : i32 to vector<16xi32>
          %add3A_643 = arith.addi %add3A_642, %and3A_640 : vector<16xi32>
          %sub3A_644 = vector.broadcast %mul3A_22 : i32 to vector<16xi32>
          %sub3A_645 = arith.subi %get3A_619, %sub3A_644 : vector<16xi32>
          %select_n3A_646 = arith.select %and3A_626, %sub3A_645, %add3A_643 : vector<16xi1>, vector<16xi32>
          %swap3A_647 = arith.index_cast %add3A_82 : i32 to index
          %swap3A_648 = arith.constant 112 : index
          %swap3A_649 = tpu.vector_load %arg10[%swap3A_647, %swap3A_648] {strides = array<i32>} : memref<16x128xi32, #tpu.memory_space<vmem>>, vector<1x16xi32>,
          %swap3A_650 = vector.shape_cast %swap3A_649 : vector<1x16xi32> to vector<16xi32>
          %swap3A_651 = vector.shape_cast %select_n3A_646 : vector<16xi32> to vector<1x16xi32>
          tpu.vector_store %arg10[%swap3A_647, %swap3A_648], %swap3A_651 {strides = array<i32>} : memref<16x128xi32, #tpu.memory_space<vmem>>, vector<1x16xi32>,
          "tpu.region"() ({
            %run_scoped3A = tpu.sem_alloc : memref<!tpu.dma_semaphore, #tpu.memory_space<semaphore_mem>>
            %dma_start3A = arith.constant 0 : i32
            %dma_start3A_652 = tpu.memref_slice %arg10[%add3A_82, %dma_start3A] : memref<16x128xi32, #tpu.memory_space<vmem>> -> memref<1x128xi32, #tpu.memory_space<vmem>>
            %dma_start3A_653 = tpu.memref_squeeze %dma_start3A_652 : memref<1x128xi32, #tpu.memory_space<vmem>> -> memref<128xi32, #tpu.memory_space<vmem>>
            %dma_start3A_654 = arith.constant 0 : i32
            %dma_start3A_655 = arith.constant 0 : i32
            %dma_start3A_656 = tpu.memref_slice %arg7[%dma_start3A_654, %dma_start3A_655] : memref<6400x128xf32, #tpu.memory_space<vmem_shared>> -> memref<6400x128xf32, #tpu.memory_space<vmem_shared>>
            tpu.enqueue_indirect_dma source(%arg11 : memref<128x128xf32, #tpu.memory_space<vmem>>) target(%dma_start3A_656 : memref<6400x128xf32, #tpu.memory_space<vmem_shared>>) offsets(%dma_start3A_653 : memref<128xi32, #tpu.memory_space<vmem>>) semaphore(%run_scoped3A : memref<!tpu.dma_semaphore, #tpu.memory_space<semaphore_mem>>) {add = true}
            %dma_wait3A = arith.constant 0 : i32
            %dma_wait3A_657 = tpu.memref_slice %arg10[%add3A_82, %dma_wait3A] : memref<16x128xi32, #tpu.memory_space<vmem>> -> memref<1x128xi32, #tpu.memory_space<vmem>>
            %dma_wait3A_658 = tpu.memref_squeeze %dma_wait3A_657 : memref<1x128xi32, #tpu.memory_space<vmem>> -> memref<128xi32, #tpu.memory_space<vmem>>
            %dma_wait3A_659 = arith.constant 0 : i32
            %dma_wait3A_660 = arith.constant 0 : i32
            %dma_wait3A_661 = tpu.memref_slice %arg7[%dma_wait3A_659, %dma_wait3A_660] : memref<6400x128xf32, #tpu.memory_space<vmem_shared>> -> memref<6400x128xf32, #tpu.memory_space<vmem_shared>>
            tpu.wait_indirect_dma semaphore(%run_scoped3A : memref<!tpu.dma_semaphore, #tpu.memory_space<semaphore_mem>>) src(%arg11 : memref<128x128xf32, #tpu.memory_space<vmem>>) dst(%dma_wait3A_661 : memref<6400x128xf32, #tpu.memory_space<vmem_shared>>)
            tpu.yield
          }) : () -> ()
        }
        %scan3A_77 = arith.constant 16 : i32
      }
      %scan3A_50 = arith.constant 25 : i32
      %barrier3A_51 = arith.constant 0 : index
      tpu.barrier barrier_id(%barrier3A_51)
      %mul3A_52 = arith.constant 392 : i32
      %mul3A_53 = arith.muli %arg1, %mul3A_52 : i32
      %mul3A_54 = arith.constant 392 : i32
      %mul3A_55 = arith.muli %arg1, %mul3A_54 : i32
      %add3A_56 = arith.addi %mul3A_13, %mul3A_55 : i32
      "tpu.region"() ({
        %run_scoped3A = tpu.sem_alloc : memref<!tpu.dma_semaphore, #tpu.memory_space<semaphore_mem>>
        %dma_start3A = arith.constant 0 : i32
        %dma_start3A_63 = tpu.memref_slice %arg5[%add3A_56, %dma_start3A] : memref<50176x128xf32, #tpu.memory_space<hbm>> -> memref<392x128xf32, #tpu.memory_space<hbm>>
        %dma_start3A_64 = arith.constant 0 : i32
        %dma_start3A_65 = tpu.memref_slice %arg6[%mul3A_53, %dma_start3A_64] : memref<6400x128xf32, #tpu.memory_space<vmem_shared>> -> memref<392x128xf32, #tpu.memory_space<vmem_shared>>
        tpu.enqueue_dma source(%dma_start3A_65 : memref<392x128xf32, #tpu.memory_space<vmem_shared>>) target(%dma_start3A_63 : memref<392x128xf32, #tpu.memory_space<hbm>>) target_semaphore(%run_scoped3A : memref<!tpu.dma_semaphore, #tpu.memory_space<semaphore_mem>>)
        %dma_wait3A = arith.constant 0 : i32
        %dma_wait3A_66 = tpu.memref_slice %arg5[%add3A_56, %dma_wait3A] : memref<50176x128xf32, #tpu.memory_space<hbm>> -> memref<392x128xf32, #tpu.memory_space<hbm>>
        %dma_wait3A_67 = arith.constant 0 : i32
        %dma_wait3A_68 = tpu.memref_slice %arg6[%mul3A_53, %dma_wait3A_67] : memref<6400x128xf32, #tpu.memory_space<vmem_shared>> -> memref<392x128xf32, #tpu.memory_space<vmem_shared>>
        tpu.wait_dma2 semaphore(%run_scoped3A : memref<!tpu.dma_semaphore, #tpu.memory_space<semaphore_mem>>) src(%dma_wait3A_68 : memref<392x128xf32, #tpu.memory_space<vmem_shared>>) dst(%dma_wait3A_66 : memref<392x128xf32, #tpu.memory_space<hbm>>)
        tpu.yield
      }) : () -> ()
      %mul3A_57 = arith.constant 392 : i32
      %mul3A_58 = arith.muli %arg1, %mul3A_57 : i32
      %mul3A_59 = arith.constant 392 : i32
      %mul3A_60 = arith.muli %arg1, %mul3A_59 : i32
      %add3A_61 = arith.addi %mul3A_22, %mul3A_60 : i32
      "tpu.region"() ({
        %run_scoped3A = tpu.sem_alloc : memref<!tpu.dma_semaphore, #tpu.memory_space<semaphore_mem>>
        %dma_start3A = arith.constant 0 : i32
        %dma_start3A_63 = tpu.memref_slice %arg5[%add3A_61, %dma_start3A] : memref<50176x128xf32, #tpu.memory_space<hbm>> -> memref<392x128xf32, #tpu.memory_space<hbm>>
        %dma_start3A_64 = arith.constant 0 : i32
        %dma_start3A_65 = tpu.memref_slice %arg7[%mul3A_58, %dma_start3A_64] : memref<6400x128xf32, #tpu.memory_space<vmem_shared>> -> memref<392x128xf32, #tpu.memory_space<vmem_shared>>
        tpu.enqueue_dma source(%dma_start3A_65 : memref<392x128xf32, #tpu.memory_space<vmem_shared>>) target(%dma_start3A_63 : memref<392x128xf32, #tpu.memory_space<hbm>>) target_semaphore(%run_scoped3A : memref<!tpu.dma_semaphore, #tpu.memory_space<semaphore_mem>>)
        %dma_wait3A = arith.constant 0 : i32
        %dma_wait3A_66 = tpu.memref_slice %arg5[%add3A_61, %dma_wait3A] : memref<50176x128xf32, #tpu.memory_space<hbm>> -> memref<392x128xf32, #tpu.memory_space<hbm>>
        %dma_wait3A_67 = arith.constant 0 : i32
        %dma_wait3A_68 = tpu.memref_slice %arg7[%mul3A_58, %dma_wait3A_67] : memref<6400x128xf32, #tpu.memory_space<vmem_shared>> -> memref<392x128xf32, #tpu.memory_space<vmem_shared>>
        tpu.wait_dma2 semaphore(%run_scoped3A : memref<!tpu.dma_semaphore, #tpu.memory_space<semaphore_mem>>) src(%dma_wait3A_68 : memref<392x128xf32, #tpu.memory_space<vmem_shared>>) dst(%dma_wait3A_66 : memref<392x128xf32, #tpu.memory_space<hbm>>)
        tpu.yield
      }) : () -> ()
      %barrier3A_62 = arith.constant 0 : index
      tpu.barrier barrier_id(%barrier3A_62)
    }
    %scan3A_3 = arith.constant 2 : i32
    return
  }
}

module attributes {stable_mosaic.version = 14 : i64} {
  func.func @_tc1_body(%arg0: i32, %arg1: memref<2000x3xf32, #tpu.memory_space<vmem>>, %arg2: memref<3x128xf32, #tpu.memory_space<vmem>>, %arg3: memref<2000x1xf32, #tpu.memory_space<vmem>>, %arg4: memref<2000x1xf32, #tpu.memory_space<vmem>>, %arg5: memref<2000x128xf32, #tpu.memory_space<vmem>>, %arg6: memref<2000x1xf32, #tpu.memory_space<vmem>>) attributes {dimension_semantics = [#tpu.dimension_semantics<arbitrary>], iteration_bounds = array<i64: 25>, scalar_prefetch = 0 : i64, scratch_operands = 0 : i64, tpu.core_type = #tpu.core_type<tc>, window_params = [{transform_indices = @transform_0, window_bounds = array<i64: 2000, 3>}, {pipeline_mode = #tpu.pipeline_mode<synchronous>, transform_indices = @transform_1, window_bounds = array<i64: 3, 128>}, {transform_indices = @transform_2, window_bounds = array<i64: 2000, 1>}, {transform_indices = @transform_3, window_bounds = array<i64: 2000, 1>}, {transform_indices = @transform_4, window_bounds = array<i64: 2000, 128>}, {transform_indices = @transform_5, window_bounds = array<i64: 2000, 1>}]} {
    %get3A = arith.constant 0 : index
    %get3A_0 = arith.constant 0 : index
    %get3A_1 = vector.load %arg3[%get3A, %get3A_0] : memref<2000x1xf32, #tpu.memory_space<vmem>>, vector<2000x1xf32>
    %get3A_2 = arith.constant 0 : index
    %get3A_3 = arith.constant 0 : index
    %get3A_4 = vector.load %arg4[%get3A_2, %get3A_3] : memref<2000x1xf32, #tpu.memory_space<vmem>>, vector<2000x1xf32>
    %add3A = arith.addf %get3A_1, %get3A_4 : vector<2000x1xf32>
    %add3A_5 = arith.constant 1.000000e+00 : f32
    %add3A_6 = vector.broadcast %add3A_5 : f32 to vector<2000x1xf32>
    %add3A_7 = arith.addf %add3A, %add3A_6 : vector<2000x1xf32>
    %rsqrt3A = math.rsqrt %add3A_7 : vector<2000x1xf32>
    %get3A_8 = arith.constant 0 : index
    %get3A_9 = arith.constant 0 : index
    %get3A_10 = vector.load %arg1[%get3A_8, %get3A_9] : memref<2000x3xf32, #tpu.memory_space<vmem>>, vector<2000x3xf32>
    %get3A_11 = arith.constant 0 : index
    %get3A_12 = arith.constant 0 : index
    %get3A_13 = vector.load %arg2[%get3A_11, %get3A_12] : memref<3x128xf32, #tpu.memory_space<vmem>>, vector<3x128xf32>
    %dot_general3A = arith.constant dense<0.000000e+00> : vector<2000x128xf32>
    %dot_general3A_14 = tpu.matmul %get3A_10, %get3A_13, %dot_general3A {dimension_numbers = #tpu.dot_dimension_numbers<[1], [0], [0], [1], [0, 0, 1, 1], [], []>, transpose_lhs_hint = false} : vector<2000x3xf32>, vector<3x128xf32>, vector<2000x128xf32> -> vector<2000x128xf32>
    %mul3A = vector.broadcast %rsqrt3A : vector<2000x1xf32> to vector<2000x128xf32>
    %mul3A_15 = arith.mulf %dot_general3A_14, %mul3A : vector<2000x128xf32>
    %swap3A = arith.constant 0 : index
    %swap3A_16 = arith.constant 0 : index
    %swap3A_17 = vector.load %arg5[%swap3A, %swap3A_16] : memref<2000x128xf32, #tpu.memory_space<vmem>>, vector<2000x128xf32>
    tpu.vector_store %arg5[%swap3A, %swap3A_16], %mul3A_15 {strides = array<i32>} : memref<2000x128xf32, #tpu.memory_space<vmem>>, vector<2000x128xf32>,
    %swap3A_18 = arith.constant 0 : index
    %swap3A_19 = arith.constant 0 : index
    %swap3A_20 = vector.load %arg6[%swap3A_18, %swap3A_19] : memref<2000x1xf32, #tpu.memory_space<vmem>>, vector<2000x1xf32>
    tpu.vector_store %arg6[%swap3A_18, %swap3A_19], %rsqrt3A {strides = array<i32>} : memref<2000x1xf32, #tpu.memory_space<vmem>>, vector<2000x1xf32>,
    return
  }
  func.func @transform_0(%arg0: i32) -> (i32, i32) {
    %c0_i32 = arith.constant 0 : i32
    %c0_i32_0 = arith.constant 0 : i32
    return %arg0, %c0_i32 : i32, i32
  }
  func.func @transform_1(%arg0: i32) -> (i32, i32) {
    %c0_i32 = arith.constant 0 : i32
    %c0_i32_0 = arith.constant 0 : i32
    %c0_i32_1 = arith.constant 0 : i32
    return %c0_i32, %c0_i32_0 : i32, i32
  }
  func.func @transform_2(%arg0: i32) -> (i32, i32) {
    %c0_i32 = arith.constant 0 : i32
    %c0_i32_0 = arith.constant 0 : i32
    return %arg0, %c0_i32 : i32, i32
  }
  func.func @transform_3(%arg0: i32) -> (i32, i32) {
    %c0_i32 = arith.constant 0 : i32
    %c0_i32_0 = arith.constant 0 : i32
    return %arg0, %c0_i32 : i32, i32
  }
  func.func @transform_4(%arg0: i32) -> (i32, i32) {
    %c0_i32 = arith.constant 0 : i32
    %c0_i32_0 = arith.constant 0 : i32
    return %arg0, %c0_i32 : i32, i32
  }
  func.func @transform_5(%arg0: i32) -> (i32, i32) {
    %c0_i32 = arith.constant 0 : i32
    %c0_i32_0 = arith.constant 0 : i32
    return %arg0, %c0_i32 : i32, i32
  }
}

module attributes {stable_mosaic.version = 14 : i64} {
  func.func @_tc2_body(%arg0: i32, %arg1: memref<2000x128xf32, #tpu.memory_space<vmem>>, %arg2: memref<2000x128xf32, #tpu.memory_space<vmem>>, %arg3: memref<2000x1xf32, #tpu.memory_space<vmem>>, %arg4: memref<1x128xf32, #tpu.memory_space<vmem>>, %arg5: memref<128x128xf32, #tpu.memory_space<vmem>>, %arg6: memref<2000x128xf32, #tpu.memory_space<vmem>>) attributes {dimension_semantics = [#tpu.dimension_semantics<arbitrary>], iteration_bounds = array<i64: 25>, scalar_prefetch = 0 : i64, scratch_operands = 0 : i64, tpu.core_type = #tpu.core_type<tc>, window_params = [{transform_indices = @transform_0, window_bounds = array<i64: 2000, 128>}, {transform_indices = @transform_1, window_bounds = array<i64: 2000, 128>}, {transform_indices = @transform_2, window_bounds = array<i64: 2000, 1>}, {pipeline_mode = #tpu.pipeline_mode<synchronous>, transform_indices = @transform_3, window_bounds = array<i64: 1, 128>}, {pipeline_mode = #tpu.pipeline_mode<synchronous>, transform_indices = @transform_4, window_bounds = array<i64: 128, 128>}, {transform_indices = @transform_5, window_bounds = array<i64: 2000, 128>}]} {
    %get3A = arith.constant 0 : index
    %get3A_0 = arith.constant 0 : index
    %get3A_1 = vector.load %arg1[%get3A, %get3A_0] : memref<2000x128xf32, #tpu.memory_space<vmem>>, vector<2000x128xf32>
    %get3A_2 = arith.constant 0 : index
    %get3A_3 = arith.constant 0 : index
    %get3A_4 = vector.load %arg2[%get3A_2, %get3A_3] : memref<2000x128xf32, #tpu.memory_space<vmem>>, vector<2000x128xf32>
    %add3A = arith.addf %get3A_1, %get3A_4 : vector<2000x128xf32>
    %get3A_5 = arith.constant 0 : index
    %get3A_6 = arith.constant 0 : index
    %get3A_7 = vector.load %arg3[%get3A_5, %get3A_6] : memref<2000x1xf32, #tpu.memory_space<vmem>>, vector<2000x1xf32>
    %mul3A = vector.broadcast %get3A_7 : vector<2000x1xf32> to vector<2000x128xf32>
    %mul3A_8 = arith.mulf %add3A, %mul3A : vector<2000x128xf32>
    %get3A_9 = arith.constant 0 : index
    %get3A_10 = arith.constant 0 : index
    %get3A_11 = vector.load %arg4[%get3A_9, %get3A_10] : memref<1x128xf32, #tpu.memory_space<vmem>>, vector<1x128xf32>
    %add3A_12 = vector.broadcast %get3A_11 : vector<1x128xf32> to vector<2000x128xf32>
    %add3A_13 = arith.addf %mul3A_8, %add3A_12 : vector<2000x128xf32>
    %max3A = arith.constant 0.000000e+00 : f32
    %max3A_14 = vector.broadcast %max3A : f32 to vector<2000x128xf32>
    %max3A_15 = arith.maximumf %add3A_13, %max3A_14 : vector<2000x128xf32>
    %get3A_16 = arith.constant 0 : index
    %get3A_17 = arith.constant 0 : index
    %get3A_18 = vector.load %arg5[%get3A_16, %get3A_17] : memref<128x128xf32, #tpu.memory_space<vmem>>, vector<128x128xf32>
    %dot_general3A = arith.constant dense<0.000000e+00> : vector<2000x128xf32>
    %dot_general3A_19 = tpu.matmul %max3A_15, %get3A_18, %dot_general3A {dimension_numbers = #tpu.dot_dimension_numbers<[1], [0], [0], [1], [0, 0, 1, 1], [], []>, transpose_lhs_hint = false} : vector<2000x128xf32>, vector<128x128xf32>, vector<2000x128xf32> -> vector<2000x128xf32>
    %get3A_20 = arith.constant 0 : index
    %get3A_21 = arith.constant 0 : index
    %get3A_22 = vector.load %arg3[%get3A_20, %get3A_21] : memref<2000x1xf32, #tpu.memory_space<vmem>>, vector<2000x1xf32>
    %mul3A_23 = vector.broadcast %get3A_22 : vector<2000x1xf32> to vector<2000x128xf32>
    %mul3A_24 = arith.mulf %dot_general3A_19, %mul3A_23 : vector<2000x128xf32>
    %swap3A = arith.constant 0 : index
    %swap3A_25 = arith.constant 0 : index
    %swap3A_26 = vector.load %arg6[%swap3A, %swap3A_25] : memref<2000x128xf32, #tpu.memory_space<vmem>>, vector<2000x128xf32>
    tpu.vector_store %arg6[%swap3A, %swap3A_25], %mul3A_24 {strides = array<i32>} : memref<2000x128xf32, #tpu.memory_space<vmem>>, vector<2000x128xf32>,
    return
  }
  func.func @transform_0(%arg0: i32) -> (i32, i32) {
    %c0_i32 = arith.constant 0 : i32
    %c0_i32_0 = arith.constant 0 : i32
    return %arg0, %c0_i32 : i32, i32
  }
  func.func @transform_1(%arg0: i32) -> (i32, i32) {
    %c0_i32 = arith.constant 0 : i32
    %c0_i32_0 = arith.constant 0 : i32
    return %arg0, %c0_i32 : i32, i32
  }
  func.func @transform_2(%arg0: i32) -> (i32, i32) {
    %c0_i32 = arith.constant 0 : i32
    %c0_i32_0 = arith.constant 0 : i32
    return %arg0, %c0_i32 : i32, i32
  }
  func.func @transform_3(%arg0: i32) -> (i32, i32) {
    %c0_i32 = arith.constant 0 : i32
    %c0_i32_0 = arith.constant 0 : i32
    %c0_i32_1 = arith.constant 0 : i32
    return %c0_i32, %c0_i32_0 : i32, i32
  }
  func.func @transform_4(%arg0: i32) -> (i32, i32) {
    %c0_i32 = arith.constant 0 : i32
    %c0_i32_0 = arith.constant 0 : i32
    %c0_i32_1 = arith.constant 0 : i32
    return %c0_i32, %c0_i32_0 : i32, i32
  }
  func.func @transform_5(%arg0: i32) -> (i32, i32) {
    %c0_i32 = arith.constant 0 : i32
    %c0_i32_0 = arith.constant 0 : i32
    return %arg0, %c0_i32 : i32, i32
  }
}

module attributes {stable_mosaic.version = 14 : i64} {
  func.func @_tc3_body(%arg0: i32, %arg1: memref<2000x128xf32, #tpu.memory_space<vmem>>, %arg2: memref<2000x128xf32, #tpu.memory_space<vmem>>, %arg3: memref<2000x1xf32, #tpu.memory_space<vmem>>, %arg4: memref<1x128xf32, #tpu.memory_space<vmem>>, %arg5: memref<128x21xf32, #tpu.memory_space<vmem>>, %arg6: memref<1x21xf32, #tpu.memory_space<vmem>>, %arg7: memref<2000x21xf32, #tpu.memory_space<vmem>>) attributes {dimension_semantics = [#tpu.dimension_semantics<arbitrary>], iteration_bounds = array<i64: 25>, scalar_prefetch = 0 : i64, scratch_operands = 0 : i64, tpu.core_type = #tpu.core_type<tc>, window_params = [{transform_indices = @transform_0, window_bounds = array<i64: 2000, 128>}, {transform_indices = @transform_1, window_bounds = array<i64: 2000, 128>}, {transform_indices = @transform_2, window_bounds = array<i64: 2000, 1>}, {pipeline_mode = #tpu.pipeline_mode<synchronous>, transform_indices = @transform_3, window_bounds = array<i64: 1, 128>}, {pipeline_mode = #tpu.pipeline_mode<synchronous>, transform_indices = @transform_4, window_bounds = array<i64: 128, 21>}, {pipeline_mode = #tpu.pipeline_mode<synchronous>, transform_indices = @transform_5, window_bounds = array<i64: 1, 21>}, {transform_indices = @transform_6, window_bounds = array<i64: 2000, 21>}]} {
    %get3A = arith.constant 0 : index
    %get3A_0 = arith.constant 0 : index
    %get3A_1 = vector.load %arg1[%get3A, %get3A_0] : memref<2000x128xf32, #tpu.memory_space<vmem>>, vector<2000x128xf32>
    %get3A_2 = arith.constant 0 : index
    %get3A_3 = arith.constant 0 : index
    %get3A_4 = vector.load %arg2[%get3A_2, %get3A_3] : memref<2000x128xf32, #tpu.memory_space<vmem>>, vector<2000x128xf32>
    %add3A = arith.addf %get3A_1, %get3A_4 : vector<2000x128xf32>
    %get3A_5 = arith.constant 0 : index
    %get3A_6 = arith.constant 0 : index
    %get3A_7 = vector.load %arg3[%get3A_5, %get3A_6] : memref<2000x1xf32, #tpu.memory_space<vmem>>, vector<2000x1xf32>
    %mul3A = vector.broadcast %get3A_7 : vector<2000x1xf32> to vector<2000x128xf32>
    %mul3A_8 = arith.mulf %add3A, %mul3A : vector<2000x128xf32>
    %get3A_9 = arith.constant 0 : index
    %get3A_10 = arith.constant 0 : index
    %get3A_11 = vector.load %arg4[%get3A_9, %get3A_10] : memref<1x128xf32, #tpu.memory_space<vmem>>, vector<1x128xf32>
    %add3A_12 = vector.broadcast %get3A_11 : vector<1x128xf32> to vector<2000x128xf32>
    %add3A_13 = arith.addf %mul3A_8, %add3A_12 : vector<2000x128xf32>
    %max3A = arith.constant 0.000000e+00 : f32
    %max3A_14 = vector.broadcast %max3A : f32 to vector<2000x128xf32>
    %max3A_15 = arith.maximumf %add3A_13, %max3A_14 : vector<2000x128xf32>
    %get3A_16 = arith.constant 0 : index
    %get3A_17 = arith.constant 0 : index
    %get3A_18 = vector.load %arg5[%get3A_16, %get3A_17] : memref<128x21xf32, #tpu.memory_space<vmem>>, vector<128x21xf32>
    %dot_general3A = arith.constant dense<0.000000e+00> : vector<2000x21xf32>
    %dot_general3A_19 = tpu.matmul %max3A_15, %get3A_18, %dot_general3A {dimension_numbers = #tpu.dot_dimension_numbers<[1], [0], [0], [1], [0, 0, 1, 1], [], []>, transpose_lhs_hint = false} : vector<2000x128xf32>, vector<128x21xf32>, vector<2000x21xf32> -> vector<2000x21xf32>
    %get3A_20 = arith.constant 0 : index
    %get3A_21 = arith.constant 0 : index
    %get3A_22 = vector.load %arg6[%get3A_20, %get3A_21] : memref<1x21xf32, #tpu.memory_space<vmem>>, vector<1x21xf32>
    %add3A_23 = vector.broadcast %get3A_22 : vector<1x21xf32> to vector<2000x21xf32>
    %add3A_24 = arith.addf %dot_general3A_19, %add3A_23 : vector<2000x21xf32>
    %swap3A = arith.constant 0 : index
    %swap3A_25 = arith.constant 0 : index
    %swap3A_26 = vector.load %arg7[%swap3A, %swap3A_25] : memref<2000x21xf32, #tpu.memory_space<vmem>>, vector<2000x21xf32>
    tpu.vector_store %arg7[%swap3A, %swap3A_25], %add3A_24 {strides = array<i32>} : memref<2000x21xf32, #tpu.memory_space<vmem>>, vector<2000x21xf32>,
    return
  }
  func.func @transform_0(%arg0: i32) -> (i32, i32) {
    %c0_i32 = arith.constant 0 : i32
    %c0_i32_0 = arith.constant 0 : i32
    return %arg0, %c0_i32 : i32, i32
  }
  func.func @transform_1(%arg0: i32) -> (i32, i32) {
    %c0_i32 = arith.constant 0 : i32
    %c0_i32_0 = arith.constant 0 : i32
    return %arg0, %c0_i32 : i32, i32
  }
  func.func @transform_2(%arg0: i32) -> (i32, i32) {
    %c0_i32 = arith.constant 0 : i32
    %c0_i32_0 = arith.constant 0 : i32
    return %arg0, %c0_i32 : i32, i32
  }
  func.func @transform_3(%arg0: i32) -> (i32, i32) {
    %c0_i32 = arith.constant 0 : i32
    %c0_i32_0 = arith.constant 0 : i32
    %c0_i32_1 = arith.constant 0 : i32
    return %c0_i32, %c0_i32_0 : i32, i32
  }
  func.func @transform_4(%arg0: i32) -> (i32, i32) {
    %c0_i32 = arith.constant 0 : i32
    %c0_i32_0 = arith.constant 0 : i32
    %c0_i32_1 = arith.constant 0 : i32
    return %c0_i32, %c0_i32_0 : i32, i32
  }
  func.func @transform_5(%arg0: i32) -> (i32, i32) {
    %c0_i32 = arith.constant 0 : i32
    %c0_i32_0 = arith.constant 0 : i32
    %c0_i32_1 = arith.constant 0 : i32
    return %c0_i32, %c0_i32_0 : i32, i32
  }
  func.func @transform_6(%arg0: i32) -> (i32, i32) {
    %c0_i32 = arith.constant 0 : i32
    %c0_i32_0 = arith.constant 0 : i32
    return %arg0, %c0_i32 : i32, i32
  }
}

</mosaic_0001>

<sc_bundles>
// kernel: kernel.11.cloned.1.call-start
scs
__scs_entry_jumppad:
0x0: {  	(pc) =	sbr.rel $0x88, $3  }
0x1: {  	(tag) =	ssettag $0x0;
	lr =	simm.s32 $0x1  }
0x2: {  	[smem:$0x3F99] =	sst lr;
	_ =	strace $0xD0000000  }
0x3: {  	_ = 	snop  }
0x4: {  	_ = 	snop  }
0x5: {  	_ = 	snop  }
0x6: {  	_ = 	snop  }
0x7: {  	_ = 	snop  }
__scs_overlays_trampoline_lowered:
0x8: {  	[smem:$0x3FA8] =	sst s0  }
0x9: {  	[smem:$0x3FA9] =	sst s1  }
0xa: {  	[smem:$0x3FAA] =	sst s2  }
0xb: {  	[smem:$0x3FAB] =	sst s3  }
0xc: {  	[smem:$0x3FAC] =	sst s4  }
0xd: {  	[smem:$0x3FAD] =	sst s5  }
0xe: {  	[smem:$0x3FAE] =	sst s6  }
0xf: {  	[smem:$0x3FAF] =	sst s7  }
0x10: {  	[smem:$0x3FB0] =	sst s8  }
0x11: {  	[smem:$0x3FB1] =	sst s9;
	s0 =	simm.s32 @!p0 $0x0  }
0x12: {  	s1 =	sld [smem:$0x3F97];
	s0 =	simm.s32 @p0 $0x1  }
0x13: {  	[smem:$0x3FB2] =	sst s0;
	s0 =	simm.s32 @!p1 $0x0  }
0x14: {  	s2 =	sld [smem:$0x3F96];
	s0 =	simm.s32 @p1 $0x1  }
0x15: {  	[smem:$0x3FB3] =	sst s0;
	s0 =	simm.s32 @!p2 $0x0  }
0x16: {  	s3 =	sld [smem:$0x3FDB];
	s0 =	simm.s32 @p2 $0x1  }
0x17: {  	s4 =	simm.s32 $0x1BF5;
	[smem:$0x3FB5] =	sst s0  }
0x18: {  	s0 =	sld [smem:$0x3F98];
	_ =	swait.ge [sflag:s4], $0x0  }
0x19: {  	s7 =	sld [smem:$0x3F99]  }
0x1a: {  	s8 =	sadd.s32 $0xFFFFE003, lr  }
0x1b: {  	s9 =	sadd.s32 $0xFFFFFEF7, lr;
	s5 =	simm.s32 $0xFFFFFFFF;
	p2 =	slt.u32 s8, $0xFFFFF086  }
0x1c: {  	p1 =	slt.u32 s9, $0xF7A;
	s5 =	simm.s32 @!p2 $0x0  }
0x1d: {  	s5 =	simm.s32 @p1 $0x1;
	p0 =	seq.s32 s7, s2  }
0x1e: {  	s7 =	smul.u32 @!p0 $0xF7A, s2;
	p2 =	seq.s32 @!p0 s5, $0x0  }
0x1f: {  	s9 =	smul.u32 $0xF7A, s1;
	s8 =	simm.s32 @!p0 $0x1BF5;
	p2 =	por !p2, p0  }
0x20: {  	[sflag:s8] =	ssyncset.s32 @!p0 $0xFFFFF086;
	s6 =	sadd.s32 @!p0 s3, s7;
	s7 =	simm.s32 @!p0 $0x108  }
0x21: {  	s3 =	sadd.s32 s3, s9;
	s6 =	sadd.s32 @!p0 $0x88, s6;
	s7 =	simm.s32 @p2 $0x1082  }
0x22: {  	[simem:s7], [sflag:s8] =	dma.local @!p0 [hbm:s6], $0xF7A  }
0x23: {  	s9 =	sor.u32 $0xD0000000, s2;
	s6 =	simm.s32 $0x108;
	_ =	swait.ge @!p0 [sflag:s8], $0x0  }
0x24: {  	s3 =	sadd.s32 $0x88, s3;
	s6 =	simm.s32 @!p1 $0x1082;
	[sflag:s4] =	ssyncset.s32 $0xFFFFF086  }
0x25: {  	[simem:s6], [sflag:s4] =	dma.local [hbm:s3], $0xF7A  }
0x26: {  	[smem:$0x3F99] =	sst s1;
	(tag) =	ssettag s2;
	_ =	strace s9  }
0x27: {  	s1 =	sld [smem:$0x3FA9]  }
0x28: {  	s2 =	sld [smem:$0x3FAA]  }
0x29: {  	s4 =	sld [smem:$0x3FAC]  }
0x2a: {  	p0 =	seq.s32 s5, $0x0;
	s5 =	sld [smem:$0x3FAD]  }
0x2b: {  	s6 =	sld [smem:$0x3FAE]  }
0x2c: {  	s7 =	sld [smem:$0x3FAF]  }
0x2d: {  	s3 =	simm.s32 $0x108;
	s8 =	sld [smem:$0x3FB0]  }
0x2e: {  	s3 =	simm.s32 @!p0 $0x1082;
	s9 =	sld [smem:$0x3FB1]  }
0x2f: {  	lr =	sadd.s32 s0, s3;
	s0 =	sld [smem:$0x3FA8]  }
0x30: {  	s3 =	sld [smem:$0x3FAB]  }
0x31: {  	[smem:$0x3FB4] =	sst s10  }
0x32: {  	s10 =	sld [smem:$0x3FB2];
	_ =	sdelay $0x3  }
0x33: {  	p0 =	seq.s32 s10, $0x1;
	s10 =	sld [smem:$0x3FB4];
	_ =	sdelay $0x3  }
0x34: {  	[smem:$0x3FB4] =	sst s10  }
0x35: {  	s10 =	sld [smem:$0x3FB3];
	_ =	sdelay $0x3  }
0x36: {  	p1 =	seq.s32 s10, $0x1;
	s10 =	sld [smem:$0x3FB4];
	_ =	sdelay $0x3  }
0x37: {  	[smem:$0x3FB4] =	sst s10  }
0x38: {  	s10 =	sld [smem:$0x3FB5]  }
0x39: {  	_ = 	snop;
	(pc) =	sbr.ind lr, $3  }
0x3a: {  	_ = 	snop  }
0x3b: {  	_ = 	snop  }
0x3c: {  	p2 =	seq.s32 s10, $0x1;
	s10 =	sld [smem:$0x3FB4]  }
0x3d: {  	_ =	shalt  }
0x3e: {  	_ =	shalt  }
0x3f: {  	_ =	shalt  }
0x40: {  	_ =	shalt  }
0x41: {  	_ =	shalt  }
0x42: {  	_ =	shalt  }
0x43: {  	_ =	shalt  }
0x44: {  	_ =	shalt  }
0x45: {  	_ =	shalt  }
0x46: {  	_ =	shalt  }
0x47: {  	_ =	shalt  }
0x48: {  	_ =	shalt  }
0x49: {  	_ =	shalt  }
0x4a: {  	_ =	shalt  }
0x4b: {  	_ =	shalt  }
0x4c: {  	_ =	shalt  }
0x4d: {  	_ =	shalt  }
0x4e: {  	_ =	shalt  }
0x4f: {  	_ =	shalt  }
0x50: {  	_ =	shalt  }
0x51: {  	_ =	shalt  }
0x52: {  	_ =	shalt  }
0x53: {  	_ =	shalt  }
0x54: {  	_ =	shalt  }
0x55: {  	_ =	shalt  }
0x56: {  	_ =	shalt  }
0x57: {  	_ =	shalt  }
0x58: {  	_ =	shalt  }
0x59: {  	_ =	shalt  }
0x5a: {  	_ =	shalt  }
0x5b: {  	_ =	shalt  }
0x5c: {  	_ =	shalt  }
0x5d: {  	_ =	shalt  }
0x5e: {  	_ =	shalt  }
0x5f: {  	_ =	shalt  }
0x60: {  	_ =	shalt  }
0x61: {  	_ =	shalt  }
0x62: {  	_ =	shalt  }
0x63: {  	_ =	shalt  }
0x64: {  	_ =	shalt  }
0x65: {  	_ =	shalt  }
0x66: {  	_ =	shalt  }
0x67: {  	_ =	shalt  }
0x68: {  	_ =	shalt  }
0x69: {  	_ =	shalt  }
0x6a: {  	_ =	shalt  }
0x6b: {  	_ =	shalt  }
0x6c: {  	_ =	shalt  }
0x6d: {  	_ =	shalt  }
0x6e: {  	_ =	shalt  }
0x6f: {  	_ =	shalt  }
0x70: {  	_ =	shalt  }
0x71: {  	_ =	shalt  }
0x72: {  	_ =	shalt  }
0x73: {  	_ =	shalt  }
0x74: {  	_ =	shalt  }
0x75: {  	_ =	shalt  }
0x76: {  	_ =	shalt  }
0x77: {  	_ =	shalt  }
0x78: {  	_ =	shalt  }
0x79: {  	_ =	shalt  }
0x7a: {  	_ =	shalt  }
0x7b: {  	_ =	shalt  }
0x7c: {  	_ =	shalt  }
0x7d: {  	_ =	shalt  }
0x7e: {  	_ =	shalt  }
0x7f: {  	_ =	shalt  }
0x80: {  	_ =	shalt  }
0x81: {  	_ =	shalt  }
0x82: {  	_ =	shalt  }
0x83: {  	_ =	shalt  }
0x84: {  	_ =	shalt  }
0x85: {  	_ =	shalt  }
0x86: {  	_ =	shalt  }
0x87: {  	_ =	shalt  }
.Lfunc_end0:
.L_simem_size_0:
called_computation.1_lowered:
.L_overlay_start_0:
0x88: {  	s2 =	sld [smem:$0x3FD9]  }
0x89: {  	s3 =	sld [smem:$0x3FFE];
	_ =	sdelay $0x1  }
0x8a: {  	s1 =	srdreg.scid  }
0x8b: {  	s0 =	sand.u32 $0x1, s1  }
0x8c: {  	s17 =	sshll.u32 s0, $0xA;
	s2 =	sadd.s32 s3, s2  }
0x8d: {  	s2 =	sadd.s32 s2, s17  }
0x8e: {  	[smem:$0x3FC0] =	sst s2  }
0x8f: {  	_ = 	snop  }
0x90: {  	s2 =	sld [smem:$0x3FD0];
	(tm) =	ssettm $0x1  }
0x91: {  	s18 =	sld [smem:$0x3FFB];
	_ =	sdelay $0x3  }
0x92: {  	_ =	strace s18  }
0x93: {  	s3 =	sld [smem:$0x3FFC];
	_ =	sdelay $0x3  }
0x94: {  	_ =	strace s3  }
0x95: {  	s3 =	sld [smem:$0x3FFD];
	_ =	sdelay $0x3  }
0x96: {  	_ =	strace s3  }
0x97: {  	_ =	strace $0x8FFFFFFF  }
0x98: {  	s19 =	sld [smem:$0x3FDB];
	_ =	sdelay $0x1  }
0x99: {  	s4 =	simm.s32 $_scs_section_size  }
0x9a: {  	s5 =	simm.s32 $_size__tile_overlayer_lowered;
	s6 =	simm.s32 $_tile_overlayer_lowered  }
0x9b: {  	s22 =	simm.s32 $0x1BFF;
	s21 =	sshll.u32 s6, $0x1;
	s3 =	sadd.s32 s4, s19  }
0x9c: {  	s7 =	simm.s32 $0x0;
	s20 =	sshll.u32 s5, $0x1;
	s5 =	sadd.s32 s21, s3  }
0x9d: {  	[timem:s7], [sflag:s22] =	dma.local [hbm:s5], s20  }
0x9e: {  	_ =	swait.ge [sflag:s22], s20  }
0x9f: {  	s4 =	ssub.s32 $0x0, s20;
	[sflag:s22] =	ssyncset.done $0x0  }
0xa0: {  	[sflag:s22] =	ssyncadd.s32 s4;
	_ =	sdelay $0x1  }
0xa1: {  	s23 =	simm.s32 $0x1B8B  }
0xa2: {  	_ =	swait.ge [sflag:s23], $0x1  }
0xa3: {  	[sflag:s23] =	ssyncset.done $0x0  }
0xa4: {  	s25 =	simm.s32 $0x1B8E;
	s24 =	sld [smem:$0x3FFE];
	[sflag:s23] =	ssyncadd.s32 $0xFFFFFFFF  }
0xa5: {  	s26 =	simm.s32 $execute0_lowered;
	[smem:$0x3FD2] =	sst s25  }
0xa6: {  	s5 =	sshll.u32 s26, $0x1;
	_ =	strace $0x80000049;
	[dreg:$0x1] =	wrdreg $0xFFFFFFFF  }
0xa7: {  	s28 =	simm.s32 $_size_execute0_lowered;
	s3 =	sadd.s32 s3, s5;
	[dreg:$0x0] =	wrdreg $0x0  }
0xa8: {  	s5 =	sshll.u32 s28, $0x1;
	[dreg:$0x2] =	wrdreg s3  }
0xa9: {  	[dreg:$0x3] =	wrdreg s5  }
0xaa: {  	[dreg:$0x4] =	wrdreg $0xC0  }
0xab: {  	_ =	task [dreg:s7], $0x5FFFF  }
0xac: {  	[dreg:$0x1] =	wrdreg $0xFFFFFFFF  }
0xad: {  	[dreg:$0x0] =	wrdreg $0x60  }
0xae: {  	[dreg:$0x2] =	wrdreg s24  }
0xaf: {  	[dreg:$0x3] =	wrdreg s2  }
0xb0: {  	[dreg:$0x4] =	wrdreg $0x0  }
0xb1: {  	[dreg:$0x5] =	wrdreg $0xC8000  }
0xb2: {  	[dreg:$0x6] =	wrdreg $0x9  }
0xb3: {  	_ =	task.clear_ibuf [dreg:s7], $0x7FFFF;
	_ =	strace $0x90000049  }
0xb4: {  	s29 =	simm.s32 $0x9;
	_ =	strace $0x8000004B  }
0xb5: {  	_ =	swait.ge [sflag:s29], $0x1  }
0xb6: {  	[sflag:s29] =	ssyncadd.s32 $0xFFFFFFFF  }
0xb7: {  	_ =	strace $0x9000004B  }
0xb8: {  	_ =	sfence  }
0xb9: {  	s30 =	sld [smem:$0x0];
	_ =	sdelay $0x2  }
0xba: {  	s31 =	sshll.u32 s1, $0xD;
	s1 =	sshrl.u32 s1, $0x2  }
0xbb: {  	s3 =	sand.u32 $0x4000, s31;
	s1 =	sadd.s32 s1, s30  }
0xbc: {  	s0 =	sor.u32 s3, s0;
	s1 =	sshll.u32 s1, $0x11  }
0xbd: {  	s0 =	sor.u32 s1, s0  }
0xbe: {  	s0 =	sadd.s32 $0x8F2B, s0  }
0xbf: {  	[sflag:s0] =	ssyncadd.remote.s32 $0x1  }
0xc0: {  	_ =	sfence.sel $0xFFFF  }
0xc1: {  	[dreg:$0x0] =	wrdreg $0xFFFFFFFF;
	(pc) =	sbr.abs _section_cstart, $3  }
0xc2: {  	[dreg:$0x1] =	wrdreg $0xFFFFFFFF  }
0xc3: {  	_ =	task.clear_ibuf [dreg:s7], $0x2FFFF;
	_ =	strace $0x9FFFFFFF  }
0xc4: {  	(tm) =	ssettm $0x7FFFFFFF  }
0xc5: {  	_ =	shalt  }
tec
execute0_lowered:
.L_overlay_start_1:
0x0: {  	(tag) =	ssettag $0x1  }
0x1: {  	s0 =	rddreg [dreg:$0x0]  }
0x2: {  	s1 =	rddreg [dreg:$0x1]  }
0x3: {  	s2 =	rddreg [dreg:$0x2]  }
0x4: {  	s4 =	rddreg [dreg:$0x3]  }
0x5: {  	s29 =	simm.s32 $0x0;
	s3 =	srdreg.scid;
	s17 =	stileid.u32  }
0x6: {  	s28 =	simm.s32 $0x80;
	s31 =	simm.s32 $0x0;
	s5 =	smul.u32 $0x32000, s17  }
0x7: {  	[smem:$0x7FF] =	sst s29;
	s3 =	sand.u32 $0x1, s3;
	s6 =	smul.u32 $0xC800, s17  }
0x8: {  	s7 =	sadd.s32 $0x267C00, s0;
	s15 =	smul.u32 $0x38, s17;
	s8 =	sadd.s32 $0x1800, s0  }
0x9: {  	v0 =	vlaneseq.u32;
	s9 =	sadd.s32 $0x1A800, s0;
	s25 =	smul.u32 $0xC400, s17;
	s10 =	ssub.s32 $0x2, s3  }
0xa: {  	v5 =	vmul.u32 $0x5, v0;
	_ =	strace $0x8000004A;
	s3 =	sshll.u32 s3, $0x2;
	s11 =	sshrl.u32 s10, $0x1  }
0xb: {  	s5 =	sshrl.u32 s5, $0x2;
	s21 =	sadd.s32 $0xC000, s6;
	s13 =	sor.u32 $0x7, s15  }
0xc: {  	[dreg:$0x6] =	wrdreg s3;
	v0 =	vadd.s32 s15, v5;
	s22 =	sadd.s32 $0xE, s15;
	s23 =	sadd.s32 $0x15, s15  }
0xd: {  	s24 =	sadd.s32 $0x1C, s15;
	s26 =	sadd.s32 $0x23, s15;
	s30 =	sadd.s32 $0x2A, s15;
	v1 =	vadd.s32 s13, v5;
	v0 =	vand.u32 $0x7F, v0;
	v2 =	vadd.s32 s22, v5  }
0xe: {  	s16 =	sadd.s32 $0x31, s15;
	s15 =	smul.u32 $0x188, s17;
	s20 =	ssub.s32 s10, s11;
	v3 =	vadd.s32 s23, v5;
	v4 =	vadd.s32 s24, v5;
	v6 =	vadd.s32 s26, v5  }
0xf: {  	s11 =	sadd.s32 s5, s2;
	s12 =	sadd.s32 s21, s2;
	s13 =	sadd.s32 s5, s4;
	v7 =	vadd.s32 s30, v5;
	v8 =	vadd.s32 s16, v5;
	v1 =	vand.u32 $0x7F, v1  }
0x10: {  	s14 =	sadd.s32 s21, s4;
	s24 =	sadd.s32 s25, s2;
	s10 =	sadd.s32 s25, s4;
	v0 =	vor.u32 $0x1880, v0;
	v2 =	vand.u32 $0x7F, v2;
	v3 =	vand.u32 $0x7F, v3  }
0x11: {  	s21 =	simm.s32 $0x1A800;
	s22 =	simm.s32 $0x1;
	s23 =	simm.s32 $0x19000;
	v4 =	vand.u32 $0x7F, v4;
	v6 =	vand.u32 $0x7F, v6;
	v1 =	vor.u32 $0x1880, v1  }
0x12: {  	s26 =	simm.s32 $0x19800;
	s0 =	smax.u32 s20, $0x1;
	s17 =	sadd.s32 $0x4000, s11;
	v2 =	vor.u32 $0x1880, v2;
	v3 =	vor.u32 $0x1880, v3;
	v4 =	vor.u32 $0x1880, v4  }
0x13: {  	s18 =	sadd.s32 $0x8000, s11;
	s19 =	sadd.s32 $0x4000, s13;
	s20 =	sadd.s32 $0x8000, s13;
	v5 =	vor.u32 $0x1880, v6;
	v6 =	vand.u32 $0x7F, v7;
	v7 =	vand.u32 $0x7F, v8  }
0x14: {  	s24 =	sshrl.u32 s24, $0x3;
	s25 =	sshrl.u32 s10, $0x3;
	[dreg:$0x7] =	wrdreg s0;
	v8 =	vimm.f32 $0.0e+00;
	v6 =	vor.u32 $0x1880, v6;
	v7 =	vor.u32 $0x1880, v7  }
.LBB2_1:
0x15: {  	[dreg:$0x5] =	wrdreg s29;
	p1 =	por $0x1, $0x1;
	s0 =	simm.s32 $0x0  }
.LBB2_2:
0x16: {  	p0 =	por p1, p1;
	s3 =	simm.s32 $0x0;
	s5 =	simm.s32 $0x200  }
.LBB2_3:
0x17: {  	p1 =	sne.s32 s5, $0xFE00;
	[tilespmem:s3+$0x1A870] =	vst v8  }
0x18: {  	[tilespmem:s3+$0x1A800] =	vst v8  }
0x19: {  	[tilespmem:s3+$0x1A810] =	vst v8  }
.Ltmp0:
0x1a: {  	[tilespmem:s3+$0x1A820] =	vst v8;
	(pc) =	sbr.rel @p1 .LBB2_3-.Ltmp0, $4  }
0x1b: {  	[tilespmem:s3+$0x1A830] =	vst v8  }
0x1c: {  	[tilespmem:s3+$0x1A840] =	vst v8  }
0x1d: {  	[tilespmem:s3+$0x1A850] =	vst v8  }
0x1e: {  	[tilespmem:s3+$0x1A860] =	vst v8;
	s3 =	sshra.s32 s5, $0x2;
	s5 =	sadd.s32 $0x200, s5  }
0x1f: {  	[tilespmem:s3+$0x1A870] =	vst v8  }
0x20: {  	[tilespmem:s3+$0x1A800] =	vst v8  }
0x21: {  	[tilespmem:s3+$0x1A810] =	vst v8  }
0x22: {  	[tilespmem:s3+$0x1A820] =	vst v8  }
0x23: {  	[tilespmem:s3+$0x1A830] =	vst v8  }
0x24: {  	[tilespmem:s3+$0x1A840] =	vst v8  }
0x25: {  	[tilespmem:s3+$0x1A850] =	vst v8  }
0x26: {  	[tilespmem:s3+$0x1A860] =	vst v8  }
0x27: {  	[spmem:s11] =	stream.linear.scatter [tilespmem:s21], [sflag:$0x1], $0x4000, $0x38;
	[tilespmem:$0x1E800] =	vst v63  }
0x28: {  	_ =	swait.ge [sflag:s22], $0x4000  }
0x29: {  	[sflag:s22] =	ssyncset.done $0x0  }
0x2a: {  	[sflag:s22] =	ssyncadd.s32 $0xFFFFC000  }
0x2b: {  	[spmem:s17] =	stream.linear.scatter [tilespmem:s21], [sflag:$0x1], $0x4000, $0x38;
	[tilespmem:$0x1E800] =	vst v63  }
0x2c: {  	_ =	swait.ge [sflag:s22], $0x4000  }
0x2d: {  	[sflag:s22] =	ssyncset.done $0x0  }
0x2e: {  	[sflag:s22] =	ssyncadd.s32 $0xFFFFC000  }
0x2f: {  	[spmem:s18] =	stream.linear.scatter [tilespmem:s21], [sflag:$0x1], $0x4000, $0x38;
	[tilespmem:$0x1E800] =	vst v63  }
0x30: {  	_ =	swait.ge [sflag:s22], $0x4000  }
0x31: {  	[sflag:s22] =	ssyncset.done $0x0  }
0x32: {  	[sflag:s22] =	ssyncadd.s32 $0xFFFFC000  }
0x33: {  	[spmem:s12] =	stream.linear.scatter [tilespmem:s21], [sflag:$0x1], $0x800, $0x38;
	[tilespmem:$0x1E800] =	vst v63  }
0x34: {  	_ =	swait.ge [sflag:s22], $0x800  }
0x35: {  	[sflag:s22] =	ssyncset.done $0x0  }
0x36: {  	[sflag:s22] =	ssyncadd.s32 $0xFFFFF800  }
0x37: {  	[spmem:s13] =	stream.linear.scatter [tilespmem:s21], [sflag:$0x1], $0x4000, $0x38;
	[tilespmem:$0x1E800] =	vst v63  }
0x38: {  	_ =	swait.ge [sflag:s22], $0x4000  }
0x39: {  	[sflag:s22] =	ssyncset.done $0x0  }
0x3a: {  	[sflag:s22] =	ssyncadd.s32 $0xFFFFC000  }
0x3b: {  	[spmem:s19] =	stream.linear.scatter [tilespmem:s21], [sflag:$0x1], $0x4000, $0x38;
	[tilespmem:$0x1E800] =	vst v63  }
0x3c: {  	_ =	swait.ge [sflag:s22], $0x4000  }
0x3d: {  	[sflag:s22] =	ssyncset.done $0x0  }
0x3e: {  	[sflag:s22] =	ssyncadd.s32 $0xFFFFC000  }
0x3f: {  	[spmem:s20] =	stream.linear.scatter [tilespmem:s21], [sflag:$0x1], $0x4000, $0x38;
	[tilespmem:$0x1E800] =	vst v63  }
0x40: {  	_ =	swait.ge [sflag:s22], $0x4000  }
0x41: {  	[sflag:s22] =	ssyncset.done $0x0;
	s16 =	rddreg [dreg:$0x6]  }
0x42: {  	[sflag:s22] =	ssyncadd.s32 $0xFFFFC000;
	s0 =	sor.u32 s16, s0  }
0x43: {  	[spmem:s14] =	stream.linear.scatter [tilespmem:s21], [sflag:$0x1], $0x800, $0x38;
	[tilespmem:$0x1E800] =	vst v63  }
0x44: {  	s30 =	smul.u32 $0x1880, s0;
	_ =	swait.ge [sflag:s22], $0x800  }
0x45: {  	[sflag:s22] =	ssyncset.done $0x0  }
0x46: {  	s29 =	sadd.s32 $0x1880, s30;
	s0 =	sadd.s32 $0x3100, s30;
	[sflag:s22] =	ssyncadd.s32 $0xFFFFF800  }
0x47: {  	v9 =	vmov s30;
	v10 =	vmov s29;
	v11 =	vmov s0;
	s0 =	simm.s32 $0x0;
	[bflag:$0x0] =	sbarrier.arrive $0xFFFF  }
.LBB2_5:
0x48: {  	s3 =	sshll.u32 s0, $0xB  }
0x49: {  	s3 =	sadd.s32 s6, s3  }
0x4a: {  	s3 =	sshrl.u32 s3, $0x3  }
0x4b: {  	s5 =	sadd.s32 s8, s3  }
0x4c: {  	[tilespmem:s23], [sflag:$0x1] =	stream.linear.gather [hbm4b:s5+s31], $0x800, $0x38;
	[tilespmem:$0x1E800] =	vst v63  }
0x4d: {  	_ =	swait.ge [sflag:s22], $0x800  }
0x4e: {  	[sflag:s22] =	ssyncset.done $0x0  }
0x4f: {  	s3 =	sadd.s32 s1, s3;
	[sflag:s22] =	ssyncadd.s32 $0xFFFFF800  }
0x50: {  	[tilespmem:s26], [sflag:$0x1] =	stream.linear.gather [hbm4b:s3+s31], $0x800, $0x38;
	[tilespmem:$0x1E800] =	vst v63  }
0x51: {  	_ =	swait.ge [sflag:s22], $0x800  }
0x52: {  	[sflag:s22] =	ssyncset.done $0x0  }
0x53: {  	s16 =	simm.s32 $0x0;
	[sflag:s22] =	ssyncadd.s32 $0xFFFFF800  }
0x54: {  	v12 =	vld [tilespmem:s16+$0x19810]  }
0x55: {  	v15 =	vld [tilespmem:s16+$0x19830]  }
0x56: {  	v19 =	vld [tilespmem:s16+$0x19860]  }
0x57: {  	v17 =	vld [tilespmem:s16+$0x19820];
	_ =	sdelay $0x1  }
0x58: {  	v20 =	vld [tilespmem:s16+$0x19870];
	_ =	sdelay $0x1  }
0x59: {  	vm4 =	vlt.s32 v12, v10;
	v16 =	vsub.s32 v12, v9;
	vm2 =	vlt.s32 v15, v10  }
0x5a: {  	v14 =	vld [tilespmem:s16+$0x19840];
	vm5 =	vge.s32 v12, v9;
	v12 =	vsub.s32 v17, v9;
	vm3 =	vge.s32 v19, v9  }
0x5b: {  	v18 =	vsub.s32 v15, v9;
	vm0 =	vlt.s32 v17, v10;
	vm1 =	vge.s32 v17, v9;
	v17 =	vld [tilespmem:s16+$0x19800]  }
0x5c: {  	vm6 =	vge.s32 v20, v9;
	v13 =	vsub.s32 v20, v9;
	vm7 =	vge.s32 v15, v9  }
0x5d: {  	vm8 =	vlt.s32 v19, v10;
	vm9 =	vlt.s32 v20, v10;
	v19 =	vsub.s32 v19, v9  }
0x5e: {  	v15 =	vld [tilespmem:s16+$0x19850];
	vm8 =	vmand vm3, vm8;
	vm3 =	vmand vm7, vm2;
	vm2 =	vmand vm6, vm9  }
0x5f: {  	s5 =	simm.s32 $0x200;
	vm5 =	vmand vm5, vm4;
	vm4 =	vlt.s32 v14, v10;
	v19 =	vsel vm8, v19, v6  }
.LBB2_6:
0x60: {  	p1 =	sne.s32 s5, $0x1E00;
	vm6 =	vge.s32 v17, v9;
	vm7 =	vlt.s32 v17, v10;
	v16 =	vsel vm5, v16, v1;
	s3 =	smov.u32 s5;
	s5 =	sadd.s32 $0x200, s5  }
0x61: {  	vm5 =	vmand vm6, vm7;
	[tilespmem:s16+$0x1A010] =	vst v16;
	v16 =	vsel vm3, v18, v3;
	vm3 =	vge.s32 v14, v9  }
0x62: {  	v17 =	vsub.s32 v17, v9;
	v14 =	vsub.s32 v14, v9;
	[tilespmem:s16+$0x1A030] =	vst v16;
	vm3 =	vmand vm3, vm4  }
0x63: {  	v16 =	vsub.s32 v15, v9;
	v14 =	vsel vm3, v14, v4;
	vm3 =	vlt.s32 v15, v10;
	[tilespmem:s16+$0x1A060] =	vst v19  }
0x64: {  	v13 =	vsel vm2, v13, v7;
	v17 =	vsel vm5, v17, v0;
	vm4 =	vge.s32 v15, v9;
	[tilespmem:s16+$0x1A040] =	vst v14  }
0x65: {  	vm0 =	vmand vm1, vm0;
	vm1 =	vmand vm4, vm3;
	[tilespmem:s16+$0x1A070] =	vst v13  }
0x66: {  	v12 =	vsel vm0, v12, v2;
	v13 =	vsel vm1, v16, v5;
	[tilespmem:s16+$0x1A000] =	vst v17  }
0x67: {  	[tilespmem:s16+$0x1A020] =	vst v12  }
0x68: {  	s10 =	sadd.s32 $0x19000, s16;
	[tilespmem:s16+$0x1A050] =	vst v13  }
0x69: {  	[tilespmem:s21], [sflag:$0x1] =	stream.indirect.gather [hbm4b:s7+s28], $0x80, s10, s28, $0xb8;
	[tilespmem:$0x1E800] =	vst v63  }
0x6a: {  	_ =	swait.ge [sflag:s22], $0x4000  }
0x6b: {  	[sflag:s22] =	ssyncset.done $0x0  }
0x6c: {  	s10 =	sadd.s32 $0x1A000, s16;
	[sflag:s22] =	ssyncadd.s32 $0xFFFFC000  }
0x6d: {  	[spmem:s2] =	stream.indirect.scatter.add.f32 [tilespmem:s21], [sflag:$0x1], $0x80, s10, s28, $0xb8;
	[tilespmem:$0x1E800] =	vst v63  }
0x6e: {  	_ =	swait.ge [sflag:s22], $0x4000  }
0x6f: {  	[sflag:s22] =	ssyncset.done $0x0  }
0x70: {  	[sflag:s22] =	ssyncadd.s32 $0xFFFFC000  }
0x71: {  	v12 =	vld [tilespmem:s16+$0x19800]  }
0x72: {  	v13 =	vld [tilespmem:s16+$0x19810]  }
0x73: {  	v14 =	vld [tilespmem:s16+$0x19820]  }
0x74: {  	v15 =	vld [tilespmem:s16+$0x19830]  }
0x75: {  	v16 =	vld [tilespmem:s16+$0x19840]  }
0x76: {  	vm0 =	vge.s32 v12, v10;
	vm1 =	vlt.s32 v12, v11;
	v12 =	vsub.s32 v12, v10;
	v17 =	vld [tilespmem:s16+$0x19860]  }
0x77: {  	vm2 =	vge.s32 v13, v10;
	vm3 =	vlt.s32 v13, v11;
	v13 =	vsub.s32 v13, v10;
	v18 =	vld [tilespmem:s16+$0x19870]  }
0x78: {  	vm2 =	vmand vm2, vm3;
	vm3 =	vge.s32 v14, v10;
	vm4 =	vlt.s32 v14, v11  }
0x79: {  	vm5 =	vge.s32 v15, v10;
	vm6 =	vlt.s32 v15, v11;
	v15 =	vsub.s32 v15, v10  }
0x7a: {  	vm5 =	vmand vm5, vm6;
	vm6 =	vge.s32 v16, v10;
	vm7 =	vlt.s32 v16, v11  }
0x7b: {  	v16 =	vsub.s32 v16, v10;
	v15 =	vsel vm5, v15, v3;
	vm5 =	vmand vm6, vm7  }
0x7c: {  	v14 =	vsub.s32 v14, v10;
	vm3 =	vmand vm3, vm4;
	[tilespmem:s16+$0x1A030] =	vst v15;
	v15 =	vsel vm5, v16, v4  }
0x7d: {  	v13 =	vsel vm2, v13, v1;
	v14 =	vsel vm3, v14, v2;
	vm2 =	vge.s32 v18, v10;
	[tilespmem:s16+$0x1A040] =	vst v15;
	v15 =	vld [tilespmem:s16+$0x19850]  }
0x7e: {  	vm0 =	vmand vm0, vm1;
	vm1 =	vge.s32 v17, v10;
	vm3 =	vlt.s32 v17, v11;
	[tilespmem:s16+$0x1A020] =	vst v14  }
0x7f: {  	vm1 =	vmand vm1, vm3;
	vm3 =	vlt.s32 v18, v11;
	[tilespmem:s16+$0x1A010] =	vst v13;
	v13 =	vsub.s32 v17, v10  }
0x80: {  	v14 =	vsub.s32 v18, v10;
	v13 =	vsel vm1, v13, v6;
	vm1 =	vmand vm2, vm3  }
0x81: {  	v12 =	vsel vm0, v12, v0;
	[tilespmem:s16+$0x1A060] =	vst v13;
	v13 =	vsel vm1, v14, v7  }
0x82: {  	vm0 =	vge.s32 v15, v10;
	vm1 =	vlt.s32 v15, v11;
	[tilespmem:s16+$0x1A070] =	vst v13  }
0x83: {  	[tilespmem:s16+$0x1A000] =	vst v12;
	vm0 =	vmand vm0, vm1;
	v12 =	vsub.s32 v15, v10  }
0x84: {  	v12 =	vsel vm0, v12, v5  }
0x85: {  	[tilespmem:s16+$0x1A050] =	vst v12  }
0x86: {  	[spmem:s4] =	stream.indirect.scatter.add.f32 [tilespmem:s21], [sflag:$0x1], $0x80, s10, s28, $0xb8;
	[tilespmem:$0x1E800] =	vst v63  }
0x87: {  	_ =	swait.ge [sflag:s22], $0x4000  }
0x88: {  	[sflag:s22] =	ssyncset.done $0x0  }
0x89: {  	s16 =	sshra.s32 s3, $0x2;
	[sflag:s22] =	ssyncadd.s32 $0xFFFFC000  }
0x8a: {  	v12 =	vld [tilespmem:s16+$0x19810]  }
0x8b: {  	v15 =	vld [tilespmem:s16+$0x19830]  }
0x8c: {  	v19 =	vld [tilespmem:s16+$0x19860]  }
0x8d: {  	v20 =	vld [tilespmem:s16+$0x19820]  }
0x8e: {  	v21 =	vld [tilespmem:s16+$0x19870];
	_ =	sdelay $0x2  }
0x8f: {  	vm4 =	vlt.s32 v12, v10;
	v16 =	vsub.s32 v12, v9;
	vm2 =	vlt.s32 v15, v10  }
0x90: {  	vm5 =	vge.s32 v12, v9;
	vm3 =	vge.s32 v19, v9;
	v12 =	vsub.s32 v20, v9;
	v14 =	vld [tilespmem:s16+$0x19840]  }
.Ltmp1:
0x91: {  	v18 =	vsub.s32 v15, v9;
	v17 =	vld [tilespmem:s16+$0x19800];
	vm6 =	vge.s32 v21, v9;
	v13 =	vsub.s32 v21, v9;
	(pc) =	sbr.rel @p1 .LBB2_6-.Ltmp1, $4  }
0x92: {  	vm7 =	vge.s32 v15, v9;
	vm8 =	vlt.s32 v19, v10;
	vm0 =	vlt.s32 v20, v10  }
0x93: {  	vm1 =	vge.s32 v20, v9;
	vm8 =	vmand vm3, vm8;
	vm9 =	vlt.s32 v21, v10;
	v15 =	vld [tilespmem:s16+$0x19850]  }
0x94: {  	v19 =	vsub.s32 v19, v9;
	vm3 =	vmand vm7, vm2;
	vm2 =	vmand vm6, vm9  }
0x95: {  	vm5 =	vmand vm5, vm4;
	v19 =	vsel vm8, v19, v6;
	vm4 =	vlt.s32 v14, v10  }
0x96: {  	v16 =	vsel vm5, v16, v1;
	vm12 =	vge.s32 v17, v9;
	v43 =	vsel vm3, v18, v3;
	[tilespmem:s16+$0x1A060] =	vst v19  }
0x97: {  	vm13 =	vge.s32 v14, v9;
	vm6 =	vlt.s32 v17, v10;
	v44 =	vsub.s32 v14, v9;
	[tilespmem:s16+$0x1A010] =	vst v16  }
0x98: {  	v45 =	vsub.s32 v17, v9;
	v13 =	vsel vm2, v13, v7;
	vm0 =	vmand vm1, vm0;
	[tilespmem:s16+$0x1A030] =	vst v43  }
0x99: {  	vm3 =	vmand vm13, vm4;
	vm14 =	vmand vm12, vm6;
	[tilespmem:s16+$0x1A070] =	vst v13;
	v12 =	vsel vm0, v12, v2  }
0x9a: {  	v14 =	vsel vm3, v44, v4;
	vm15 =	vlt.s32 v15, v10;
	vm5 =	vge.s32 v15, v9;
	[tilespmem:s16+$0x1A020] =	vst v12  }
0x9b: {  	v46 =	vsel vm14, v45, v0;
	v47 =	vsub.s32 v15, v9;
	[tilespmem:s16+$0x1A040] =	vst v14;
	vm6 =	vmand vm5, vm15  }
0x9c: {  	[tilespmem:s16+$0x1A000] =	vst v46;
	v13 =	vsel vm6, v47, v5  }
0x9d: {  	s3 =	sadd.s32 $0x19000, s16;
	[tilespmem:s16+$0x1A050] =	vst v13  }
0x9e: {  	[tilespmem:s21], [sflag:$0x1] =	stream.indirect.gather [hbm4b:s7+s28], $0x80, s3, s28, $0xb8;
	[tilespmem:$0x1E800] =	vst v63  }
0x9f: {  	_ =	swait.ge [sflag:s22], $0x4000  }
0xa0: {  	[sflag:s22] =	ssyncset.done $0x0  }
0xa1: {  	s10 =	sadd.s32 $0x1A000, s16;
	[sflag:s22] =	ssyncadd.s32 $0xFFFFC000  }
0xa2: {  	[spmem:s2] =	stream.indirect.scatter.add.f32 [tilespmem:s21], [sflag:$0x1], $0x80, s10, s28, $0xb8;
	[tilespmem:$0x1E800] =	vst v63  }
0xa3: {  	_ =	swait.ge [sflag:s22], $0x4000  }
0xa4: {  	[sflag:s22] =	ssyncset.done $0x0  }
0xa5: {  	[sflag:s22] =	ssyncadd.s32 $0xFFFFC000  }
0xa6: {  	v48 =	vld [tilespmem:s16+$0x19800]  }
0xa7: {  	v49 =	vld [tilespmem:s16+$0x19830]  }
0xa8: {  	v50 =	vld [tilespmem:s16+$0x19840]  }
0xa9: {  	v51 =	vld [tilespmem:s16+$0x19810]  }
0xaa: {  	v52 =	vld [tilespmem:s16+$0x19820]  }
0xab: {  	v53 =	vld [tilespmem:s16+$0x19870]  }
0xac: {  	v54 =	vld [tilespmem:s16+$0x19860];
	vm0 =	vge.s32 v48, v10;
	vm1 =	vlt.s32 v48, v11;
	v12 =	vsub.s32 v48, v10  }
0xad: {  	vm7 =	vge.s32 v49, v10;
	vm8 =	vlt.s32 v49, v11;
	v13 =	vsub.s32 v49, v10  }
0xae: {  	vm9 =	vge.s32 v50, v10;
	vm10 =	vlt.s32 v50, v11;
	v14 =	vsub.s32 v50, v10  }
0xaf: {  	vm12 =	vge.s32 v51, v10;
	vm13 =	vlt.s32 v51, v11;
	v56 =	vsub.s32 v51, v10  }
0xb0: {  	v58 =	vld [tilespmem:s16+$0x19850];
	vm14 =	vge.s32 v52, v10;
	vm15 =	vlt.s32 v52, v11;
	v57 =	vsub.s32 v52, v10  }
0xb1: {  	v59 =	vsub.s32 v54, v10;
	v60 =	vsub.s32 v53, v10;
	vm2 =	vmand vm7, vm8  }
0xb2: {  	vm11 =	vmand vm9, vm10;
	vm3 =	vmand vm12, vm13;
	v13 =	vsel vm2, v13, v3  }
0xb3: {  	vm8 =	vge.s32 v53, v10;
	vm0 =	vmand vm0, vm1;
	v55 =	vsel vm11, v14, v4;
	[tilespmem:s16+$0x1A030] =	vst v13  }
0xb4: {  	vm9 =	vge.s32 v54, v10;
	vm10 =	vlt.s32 v54, v11;
	v14 =	vsel vm3, v56, v1;
	[tilespmem:s16+$0x1A040] =	vst v55  }
0xb5: {  	vm13 =	vge.s32 v58, v10;
	vm2 =	vmand vm14, vm15;
	v12 =	vsel vm0, v12, v0;
	[tilespmem:s16+$0x1A010] =	vst v14  }
0xb6: {  	vm1 =	vmand vm9, vm10;
	vm11 =	vlt.s32 v53, v11;
	v13 =	vsel vm2, v57, v2;
	[tilespmem:s16+$0x1A000] =	vst v12  }
0xb7: {  	vm14 =	vlt.s32 v58, v11;
	vm12 =	vmand vm8, vm11;
	[tilespmem:s16+$0x1A020] =	vst v13;
	v13 =	vsel vm1, v59, v6  }
0xb8: {  	s0 =	sadd.s32 $0x1, s0;
	v62 =	vsub.s32 v58, v10;
	vm15 =	vmand vm13, vm14;
	v61 =	vsel vm12, v60, v7;
	[tilespmem:s16+$0x1A060] =	vst v13  }
0xb9: {  	p1 =	sne.s32 s0, $0x19;
	v63 =	vsel vm15, v62, v5;
	[tilespmem:s16+$0x1A070] =	vst v61  }
.Ltmp2:
0xba: {  	[tilespmem:s16+$0x1A050] =	vst v63;
	(pc) =	sbr.rel @p1 .LBB2_5-.Ltmp2, $4  }
0xbb: {  	[spmem:s4] =	stream.indirect.scatter.add.f32 [tilespmem:s21], [sflag:$0x1], $0x80, s10, s28, $0xb8;
	[tilespmem:$0x1E800] =	vst v63  }
0xbc: {  	_ =	swait.ge [sflag:s22], $0x4000  }
0xbd: {  	[sflag:s22] =	ssyncset.done $0x0  }
0xbe: {  	[sflag:s22] =	ssyncadd.s32 $0xFFFFC000  }
0xbf: {  	s0 =	sadd.s32 s15, s30;
	s3 =	stileid.u32  }
0xc0: {  	s0 =	sshll.u32 s0, $0x4;
	s3 =	sshll.u32 s3, $0x6  }
0xc1: {  	[bflag:$0x0] =	sbarrier.arrive $0xFFFF;
	s0 =	sadd.s32 s9, s0;
	s3 =	sor.u32 $0x1C01, s3  }
0xc2: {  	[hbm:s0], [sflag:s3] =	dma.local [spmem:s24], $0x1880  }
0xc3: {  	s30 =	sadd.s32 s15, s29;
	_ =	swait.ge [sflag:s22], $0x1880  }
0xc4: {  	s0 =	sshll.u32 s30, $0x4;
	[sflag:s22] =	ssyncset.done $0x0  }
0xc5: {  	s0 =	sadd.s32 s9, s0;
	[sflag:s22] =	ssyncadd.s32 $0xFFFFE780  }
0xc6: {  	[hbm:s0], [sflag:s3] =	dma.local [spmem:s25], $0x1880  }
.Ltmp3:
0xc7: {  	_ =	swait.ge [sflag:s22], $0x1880;
	(pc) =	sbr.rel @p0 .LBB2_2-.Ltmp3, $4  }
0xc8: {  	[sflag:s22] =	ssyncset.done $0x0  }
0xc9: {  	[sflag:s22] =	ssyncadd.s32 $0xFFFFE780  }
0xca: {  	[bflag:$0x0] =	sbarrier.arrive $0xFFFF  }
0xcb: {  	p1 =	por $0x0, $0x0;
	s0 =	simm.s32 $0x2  }
0xcc: {  	s29 =	rddreg [dreg:$0x5]  }
0xcd: {  	s0 =	rddreg [dreg:$0x7];
	s29 =	sadd.s32 $0x1, s29  }
0xce: {  	p0 =	sne.s32 s29, s0  }
.Ltmp4:
0xcf: {  	_ = 	snop;
	(pc) =	sbr.rel @p0 .LBB2_1-.Ltmp4, $1  }
0xd0: {  	_ =	sdelay $0x3  }
0xd1: {  	_ =	sfence.sel $0x180000  }
0xd2: {  	[bflag:$0x0] =	sbarrier.arrive $0xFFFF  }
0xd3: {  	_ =	strace $0x9000004A  }
0xd4: {  	s0 =	stileid.u32;
	[bflag:$0x2] =	sbarrier.arrive $0xFFFF  }
0xd5: {  	p0 =	sne.s32 s0, $0x0;
	s0 =	rddreg [dreg:$0x4]  }
0xd6: {  	s0 =	sadd.s32 @!p0 $0x100000, s0  }
0xd7: {  	[sflag:s0] =	ssyncadd.tile.s32 @!p0 $0x1;
	_ =	shalt  }
.Lfunc_end2:
_tile_overlayer_lowered:
.L_overlay_start_2:
0xd8: {  	(tag) =	ssettag $0x2  }
0xd9: {  	s0 =	rddreg [dreg:$0x0];
	s2 =	stileid.u32  }
0xda: {  	s1 =	rddreg [dreg:$0x1];
	p0 =	sne.s32 s2, $0x0  }
0xdb: {  	s3 =	rddreg [dreg:$0x2];
	[bflag:$0x3] =	sbarrier.arrive $0xFFFF;
	s2 =	simm.s32 @!p0 $0x1C01  }
0xdc: {  	[timem:s3], [sflag:s2] =	dma.local @!p0 [hbm:s0], s1  }
0xdd: {  	s0 =	simm.s32 @!p0 $0x1  }
0xde: {  	_ =	swait.ge @!p0 [sflag:s0], s1  }
0xdf: {  	s1 =	ssub.s32 @!p0 $0x0, s1;
	[sflag:s0] =	ssyncset.done @!p0 $0x0  }
0xe0: {  	[sflag:s0] =	ssyncadd.s32 @!p0 s1  }
0xe1: {  	[bflag:$0x3] =	sbarrier.arrive $0xFFFF  }
0xe2: {  	_ =	shalt  }

// kernel: kernel.14.cloned.1.call-start
scs
__scs_entry_jumppad:
0x0: {  	(pc) =	sbr.rel $0x88, $3  }
0x1: {  	(tag) =	ssettag $0x0;
	lr =	simm.s32 $0x1  }
0x2: {  	[smem:$0x3F99] =	sst lr;
	_ =	strace $0xD0000000  }
0x3: {  	_ = 	snop  }
0x4: {  	_ = 	snop  }
0x5: {  	_ = 	snop  }
0x6: {  	_ = 	snop  }
0x7: {  	_ = 	snop  }
__scs_overlays_trampoline_lowered:
0x8: {  	[smem:$0x3FA8] =	sst s0  }
0x9: {  	[smem:$0x3FA9] =	sst s1  }
0xa: {  	[smem:$0x3FAA] =	sst s2  }
0xb: {  	[smem:$0x3FAB] =	sst s3  }
0xc: {  	[smem:$0x3FAC] =	sst s4  }
0xd: {  	[smem:$0x3FAD] =	sst s5  }
0xe: {  	[smem:$0x3FAE] =	sst s6  }
0xf: {  	[smem:$0x3FAF] =	sst s7  }
0x10: {  	[smem:$0x3FB0] =	sst s8  }
0x11: {  	[smem:$0x3FB1] =	sst s9;
	s0 =	simm.s32 @!p0 $0x0  }
0x12: {  	s1 =	sld [smem:$0x3F97];
	s0 =	simm.s32 @p0 $0x1  }
0x13: {  	[smem:$0x3FB2] =	sst s0;
	s0 =	simm.s32 @!p1 $0x0  }
0x14: {  	s2 =	sld [smem:$0x3F96];
	s0 =	simm.s32 @p1 $0x1  }
0x15: {  	[smem:$0x3FB3] =	sst s0;
	s0 =	simm.s32 @!p2 $0x0  }
0x16: {  	s3 =	sld [smem:$0x3FDB];
	s0 =	simm.s32 @p2 $0x1  }
0x17: {  	s4 =	simm.s32 $0x1BF5;
	[smem:$0x3FB5] =	sst s0  }
0x18: {  	s0 =	sld [smem:$0x3F98];
	_ =	swait.ge [sflag:s4], $0x0  }
0x19: {  	s7 =	sld [smem:$0x3F99]  }
0x1a: {  	s8 =	sadd.s32 $0xFFFFE003, lr  }
0x1b: {  	s9 =	sadd.s32 $0xFFFFFEF7, lr;
	s5 =	simm.s32 $0xFFFFFFFF;
	p2 =	slt.u32 s8, $0xFFFFF086  }
0x1c: {  	p1 =	slt.u32 s9, $0xF7A;
	s5 =	simm.s32 @!p2 $0x0  }
0x1d: {  	s5 =	simm.s32 @p1 $0x1;
	p0 =	seq.s32 s7, s2  }
0x1e: {  	s7 =	smul.u32 @!p0 $0xF7A, s2;
	p2 =	seq.s32 @!p0 s5, $0x0  }
0x1f: {  	s9 =	smul.u32 $0xF7A, s1;
	s8 =	simm.s32 @!p0 $0x1BF5;
	p2 =	por !p2, p0  }
0x20: {  	[sflag:s8] =	ssyncset.s32 @!p0 $0xFFFFF086;
	s6 =	sadd.s32 @!p0 s3, s7;
	s7 =	simm.s32 @!p0 $0x108  }
0x21: {  	s3 =	sadd.s32 s3, s9;
	s6 =	sadd.s32 @!p0 $0x88, s6;
	s7 =	simm.s32 @p2 $0x1082  }
0x22: {  	[simem:s7], [sflag:s8] =	dma.local @!p0 [hbm:s6], $0xF7A  }
0x23: {  	s9 =	sor.u32 $0xD0000000, s2;
	s6 =	simm.s32 $0x108;
	_ =	swait.ge @!p0 [sflag:s8], $0x0  }
0x24: {  	s3 =	sadd.s32 $0x88, s3;
	s6 =	simm.s32 @!p1 $0x1082;
	[sflag:s4] =	ssyncset.s32 $0xFFFFF086  }
0x25: {  	[simem:s6], [sflag:s4] =	dma.local [hbm:s3], $0xF7A  }
0x26: {  	[smem:$0x3F99] =	sst s1;
	(tag) =	ssettag s2;
	_ =	strace s9  }
0x27: {  	s1 =	sld [smem:$0x3FA9]  }
0x28: {  	s2 =	sld [smem:$0x3FAA]  }
0x29: {  	s4 =	sld [smem:$0x3FAC]  }
0x2a: {  	p0 =	seq.s32 s5, $0x0;
	s5 =	sld [smem:$0x3FAD]  }
0x2b: {  	s6 =	sld [smem:$0x3FAE]  }
0x2c: {  	s7 =	sld [smem:$0x3FAF]  }
0x2d: {  	s3 =	simm.s32 $0x108;
	s8 =	sld [smem:$0x3FB0]  }
0x2e: {  	s3 =	simm.s32 @!p0 $0x1082;
	s9 =	sld [smem:$0x3FB1]  }
0x2f: {  	lr =	sadd.s32 s0, s3;
	s0 =	sld [smem:$0x3FA8]  }
0x30: {  	s3 =	sld [smem:$0x3FAB]  }
0x31: {  	[smem:$0x3FB4] =	sst s10  }
0x32: {  	s10 =	sld [smem:$0x3FB2];
	_ =	sdelay $0x3  }
0x33: {  	p0 =	seq.s32 s10, $0x1;
	s10 =	sld [smem:$0x3FB4];
	_ =	sdelay $0x3  }
0x34: {  	[smem:$0x3FB4] =	sst s10  }
0x35: {  	s10 =	sld [smem:$0x3FB3];
	_ =	sdelay $0x3  }
0x36: {  	p1 =	seq.s32 s10, $0x1;
	s10 =	sld [smem:$0x3FB4];
	_ =	sdelay $0x3  }
0x37: {  	[smem:$0x3FB4] =	sst s10  }
0x38: {  	s10 =	sld [smem:$0x3FB5]  }
0x39: {  	_ = 	snop;
	(pc) =	sbr.ind lr, $3  }
0x3a: {  	_ = 	snop  }
0x3b: {  	_ = 	snop  }
0x3c: {  	p2 =	seq.s32 s10, $0x1;
	s10 =	sld [smem:$0x3FB4]  }
0x3d: {  	_ =	shalt  }
0x3e: {  	_ =	shalt  }
0x3f: {  	_ =	shalt  }
0x40: {  	_ =	shalt  }
0x41: {  	_ =	shalt  }
0x42: {  	_ =	shalt  }
0x43: {  	_ =	shalt  }
0x44: {  	_ =	shalt  }
0x45: {  	_ =	shalt  }
0x46: {  	_ =	shalt  }
0x47: {  	_ =	shalt  }
0x48: {  	_ =	shalt  }
0x49: {  	_ =	shalt  }
0x4a: {  	_ =	shalt  }
0x4b: {  	_ =	shalt  }
0x4c: {  	_ =	shalt  }
0x4d: {  	_ =	shalt  }
0x4e: {  	_ =	shalt  }
0x4f: {  	_ =	shalt  }
0x50: {  	_ =	shalt  }
0x51: {  	_ =	shalt  }
0x52: {  	_ =	shalt  }
0x53: {  	_ =	shalt  }
0x54: {  	_ =	shalt  }
0x55: {  	_ =	shalt  }
0x56: {  	_ =	shalt  }
0x57: {  	_ =	shalt  }
0x58: {  	_ =	shalt  }
0x59: {  	_ =	shalt  }
0x5a: {  	_ =	shalt  }
0x5b: {  	_ =	shalt  }
0x5c: {  	_ =	shalt  }
0x5d: {  	_ =	shalt  }
0x5e: {  	_ =	shalt  }
0x5f: {  	_ =	shalt  }
0x60: {  	_ =	shalt  }
0x61: {  	_ =	shalt  }
0x62: {  	_ =	shalt  }
0x63: {  	_ =	shalt  }
0x64: {  	_ =	shalt  }
0x65: {  	_ =	shalt  }
0x66: {  	_ =	shalt  }
0x67: {  	_ =	shalt  }
0x68: {  	_ =	shalt  }
0x69: {  	_ =	shalt  }
0x6a: {  	_ =	shalt  }
0x6b: {  	_ =	shalt  }
0x6c: {  	_ =	shalt  }
0x6d: {  	_ =	shalt  }
0x6e: {  	_ =	shalt  }
0x6f: {  	_ =	shalt  }
0x70: {  	_ =	shalt  }
0x71: {  	_ =	shalt  }
0x72: {  	_ =	shalt  }
0x73: {  	_ =	shalt  }
0x74: {  	_ =	shalt  }
0x75: {  	_ =	shalt  }
0x76: {  	_ =	shalt  }
0x77: {  	_ =	shalt  }
0x78: {  	_ =	shalt  }
0x79: {  	_ =	shalt  }
0x7a: {  	_ =	shalt  }
0x7b: {  	_ =	shalt  }
0x7c: {  	_ =	shalt  }
0x7d: {  	_ =	shalt  }
0x7e: {  	_ =	shalt  }
0x7f: {  	_ =	shalt  }
0x80: {  	_ =	shalt  }
0x81: {  	_ =	shalt  }
0x82: {  	_ =	shalt  }
0x83: {  	_ =	shalt  }
0x84: {  	_ =	shalt  }
0x85: {  	_ =	shalt  }
0x86: {  	_ =	shalt  }
0x87: {  	_ =	shalt  }
.Lfunc_end0:
.L_simem_size_0:
called_computation.2_lowered:
.L_overlay_start_0:
0x88: {  	s2 =	sld [smem:$0x3FD9]  }
0x89: {  	s3 =	sld [smem:$0x3FFE];
	_ =	sdelay $0x1  }
0x8a: {  	s1 =	srdreg.scid  }
0x8b: {  	s0 =	sand.u32 $0x1, s1  }
0x8c: {  	s17 =	sshll.u32 s0, $0xA;
	s2 =	sadd.s32 s3, s2  }
0x8d: {  	s2 =	sadd.s32 s2, s17  }
0x8e: {  	[smem:$0x3FC0] =	sst s2  }
0x8f: {  	_ = 	snop  }
0x90: {  	s2 =	sld [smem:$0x3FD0];
	(tm) =	ssettm $0x1  }
0x91: {  	s18 =	sld [smem:$0x3FFB];
	_ =	sdelay $0x3  }
0x92: {  	_ =	strace s18  }
0x93: {  	s3 =	sld [smem:$0x3FFC];
	_ =	sdelay $0x3  }
0x94: {  	_ =	strace s3  }
0x95: {  	s3 =	sld [smem:$0x3FFD];
	_ =	sdelay $0x3  }
0x96: {  	_ =	strace s3  }
0x97: {  	_ =	strace $0x8FFFFFFF  }
0x98: {  	s19 =	sld [smem:$0x3FDB];
	_ =	sdelay $0x1  }
0x99: {  	s4 =	simm.s32 $_scs_section_size  }
0x9a: {  	s5 =	simm.s32 $_size__tile_overlayer_lowered;
	s6 =	simm.s32 $_tile_overlayer_lowered  }
0x9b: {  	s22 =	simm.s32 $0x1BFF;
	s21 =	sshll.u32 s6, $0x1;
	s3 =	sadd.s32 s4, s19  }
0x9c: {  	s7 =	simm.s32 $0x0;
	s20 =	sshll.u32 s5, $0x1;
	s5 =	sadd.s32 s21, s3  }
0x9d: {  	[timem:s7], [sflag:s22] =	dma.local [hbm:s5], s20  }
0x9e: {  	_ =	swait.ge [sflag:s22], s20  }
0x9f: {  	s4 =	ssub.s32 $0x0, s20;
	[sflag:s22] =	ssyncset.done $0x0  }
0xa0: {  	[sflag:s22] =	ssyncadd.s32 s4;
	_ =	sdelay $0x1  }
0xa1: {  	s23 =	simm.s32 $0x1B8B  }
0xa2: {  	_ =	swait.ge [sflag:s23], $0x1  }
0xa3: {  	[sflag:s23] =	ssyncset.done $0x0  }
0xa4: {  	s25 =	simm.s32 $0x1B8E;
	s24 =	sld [smem:$0x3FFE];
	[sflag:s23] =	ssyncadd.s32 $0xFFFFFFFF  }
0xa5: {  	s26 =	simm.s32 $execute0_lowered;
	[smem:$0x3FD2] =	sst s25  }
0xa6: {  	s5 =	sshll.u32 s26, $0x1;
	_ =	strace $0x8000004C;
	[dreg:$0x1] =	wrdreg $0xFFFFFFFF  }
0xa7: {  	s28 =	simm.s32 $_size_execute0_lowered;
	s3 =	sadd.s32 s3, s5;
	[dreg:$0x0] =	wrdreg $0x0  }
0xa8: {  	s5 =	sshll.u32 s28, $0x1;
	[dreg:$0x2] =	wrdreg s3  }
0xa9: {  	[dreg:$0x3] =	wrdreg s5  }
0xaa: {  	[dreg:$0x4] =	wrdreg $0xC0  }
0xab: {  	_ =	task [dreg:s7], $0x5FFFF  }
0xac: {  	[dreg:$0x1] =	wrdreg $0xFFFFFFFF  }
0xad: {  	[dreg:$0x0] =	wrdreg $0x60  }
0xae: {  	[dreg:$0x2] =	wrdreg s24  }
0xaf: {  	[dreg:$0x3] =	wrdreg s2  }
0xb0: {  	[dreg:$0x4] =	wrdreg $0x0  }
0xb1: {  	[dreg:$0x5] =	wrdreg $0xC8000  }
0xb2: {  	[dreg:$0x6] =	wrdreg $0x9  }
0xb3: {  	_ =	task.clear_ibuf [dreg:s7], $0x7FFFF;
	_ =	strace $0x9000004C  }
0xb4: {  	s29 =	simm.s32 $0x9;
	_ =	strace $0x8000004E  }
0xb5: {  	_ =	swait.ge [sflag:s29], $0x1  }
0xb6: {  	[sflag:s29] =	ssyncadd.s32 $0xFFFFFFFF  }
0xb7: {  	_ =	strace $0x9000004E  }
0xb8: {  	_ =	sfence  }
0xb9: {  	s30 =	sld [smem:$0x0];
	_ =	sdelay $0x2  }
0xba: {  	s31 =	sshll.u32 s1, $0xD;
	s1 =	sshrl.u32 s1, $0x2  }
0xbb: {  	s3 =	sand.u32 $0x4000, s31;
	s1 =	sadd.s32 s1, s30  }
0xbc: {  	s0 =	sor.u32 s3, s0;
	s1 =	sshll.u32 s1, $0x11  }
0xbd: {  	s0 =	sor.u32 s1, s0  }
0xbe: {  	s0 =	sadd.s32 $0x8F2B, s0  }
0xbf: {  	[sflag:s0] =	ssyncadd.remote.s32 $0x1  }
0xc0: {  	_ =	sfence.sel $0xFFFF  }
0xc1: {  	[dreg:$0x0] =	wrdreg $0xFFFFFFFF;
	(pc) =	sbr.abs _section_cstart, $3  }
0xc2: {  	[dreg:$0x1] =	wrdreg $0xFFFFFFFF  }
0xc3: {  	_ =	task.clear_ibuf [dreg:s7], $0x2FFFF;
	_ =	strace $0x9FFFFFFF  }
0xc4: {  	(tm) =	ssettm $0x7FFFFFFF  }
0xc5: {  	_ =	shalt  }
tec
execute0_lowered:
.L_overlay_start_1:
0x0: {  	(tag) =	ssettag $0x1  }
0x1: {  	s0 =	rddreg [dreg:$0x0]  }
0x2: {  	s1 =	rddreg [dreg:$0x1]  }
0x3: {  	s2 =	rddreg [dreg:$0x2]  }
0x4: {  	s4 =	rddreg [dreg:$0x3]  }
0x5: {  	s29 =	simm.s32 $0x0;
	s3 =	srdreg.scid;
	s17 =	stileid.u32  }
0x6: {  	s28 =	simm.s32 $0x80;
	s31 =	simm.s32 $0x0;
	s5 =	smul.u32 $0x32000, s17  }
0x7: {  	[smem:$0x7FF] =	sst s29;
	s3 =	sand.u32 $0x1, s3;
	s6 =	smul.u32 $0xC800, s17  }
0x8: {  	s7 =	sadd.s32 $0xDE800, s0;
	s15 =	smul.u32 $0x38, s17;
	s8 =	sadd.s32 $0x1800, s0  }
0x9: {  	v0 =	vlaneseq.u32;
	s9 =	sadd.s32 $0x1A800, s0;
	s25 =	smul.u32 $0xC400, s17;
	s10 =	ssub.s32 $0x2, s3  }
0xa: {  	v5 =	vmul.u32 $0x5, v0;
	_ =	strace $0x8000004D;
	s3 =	sshll.u32 s3, $0x2;
	s11 =	sshrl.u32 s10, $0x1  }
0xb: {  	s5 =	sshrl.u32 s5, $0x2;
	s21 =	sadd.s32 $0xC000, s6;
	s13 =	sor.u32 $0x7, s15  }
0xc: {  	[dreg:$0x6] =	wrdreg s3;
	v0 =	vadd.s32 s15, v5;
	s22 =	sadd.s32 $0xE, s15;
	s23 =	sadd.s32 $0x15, s15  }
0xd: {  	s24 =	sadd.s32 $0x1C, s15;
	s26 =	sadd.s32 $0x23, s15;
	s30 =	sadd.s32 $0x2A, s15;
	v1 =	vadd.s32 s13, v5;
	v0 =	vand.u32 $0x7F, v0;
	v2 =	vadd.s32 s22, v5  }
0xe: {  	s16 =	sadd.s32 $0x31, s15;
	s15 =	smul.u32 $0x188, s17;
	s20 =	ssub.s32 s10, s11;
	v3 =	vadd.s32 s23, v5;
	v4 =	vadd.s32 s24, v5;
	v6 =	vadd.s32 s26, v5  }
0xf: {  	s11 =	sadd.s32 s5, s2;
	s12 =	sadd.s32 s21, s2;
	s13 =	sadd.s32 s5, s4;
	v7 =	vadd.s32 s30, v5;
	v8 =	vadd.s32 s16, v5;
	v1 =	vand.u32 $0x7F, v1  }
0x10: {  	s14 =	sadd.s32 s21, s4;
	s24 =	sadd.s32 s25, s2;
	s10 =	sadd.s32 s25, s4;
	v0 =	vor.u32 $0x1880, v0;
	v2 =	vand.u32 $0x7F, v2;
	v3 =	vand.u32 $0x7F, v3  }
0x11: {  	s21 =	simm.s32 $0x1A800;
	s22 =	simm.s32 $0x1;
	s23 =	simm.s32 $0x19000;
	v4 =	vand.u32 $0x7F, v4;
	v6 =	vand.u32 $0x7F, v6;
	v1 =	vor.u32 $0x1880, v1  }
0x12: {  	s26 =	simm.s32 $0x19800;
	s0 =	smax.u32 s20, $0x1;
	s17 =	sadd.s32 $0x4000, s11;
	v2 =	vor.u32 $0x1880, v2;
	v3 =	vor.u32 $0x1880, v3;
	v4 =	vor.u32 $0x1880, v4  }
0x13: {  	s18 =	sadd.s32 $0x8000, s11;
	s19 =	sadd.s32 $0x4000, s13;
	s20 =	sadd.s32 $0x8000, s13;
	v5 =	vor.u32 $0x1880, v6;
	v6 =	vand.u32 $0x7F, v7;
	v7 =	vand.u32 $0x7F, v8  }
0x14: {  	s24 =	sshrl.u32 s24, $0x3;
	s25 =	sshrl.u32 s10, $0x3;
	[dreg:$0x7] =	wrdreg s0;
	v8 =	vimm.f32 $0.0e+00;
	v6 =	vor.u32 $0x1880, v6;
	v7 =	vor.u32 $0x1880, v7  }
.LBB2_1:
0x15: {  	[dreg:$0x5] =	wrdreg s29;
	p1 =	por $0x1, $0x1;
	s0 =	simm.s32 $0x0  }
.LBB2_2:
0x16: {  	p0 =	por p1, p1;
	s3 =	simm.s32 $0x0;
	s5 =	simm.s32 $0x200  }
.LBB2_3:
0x17: {  	p1 =	sne.s32 s5, $0xFE00;
	[tilespmem:s3+$0x1A870] =	vst v8  }
0x18: {  	[tilespmem:s3+$0x1A800] =	vst v8  }
0x19: {  	[tilespmem:s3+$0x1A810] =	vst v8  }
.Ltmp0:
0x1a: {  	[tilespmem:s3+$0x1A820] =	vst v8;
	(pc) =	sbr.rel @p1 .LBB2_3-.Ltmp0, $4  }
0x1b: {  	[tilespmem:s3+$0x1A830] =	vst v8  }
0x1c: {  	[tilespmem:s3+$0x1A840] =	vst v8  }
0x1d: {  	[tilespmem:s3+$0x1A850] =	vst v8  }
0x1e: {  	[tilespmem:s3+$0x1A860] =	vst v8;
	s3 =	sshra.s32 s5, $0x2;
	s5 =	sadd.s32 $0x200, s5  }
0x1f: {  	[tilespmem:s3+$0x1A870] =	vst v8  }
0x20: {  	[tilespmem:s3+$0x1A800] =	vst v8  }
0x21: {  	[tilespmem:s3+$0x1A810] =	vst v8  }
0x22: {  	[tilespmem:s3+$0x1A820] =	vst v8  }
0x23: {  	[tilespmem:s3+$0x1A830] =	vst v8  }
0x24: {  	[tilespmem:s3+$0x1A840] =	vst v8  }
0x25: {  	[tilespmem:s3+$0x1A850] =	vst v8  }
0x26: {  	[tilespmem:s3+$0x1A860] =	vst v8  }
0x27: {  	[spmem:s11] =	stream.linear.scatter [tilespmem:s21], [sflag:$0x1], $0x4000, $0x38;
	[tilespmem:$0x1E800] =	vst v63  }
0x28: {  	_ =	swait.ge [sflag:s22], $0x4000  }
0x29: {  	[sflag:s22] =	ssyncset.done $0x0  }
0x2a: {  	[sflag:s22] =	ssyncadd.s32 $0xFFFFC000  }
0x2b: {  	[spmem:s17] =	stream.linear.scatter [tilespmem:s21], [sflag:$0x1], $0x4000, $0x38;
	[tilespmem:$0x1E800] =	vst v63  }
0x2c: {  	_ =	swait.ge [sflag:s22], $0x4000  }
0x2d: {  	[sflag:s22] =	ssyncset.done $0x0  }
0x2e: {  	[sflag:s22] =	ssyncadd.s32 $0xFFFFC000  }
0x2f: {  	[spmem:s18] =	stream.linear.scatter [tilespmem:s21], [sflag:$0x1], $0x4000, $0x38;
	[tilespmem:$0x1E800] =	vst v63  }
0x30: {  	_ =	swait.ge [sflag:s22], $0x4000  }
0x31: {  	[sflag:s22] =	ssyncset.done $0x0  }
0x32: {  	[sflag:s22] =	ssyncadd.s32 $0xFFFFC000  }
0x33: {  	[spmem:s12] =	stream.linear.scatter [tilespmem:s21], [sflag:$0x1], $0x800, $0x38;
	[tilespmem:$0x1E800] =	vst v63  }
0x34: {  	_ =	swait.ge [sflag:s22], $0x800  }
0x35: {  	[sflag:s22] =	ssyncset.done $0x0  }
0x36: {  	[sflag:s22] =	ssyncadd.s32 $0xFFFFF800  }
0x37: {  	[spmem:s13] =	stream.linear.scatter [tilespmem:s21], [sflag:$0x1], $0x4000, $0x38;
	[tilespmem:$0x1E800] =	vst v63  }
0x38: {  	_ =	swait.ge [sflag:s22], $0x4000  }
0x39: {  	[sflag:s22] =	ssyncset.done $0x0  }
0x3a: {  	[sflag:s22] =	ssyncadd.s32 $0xFFFFC000  }
0x3b: {  	[spmem:s19] =	stream.linear.scatter [tilespmem:s21], [sflag:$0x1], $0x4000, $0x38;
	[tilespmem:$0x1E800] =	vst v63  }
0x3c: {  	_ =	swait.ge [sflag:s22], $0x4000  }
0x3d: {  	[sflag:s22] =	ssyncset.done $0x0  }
0x3e: {  	[sflag:s22] =	ssyncadd.s32 $0xFFFFC000  }
0x3f: {  	[spmem:s20] =	stream.linear.scatter [tilespmem:s21], [sflag:$0x1], $0x4000, $0x38;
	[tilespmem:$0x1E800] =	vst v63  }
0x40: {  	_ =	swait.ge [sflag:s22], $0x4000  }
0x41: {  	[sflag:s22] =	ssyncset.done $0x0;
	s16 =	rddreg [dreg:$0x6]  }
0x42: {  	[sflag:s22] =	ssyncadd.s32 $0xFFFFC000;
	s0 =	sor.u32 s16, s0  }
0x43: {  	[spmem:s14] =	stream.linear.scatter [tilespmem:s21], [sflag:$0x1], $0x800, $0x38;
	[tilespmem:$0x1E800] =	vst v63  }
0x44: {  	s30 =	smul.u32 $0x1880, s0;
	_ =	swait.ge [sflag:s22], $0x800  }
0x45: {  	[sflag:s22] =	ssyncset.done $0x0  }
0x46: {  	s29 =	sadd.s32 $0x1880, s30;
	s0 =	sadd.s32 $0x3100, s30;
	[sflag:s22] =	ssyncadd.s32 $0xFFFFF800  }
0x47: {  	v9 =	vmov s30;
	v10 =	vmov s29;
	v11 =	vmov s0;
	s0 =	simm.s32 $0x0;
	[bflag:$0x0] =	sbarrier.arrive $0xFFFF  }
.LBB2_5:
0x48: {  	s3 =	sshll.u32 s0, $0xB  }
0x49: {  	s3 =	sadd.s32 s6, s3  }
0x4a: {  	s3 =	sshrl.u32 s3, $0x3  }
0x4b: {  	s5 =	sadd.s32 s8, s3  }
0x4c: {  	[tilespmem:s23], [sflag:$0x1] =	stream.linear.gather [hbm4b:s5+s31], $0x800, $0x38;
	[tilespmem:$0x1E800] =	vst v63  }
0x4d: {  	_ =	swait.ge [sflag:s22], $0x800  }
0x4e: {  	[sflag:s22] =	ssyncset.done $0x0  }
0x4f: {  	s3 =	sadd.s32 s1, s3;
	[sflag:s22] =	ssyncadd.s32 $0xFFFFF800  }
0x50: {  	[tilespmem:s26], [sflag:$0x1] =	stream.linear.gather [hbm4b:s3+s31], $0x800, $0x38;
	[tilespmem:$0x1E800] =	vst v63  }
0x51: {  	_ =	swait.ge [sflag:s22], $0x800  }
0x52: {  	[sflag:s22] =	ssyncset.done $0x0  }
0x53: {  	s16 =	simm.s32 $0x0;
	[sflag:s22] =	ssyncadd.s32 $0xFFFFF800  }
0x54: {  	v12 =	vld [tilespmem:s16+$0x19810]  }
0x55: {  	v15 =	vld [tilespmem:s16+$0x19830]  }
0x56: {  	v19 =	vld [tilespmem:s16+$0x19860]  }
0x57: {  	v17 =	vld [tilespmem:s16+$0x19820];
	_ =	sdelay $0x1  }
0x58: {  	v20 =	vld [tilespmem:s16+$0x19870];
	_ =	sdelay $0x1  }
0x59: {  	vm4 =	vlt.s32 v12, v10;
	v16 =	vsub.s32 v12, v9;
	vm2 =	vlt.s32 v15, v10  }
0x5a: {  	v14 =	vld [tilespmem:s16+$0x19840];
	vm5 =	vge.s32 v12, v9;
	v12 =	vsub.s32 v17, v9;
	vm3 =	vge.s32 v19, v9  }
0x5b: {  	v18 =	vsub.s32 v15, v9;
	vm0 =	vlt.s32 v17, v10;
	vm1 =	vge.s32 v17, v9;
	v17 =	vld [tilespmem:s16+$0x19800]  }
0x5c: {  	vm6 =	vge.s32 v20, v9;
	v13 =	vsub.s32 v20, v9;
	vm7 =	vge.s32 v15, v9  }
0x5d: {  	vm8 =	vlt.s32 v19, v10;
	vm9 =	vlt.s32 v20, v10;
	v19 =	vsub.s32 v19, v9  }
0x5e: {  	v15 =	vld [tilespmem:s16+$0x19850];
	vm8 =	vmand vm3, vm8;
	vm3 =	vmand vm7, vm2;
	vm2 =	vmand vm6, vm9  }
0x5f: {  	s5 =	simm.s32 $0x200;
	vm5 =	vmand vm5, vm4;
	vm4 =	vlt.s32 v14, v10;
	v19 =	vsel vm8, v19, v6  }
.LBB2_6:
0x60: {  	p1 =	sne.s32 s5, $0x1E00;
	vm6 =	vge.s32 v17, v9;
	vm7 =	vlt.s32 v17, v10;
	v16 =	vsel vm5, v16, v1;
	s3 =	smov.u32 s5;
	s5 =	sadd.s32 $0x200, s5  }
0x61: {  	vm5 =	vmand vm6, vm7;
	[tilespmem:s16+$0x1A010] =	vst v16;
	v16 =	vsel vm3, v18, v3;
	vm3 =	vge.s32 v14, v9  }
0x62: {  	v17 =	vsub.s32 v17, v9;
	v14 =	vsub.s32 v14, v9;
	[tilespmem:s16+$0x1A030] =	vst v16;
	vm3 =	vmand vm3, vm4  }
0x63: {  	v16 =	vsub.s32 v15, v9;
	v14 =	vsel vm3, v14, v4;
	vm3 =	vlt.s32 v15, v10;
	[tilespmem:s16+$0x1A060] =	vst v19  }
0x64: {  	v13 =	vsel vm2, v13, v7;
	v17 =	vsel vm5, v17, v0;
	vm4 =	vge.s32 v15, v9;
	[tilespmem:s16+$0x1A040] =	vst v14  }
0x65: {  	vm0 =	vmand vm1, vm0;
	vm1 =	vmand vm4, vm3;
	[tilespmem:s16+$0x1A070] =	vst v13  }
0x66: {  	v12 =	vsel vm0, v12, v2;
	v13 =	vsel vm1, v16, v5;
	[tilespmem:s16+$0x1A000] =	vst v17  }
0x67: {  	[tilespmem:s16+$0x1A020] =	vst v12  }
0x68: {  	s10 =	sadd.s32 $0x19000, s16;
	[tilespmem:s16+$0x1A050] =	vst v13  }
0x69: {  	[tilespmem:s21], [sflag:$0x1] =	stream.indirect.gather [hbm4b:s7+s28], $0x80, s10, s28, $0xb8;
	[tilespmem:$0x1E800] =	vst v63  }
0x6a: {  	_ =	swait.ge [sflag:s22], $0x4000  }
0x6b: {  	[sflag:s22] =	ssyncset.done $0x0  }
0x6c: {  	s10 =	sadd.s32 $0x1A000, s16;
	[sflag:s22] =	ssyncadd.s32 $0xFFFFC000  }
0x6d: {  	[spmem:s2] =	stream.indirect.scatter.add.f32 [tilespmem:s21], [sflag:$0x1], $0x80, s10, s28, $0xb8;
	[tilespmem:$0x1E800] =	vst v63  }
0x6e: {  	_ =	swait.ge [sflag:s22], $0x4000  }
0x6f: {  	[sflag:s22] =	ssyncset.done $0x0  }
0x70: {  	[sflag:s22] =	ssyncadd.s32 $0xFFFFC000  }
0x71: {  	v12 =	vld [tilespmem:s16+$0x19800]  }
0x72: {  	v13 =	vld [tilespmem:s16+$0x19810]  }
0x73: {  	v14 =	vld [tilespmem:s16+$0x19820]  }
0x74: {  	v15 =	vld [tilespmem:s16+$0x19830]  }
0x75: {  	v16 =	vld [tilespmem:s16+$0x19840]  }
0x76: {  	vm0 =	vge.s32 v12, v10;
	vm1 =	vlt.s32 v12, v11;
	v12 =	vsub.s32 v12, v10;
	v17 =	vld [tilespmem:s16+$0x19860]  }
0x77: {  	vm2 =	vge.s32 v13, v10;
	vm3 =	vlt.s32 v13, v11;
	v13 =	vsub.s32 v13, v10;
	v18 =	vld [tilespmem:s16+$0x19870]  }
0x78: {  	vm2 =	vmand vm2, vm3;
	vm3 =	vge.s32 v14, v10;
	vm4 =	vlt.s32 v14, v11  }
0x79: {  	vm5 =	vge.s32 v15, v10;
	vm6 =	vlt.s32 v15, v11;
	v15 =	vsub.s32 v15, v10  }
0x7a: {  	vm5 =	vmand vm5, vm6;
	vm6 =	vge.s32 v16, v10;
	vm7 =	vlt.s32 v16, v11  }
0x7b: {  	v16 =	vsub.s32 v16, v10;
	v15 =	vsel vm5, v15, v3;
	vm5 =	vmand vm6, vm7  }
0x7c: {  	v14 =	vsub.s32 v14, v10;
	vm3 =	vmand vm3, vm4;
	[tilespmem:s16+$0x1A030] =	vst v15;
	v15 =	vsel vm5, v16, v4  }
0x7d: {  	v13 =	vsel vm2, v13, v1;
	v14 =	vsel vm3, v14, v2;
	vm2 =	vge.s32 v18, v10;
	[tilespmem:s16+$0x1A040] =	vst v15;
	v15 =	vld [tilespmem:s16+$0x19850]  }
0x7e: {  	vm0 =	vmand vm0, vm1;
	vm1 =	vge.s32 v17, v10;
	vm3 =	vlt.s32 v17, v11;
	[tilespmem:s16+$0x1A020] =	vst v14  }
0x7f: {  	vm1 =	vmand vm1, vm3;
	vm3 =	vlt.s32 v18, v11;
	[tilespmem:s16+$0x1A010] =	vst v13;
	v13 =	vsub.s32 v17, v10  }
0x80: {  	v14 =	vsub.s32 v18, v10;
	v13 =	vsel vm1, v13, v6;
	vm1 =	vmand vm2, vm3  }
0x81: {  	v12 =	vsel vm0, v12, v0;
	[tilespmem:s16+$0x1A060] =	vst v13;
	v13 =	vsel vm1, v14, v7  }
0x82: {  	vm0 =	vge.s32 v15, v10;
	vm1 =	vlt.s32 v15, v11;
	[tilespmem:s16+$0x1A070] =	vst v13  }
0x83: {  	[tilespmem:s16+$0x1A000] =	vst v12;
	vm0 =	vmand vm0, vm1;
	v12 =	vsub.s32 v15, v10  }
0x84: {  	v12 =	vsel vm0, v12, v5  }
0x85: {  	[tilespmem:s16+$0x1A050] =	vst v12  }
0x86: {  	[spmem:s4] =	stream.indirect.scatter.add.f32 [tilespmem:s21], [sflag:$0x1], $0x80, s10, s28, $0xb8;
	[tilespmem:$0x1E800] =	vst v63  }
0x87: {  	_ =	swait.ge [sflag:s22], $0x4000  }
0x88: {  	[sflag:s22] =	ssyncset.done $0x0  }
0x89: {  	s16 =	sshra.s32 s3, $0x2;
	[sflag:s22] =	ssyncadd.s32 $0xFFFFC000  }
0x8a: {  	v12 =	vld [tilespmem:s16+$0x19810]  }
0x8b: {  	v15 =	vld [tilespmem:s16+$0x19830]  }
0x8c: {  	v19 =	vld [tilespmem:s16+$0x19860]  }
0x8d: {  	v20 =	vld [tilespmem:s16+$0x19820]  }
0x8e: {  	v21 =	vld [tilespmem:s16+$0x19870];
	_ =	sdelay $0x2  }
0x8f: {  	vm4 =	vlt.s32 v12, v10;
	v16 =	vsub.s32 v12, v9;
	vm2 =	vlt.s32 v15, v10  }
0x90: {  	vm5 =	vge.s32 v12, v9;
	vm3 =	vge.s32 v19, v9;
	v12 =	vsub.s32 v20, v9;
	v14 =	vld [tilespmem:s16+$0x19840]  }
.Ltmp1:
0x91: {  	v18 =	vsub.s32 v15, v9;
	v17 =	vld [tilespmem:s16+$0x19800];
	vm6 =	vge.s32 v21, v9;
	v13 =	vsub.s32 v21, v9;
	(pc) =	sbr.rel @p1 .LBB2_6-.Ltmp1, $4  }
0x92: {  	vm7 =	vge.s32 v15, v9;
	vm8 =	vlt.s32 v19, v10;
	vm0 =	vlt.s32 v20, v10  }
0x93: {  	vm1 =	vge.s32 v20, v9;
	vm8 =	vmand vm3, vm8;
	vm9 =	vlt.s32 v21, v10;
	v15 =	vld [tilespmem:s16+$0x19850]  }
0x94: {  	v19 =	vsub.s32 v19, v9;
	vm3 =	vmand vm7, vm2;
	vm2 =	vmand vm6, vm9  }
0x95: {  	vm5 =	vmand vm5, vm4;
	v19 =	vsel vm8, v19, v6;
	vm4 =	vlt.s32 v14, v10  }
0x96: {  	v16 =	vsel vm5, v16, v1;
	vm12 =	vge.s32 v17, v9;
	v43 =	vsel vm3, v18, v3;
	[tilespmem:s16+$0x1A060] =	vst v19  }
0x97: {  	vm13 =	vge.s32 v14, v9;
	vm6 =	vlt.s32 v17, v10;
	v44 =	vsub.s32 v14, v9;
	[tilespmem:s16+$0x1A010] =	vst v16  }
0x98: {  	v45 =	vsub.s32 v17, v9;
	v13 =	vsel vm2, v13, v7;
	vm0 =	vmand vm1, vm0;
	[tilespmem:s16+$0x1A030] =	vst v43  }
0x99: {  	vm3 =	vmand vm13, vm4;
	vm14 =	vmand vm12, vm6;
	[tilespmem:s16+$0x1A070] =	vst v13;
	v12 =	vsel vm0, v12, v2  }
0x9a: {  	v14 =	vsel vm3, v44, v4;
	vm15 =	vlt.s32 v15, v10;
	vm5 =	vge.s32 v15, v9;
	[tilespmem:s16+$0x1A020] =	vst v12  }
0x9b: {  	v46 =	vsel vm14, v45, v0;
	v47 =	vsub.s32 v15, v9;
	[tilespmem:s16+$0x1A040] =	vst v14;
	vm6 =	vmand vm5, vm15  }
0x9c: {  	[tilespmem:s16+$0x1A000] =	vst v46;
	v13 =	vsel vm6, v47, v5  }
0x9d: {  	s3 =	sadd.s32 $0x19000, s16;
	[tilespmem:s16+$0x1A050] =	vst v13  }
0x9e: {  	[tilespmem:s21], [sflag:$0x1] =	stream.indirect.gather [hbm4b:s7+s28], $0x80, s3, s28, $0xb8;
	[tilespmem:$0x1E800] =	vst v63  }
0x9f: {  	_ =	swait.ge [sflag:s22], $0x4000  }
0xa0: {  	[sflag:s22] =	ssyncset.done $0x0  }
0xa1: {  	s10 =	sadd.s32 $0x1A000, s16;
	[sflag:s22] =	ssyncadd.s32 $0xFFFFC000  }
0xa2: {  	[spmem:s2] =	stream.indirect.scatter.add.f32 [tilespmem:s21], [sflag:$0x1], $0x80, s10, s28, $0xb8;
	[tilespmem:$0x1E800] =	vst v63  }
0xa3: {  	_ =	swait.ge [sflag:s22], $0x4000  }
0xa4: {  	[sflag:s22] =	ssyncset.done $0x0  }
0xa5: {  	[sflag:s22] =	ssyncadd.s32 $0xFFFFC000  }
0xa6: {  	v48 =	vld [tilespmem:s16+$0x19800]  }
0xa7: {  	v49 =	vld [tilespmem:s16+$0x19830]  }
0xa8: {  	v50 =	vld [tilespmem:s16+$0x19840]  }
0xa9: {  	v51 =	vld [tilespmem:s16+$0x19810]  }
0xaa: {  	v52 =	vld [tilespmem:s16+$0x19820]  }
0xab: {  	v53 =	vld [tilespmem:s16+$0x19870]  }
0xac: {  	v54 =	vld [tilespmem:s16+$0x19860];
	vm0 =	vge.s32 v48, v10;
	vm1 =	vlt.s32 v48, v11;
	v12 =	vsub.s32 v48, v10  }
0xad: {  	vm7 =	vge.s32 v49, v10;
	vm8 =	vlt.s32 v49, v11;
	v13 =	vsub.s32 v49, v10  }
0xae: {  	vm9 =	vge.s32 v50, v10;
	vm10 =	vlt.s32 v50, v11;
	v14 =	vsub.s32 v50, v10  }
0xaf: {  	vm12 =	vge.s32 v51, v10;
	vm13 =	vlt.s32 v51, v11;
	v56 =	vsub.s32 v51, v10  }
0xb0: {  	v58 =	vld [tilespmem:s16+$0x19850];
	vm14 =	vge.s32 v52, v10;
	vm15 =	vlt.s32 v52, v11;
	v57 =	vsub.s32 v52, v10  }
0xb1: {  	v59 =	vsub.s32 v54, v10;
	v60 =	vsub.s32 v53, v10;
	vm2 =	vmand vm7, vm8  }
0xb2: {  	vm11 =	vmand vm9, vm10;
	vm3 =	vmand vm12, vm13;
	v13 =	vsel vm2, v13, v3  }
0xb3: {  	vm8 =	vge.s32 v53, v10;
	vm0 =	vmand vm0, vm1;
	v55 =	vsel vm11, v14, v4;
	[tilespmem:s16+$0x1A030] =	vst v13  }
0xb4: {  	vm9 =	vge.s32 v54, v10;
	vm10 =	vlt.s32 v54, v11;
	v14 =	vsel vm3, v56, v1;
	[tilespmem:s16+$0x1A040] =	vst v55  }
0xb5: {  	vm13 =	vge.s32 v58, v10;
	vm2 =	vmand vm14, vm15;
	v12 =	vsel vm0, v12, v0;
	[tilespmem:s16+$0x1A010] =	vst v14  }
0xb6: {  	vm1 =	vmand vm9, vm10;
	vm11 =	vlt.s32 v53, v11;
	v13 =	vsel vm2, v57, v2;
	[tilespmem:s16+$0x1A000] =	vst v12  }
0xb7: {  	vm14 =	vlt.s32 v58, v11;
	vm12 =	vmand vm8, vm11;
	[tilespmem:s16+$0x1A020] =	vst v13;
	v13 =	vsel vm1, v59, v6  }
0xb8: {  	s0 =	sadd.s32 $0x1, s0;
	v62 =	vsub.s32 v58, v10;
	vm15 =	vmand vm13, vm14;
	v61 =	vsel vm12, v60, v7;
	[tilespmem:s16+$0x1A060] =	vst v13  }
0xb9: {  	p1 =	sne.s32 s0, $0x19;
	v63 =	vsel vm15, v62, v5;
	[tilespmem:s16+$0x1A070] =	vst v61  }
.Ltmp2:
0xba: {  	[tilespmem:s16+$0x1A050] =	vst v63;
	(pc) =	sbr.rel @p1 .LBB2_5-.Ltmp2, $4  }
0xbb: {  	[spmem:s4] =	stream.indirect.scatter.add.f32 [tilespmem:s21], [sflag:$0x1], $0x80, s10, s28, $0xb8;
	[tilespmem:$0x1E800] =	vst v63  }
0xbc: {  	_ =	swait.ge [sflag:s22], $0x4000  }
0xbd: {  	[sflag:s22] =	ssyncset.done $0x0  }
0xbe: {  	[sflag:s22] =	ssyncadd.s32 $0xFFFFC000  }
0xbf: {  	s0 =	sadd.s32 s15, s30;
	s3 =	stileid.u32  }
0xc0: {  	s0 =	sshll.u32 s0, $0x4;
	s3 =	sshll.u32 s3, $0x6  }
0xc1: {  	[bflag:$0x0] =	sbarrier.arrive $0xFFFF;
	s0 =	sadd.s32 s9, s0;
	s3 =	sor.u32 $0x1C01, s3  }
0xc2: {  	[hbm:s0], [sflag:s3] =	dma.local [spmem:s24], $0x1880  }
0xc3: {  	s30 =	sadd.s32 s15, s29;
	_ =	swait.ge [sflag:s22], $0x1880  }
0xc4: {  	s0 =	sshll.u32 s30, $0x4;
	[sflag:s22] =	ssyncset.done $0x0  }
0xc5: {  	s0 =	sadd.s32 s9, s0;
	[sflag:s22] =	ssyncadd.s32 $0xFFFFE780  }
0xc6: {  	[hbm:s0], [sflag:s3] =	dma.local [spmem:s25], $0x1880  }
.Ltmp3:
0xc7: {  	_ =	swait.ge [sflag:s22], $0x1880;
	(pc) =	sbr.rel @p0 .LBB2_2-.Ltmp3, $4  }
0xc8: {  	[sflag:s22] =	ssyncset.done $0x0  }
0xc9: {  	[sflag:s22] =	ssyncadd.s32 $0xFFFFE780  }
0xca: {  	[bflag:$0x0] =	sbarrier.arrive $0xFFFF  }
0xcb: {  	p1 =	por $0x0, $0x0;
	s0 =	simm.s32 $0x2  }
0xcc: {  	s29 =	rddreg [dreg:$0x5]  }
0xcd: {  	s0 =	rddreg [dreg:$0x7];
	s29 =	sadd.s32 $0x1, s29  }
0xce: {  	p0 =	sne.s32 s29, s0  }
.Ltmp4:
0xcf: {  	_ = 	snop;
	(pc) =	sbr.rel @p0 .LBB2_1-.Ltmp4, $1  }
0xd0: {  	_ =	sdelay $0x3  }
0xd1: {  	_ =	sfence.sel $0x180000  }
0xd2: {  	[bflag:$0x0] =	sbarrier.arrive $0xFFFF  }
0xd3: {  	_ =	strace $0x9000004D  }
0xd4: {  	s0 =	stileid.u32;
	[bflag:$0x2] =	sbarrier.arrive $0xFFFF  }
0xd5: {  	p0 =	sne.s32 s0, $0x0;
	s0 =	rddreg [dreg:$0x4]  }
0xd6: {  	s0 =	sadd.s32 @!p0 $0x100000, s0  }
0xd7: {  	[sflag:s0] =	ssyncadd.tile.s32 @!p0 $0x1;
	_ =	shalt  }
.Lfunc_end2:
_tile_overlayer_lowered:
.L_overlay_start_2:
0xd8: {  	(tag) =	ssettag $0x2  }
0xd9: {  	s0 =	rddreg [dreg:$0x0];
	s2 =	stileid.u32  }
0xda: {  	s1 =	rddreg [dreg:$0x1];
	p0 =	sne.s32 s2, $0x0  }
0xdb: {  	s3 =	rddreg [dreg:$0x2];
	[bflag:$0x3] =	sbarrier.arrive $0xFFFF;
	s2 =	simm.s32 @!p0 $0x1C01  }
0xdc: {  	[timem:s3], [sflag:s2] =	dma.local @!p0 [hbm:s0], s1  }
0xdd: {  	s0 =	simm.s32 @!p0 $0x1  }
0xde: {  	_ =	swait.ge @!p0 [sflag:s0], s1  }
0xdf: {  	s1 =	ssub.s32 @!p0 $0x0, s1;
	[sflag:s0] =	ssyncset.done @!p0 $0x0  }
0xe0: {  	[sflag:s0] =	ssyncadd.s32 @!p0 s1  }
0xe1: {  	[bflag:$0x3] =	sbarrier.arrive $0xFFFF  }
0xe2: {  	_ =	shalt  }

// kernel: kernel.8.cloned.1.call-start
scs
__scs_entry_jumppad:
0x0: {  	(pc) =	sbr.rel $0x88, $3  }
0x1: {  	(tag) =	ssettag $0x0;
	lr =	simm.s32 $0x1  }
0x2: {  	[smem:$0x3F99] =	sst lr;
	_ =	strace $0xD0000000  }
0x3: {  	_ = 	snop  }
0x4: {  	_ = 	snop  }
0x5: {  	_ = 	snop  }
0x6: {  	_ = 	snop  }
0x7: {  	_ = 	snop  }
__scs_overlays_trampoline_lowered:
0x8: {  	[smem:$0x3FA8] =	sst s0  }
0x9: {  	[smem:$0x3FA9] =	sst s1  }
0xa: {  	[smem:$0x3FAA] =	sst s2  }
0xb: {  	[smem:$0x3FAB] =	sst s3  }
0xc: {  	[smem:$0x3FAC] =	sst s4  }
0xd: {  	[smem:$0x3FAD] =	sst s5  }
0xe: {  	[smem:$0x3FAE] =	sst s6  }
0xf: {  	[smem:$0x3FAF] =	sst s7  }
0x10: {  	[smem:$0x3FB0] =	sst s8  }
0x11: {  	[smem:$0x3FB1] =	sst s9;
	s0 =	simm.s32 @!p0 $0x0  }
0x12: {  	s1 =	sld [smem:$0x3F97];
	s0 =	simm.s32 @p0 $0x1  }
0x13: {  	[smem:$0x3FB2] =	sst s0;
	s0 =	simm.s32 @!p1 $0x0  }
0x14: {  	s2 =	sld [smem:$0x3F96];
	s0 =	simm.s32 @p1 $0x1  }
0x15: {  	[smem:$0x3FB3] =	sst s0;
	s0 =	simm.s32 @!p2 $0x0  }
0x16: {  	s3 =	sld [smem:$0x3FDB];
	s0 =	simm.s32 @p2 $0x1  }
0x17: {  	s4 =	simm.s32 $0x1BF5;
	[smem:$0x3FB5] =	sst s0  }
0x18: {  	s0 =	sld [smem:$0x3F98];
	_ =	swait.ge [sflag:s4], $0x0  }
0x19: {  	s7 =	sld [smem:$0x3F99]  }
0x1a: {  	s8 =	sadd.s32 $0xFFFFE003, lr  }
0x1b: {  	s9 =	sadd.s32 $0xFFFFFEF7, lr;
	s5 =	simm.s32 $0xFFFFFFFF;
	p2 =	slt.u32 s8, $0xFFFFF086  }
0x1c: {  	p1 =	slt.u32 s9, $0xF7A;
	s5 =	simm.s32 @!p2 $0x0  }
0x1d: {  	s5 =	simm.s32 @p1 $0x1;
	p0 =	seq.s32 s7, s2  }
0x1e: {  	s7 =	smul.u32 @!p0 $0xF7A, s2;
	p2 =	seq.s32 @!p0 s5, $0x0  }
0x1f: {  	s9 =	smul.u32 $0xF7A, s1;
	s8 =	simm.s32 @!p0 $0x1BF5;
	p2 =	por !p2, p0  }
0x20: {  	[sflag:s8] =	ssyncset.s32 @!p0 $0xFFFFF086;
	s6 =	sadd.s32 @!p0 s3, s7;
	s7 =	simm.s32 @!p0 $0x108  }
0x21: {  	s3 =	sadd.s32 s3, s9;
	s6 =	sadd.s32 @!p0 $0x88, s6;
	s7 =	simm.s32 @p2 $0x1082  }
0x22: {  	[simem:s7], [sflag:s8] =	dma.local @!p0 [hbm:s6], $0xF7A  }
0x23: {  	s9 =	sor.u32 $0xD0000000, s2;
	s6 =	simm.s32 $0x108;
	_ =	swait.ge @!p0 [sflag:s8], $0x0  }
0x24: {  	s3 =	sadd.s32 $0x88, s3;
	s6 =	simm.s32 @!p1 $0x1082;
	[sflag:s4] =	ssyncset.s32 $0xFFFFF086  }
0x25: {  	[simem:s6], [sflag:s4] =	dma.local [hbm:s3], $0xF7A  }
0x26: {  	[smem:$0x3F99] =	sst s1;
	(tag) =	ssettag s2;
	_ =	strace s9  }
0x27: {  	s1 =	sld [smem:$0x3FA9]  }
0x28: {  	s2 =	sld [smem:$0x3FAA]  }
0x29: {  	s4 =	sld [smem:$0x3FAC]  }
0x2a: {  	p0 =	seq.s32 s5, $0x0;
	s5 =	sld [smem:$0x3FAD]  }
0x2b: {  	s6 =	sld [smem:$0x3FAE]  }
0x2c: {  	s7 =	sld [smem:$0x3FAF]  }
0x2d: {  	s3 =	simm.s32 $0x108;
	s8 =	sld [smem:$0x3FB0]  }
0x2e: {  	s3 =	simm.s32 @!p0 $0x1082;
	s9 =	sld [smem:$0x3FB1]  }
0x2f: {  	lr =	sadd.s32 s0, s3;
	s0 =	sld [smem:$0x3FA8]  }
0x30: {  	s3 =	sld [smem:$0x3FAB]  }
0x31: {  	[smem:$0x3FB4] =	sst s10  }
0x32: {  	s10 =	sld [smem:$0x3FB2];
	_ =	sdelay $0x3  }
0x33: {  	p0 =	seq.s32 s10, $0x1;
	s10 =	sld [smem:$0x3FB4];
	_ =	sdelay $0x3  }
0x34: {  	[smem:$0x3FB4] =	sst s10  }
0x35: {  	s10 =	sld [smem:$0x3FB3];
	_ =	sdelay $0x3  }
0x36: {  	p1 =	seq.s32 s10, $0x1;
	s10 =	sld [smem:$0x3FB4];
	_ =	sdelay $0x3  }
0x37: {  	[smem:$0x3FB4] =	sst s10  }
0x38: {  	s10 =	sld [smem:$0x3FB5]  }
0x39: {  	_ = 	snop;
	(pc) =	sbr.ind lr, $3  }
0x3a: {  	_ = 	snop  }
0x3b: {  	_ = 	snop  }
0x3c: {  	p2 =	seq.s32 s10, $0x1;
	s10 =	sld [smem:$0x3FB4]  }
0x3d: {  	_ =	shalt  }
0x3e: {  	_ =	shalt  }
0x3f: {  	_ =	shalt  }
0x40: {  	_ =	shalt  }
0x41: {  	_ =	shalt  }
0x42: {  	_ =	shalt  }
0x43: {  	_ =	shalt  }
0x44: {  	_ =	shalt  }
0x45: {  	_ =	shalt  }
0x46: {  	_ =	shalt  }
0x47: {  	_ =	shalt  }
0x48: {  	_ =	shalt  }
0x49: {  	_ =	shalt  }
0x4a: {  	_ =	shalt  }
0x4b: {  	_ =	shalt  }
0x4c: {  	_ =	shalt  }
0x4d: {  	_ =	shalt  }
0x4e: {  	_ =	shalt  }
0x4f: {  	_ =	shalt  }
0x50: {  	_ =	shalt  }
0x51: {  	_ =	shalt  }
0x52: {  	_ =	shalt  }
0x53: {  	_ =	shalt  }
0x54: {  	_ =	shalt  }
0x55: {  	_ =	shalt  }
0x56: {  	_ =	shalt  }
0x57: {  	_ =	shalt  }
0x58: {  	_ =	shalt  }
0x59: {  	_ =	shalt  }
0x5a: {  	_ =	shalt  }
0x5b: {  	_ =	shalt  }
0x5c: {  	_ =	shalt  }
0x5d: {  	_ =	shalt  }
0x5e: {  	_ =	shalt  }
0x5f: {  	_ =	shalt  }
0x60: {  	_ =	shalt  }
0x61: {  	_ =	shalt  }
0x62: {  	_ =	shalt  }
0x63: {  	_ =	shalt  }
0x64: {  	_ =	shalt  }
0x65: {  	_ =	shalt  }
0x66: {  	_ =	shalt  }
0x67: {  	_ =	shalt  }
0x68: {  	_ =	shalt  }
0x69: {  	_ =	shalt  }
0x6a: {  	_ =	shalt  }
0x6b: {  	_ =	shalt  }
0x6c: {  	_ =	shalt  }
0x6d: {  	_ =	shalt  }
0x6e: {  	_ =	shalt  }
0x6f: {  	_ =	shalt  }
0x70: {  	_ =	shalt  }
0x71: {  	_ =	shalt  }
0x72: {  	_ =	shalt  }
0x73: {  	_ =	shalt  }
0x74: {  	_ =	shalt  }
0x75: {  	_ =	shalt  }
0x76: {  	_ =	shalt  }
0x77: {  	_ =	shalt  }
0x78: {  	_ =	shalt  }
0x79: {  	_ =	shalt  }
0x7a: {  	_ =	shalt  }
0x7b: {  	_ =	shalt  }
0x7c: {  	_ =	shalt  }
0x7d: {  	_ =	shalt  }
0x7e: {  	_ =	shalt  }
0x7f: {  	_ =	shalt  }
0x80: {  	_ =	shalt  }
0x81: {  	_ =	shalt  }
0x82: {  	_ =	shalt  }
0x83: {  	_ =	shalt  }
0x84: {  	_ =	shalt  }
0x85: {  	_ =	shalt  }
0x86: {  	_ =	shalt  }
0x87: {  	_ =	shalt  }
.Lfunc_end0:
.L_simem_size_0:
called_computation_lowered:
.L_overlay_start_0:
0x88: {  	s2 =	sld [smem:$0x3FD9]  }
0x89: {  	s3 =	sld [smem:$0x3FFE];
	_ =	sdelay $0x1  }
0x8a: {  	s1 =	srdreg.scid  }
0x8b: {  	s0 =	sand.u32 $0x1, s1  }
0x8c: {  	s17 =	sshll.u32 s0, $0xA;
	s2 =	sadd.s32 s3, s2  }
0x8d: {  	s2 =	sadd.s32 s2, s17  }
0x8e: {  	[smem:$0x3FC0] =	sst s2  }
0x8f: {  	_ = 	snop  }
0x90: {  	s2 =	sld [smem:$0x3FD0];
	(tm) =	ssettm $0x1  }
0x91: {  	s18 =	sld [smem:$0x3FFB];
	_ =	sdelay $0x3  }
0x92: {  	_ =	strace s18  }
0x93: {  	s3 =	sld [smem:$0x3FFC];
	_ =	sdelay $0x3  }
0x94: {  	_ =	strace s3  }
0x95: {  	s3 =	sld [smem:$0x3FFD];
	_ =	sdelay $0x3  }
0x96: {  	_ =	strace s3  }
0x97: {  	_ =	strace $0x8FFFFFFF  }
0x98: {  	s19 =	sld [smem:$0x3FDB];
	_ =	sdelay $0x1  }
0x99: {  	s4 =	simm.s32 $_scs_section_size  }
0x9a: {  	s5 =	simm.s32 $_size__tile_overlayer_lowered;
	s6 =	simm.s32 $_tile_overlayer_lowered  }
0x9b: {  	s22 =	simm.s32 $0x1BFF;
	s21 =	sshll.u32 s6, $0x1;
	s3 =	sadd.s32 s4, s19  }
0x9c: {  	s7 =	simm.s32 $0x0;
	s20 =	sshll.u32 s5, $0x1;
	s5 =	sadd.s32 s21, s3  }
0x9d: {  	[timem:s7], [sflag:s22] =	dma.local [hbm:s5], s20  }
0x9e: {  	_ =	swait.ge [sflag:s22], s20  }
0x9f: {  	s4 =	ssub.s32 $0x0, s20;
	[sflag:s22] =	ssyncset.done $0x0  }
0xa0: {  	[sflag:s22] =	ssyncadd.s32 s4;
	_ =	sdelay $0x1  }
0xa1: {  	s23 =	simm.s32 $0x1B8B  }
0xa2: {  	_ =	swait.ge [sflag:s23], $0x1  }
0xa3: {  	[sflag:s23] =	ssyncset.done $0x0  }
0xa4: {  	s25 =	simm.s32 $0x1B8E;
	s24 =	sld [smem:$0x3FFE];
	[sflag:s23] =	ssyncadd.s32 $0xFFFFFFFF  }
0xa5: {  	s26 =	simm.s32 $execute0_lowered;
	[smem:$0x3FD2] =	sst s25  }
0xa6: {  	s5 =	sshll.u32 s26, $0x1;
	_ =	strace $0x80000046;
	[dreg:$0x1] =	wrdreg $0xFFFFFFFF  }
0xa7: {  	s28 =	simm.s32 $_size_execute0_lowered;
	s3 =	sadd.s32 s3, s5;
	[dreg:$0x0] =	wrdreg $0x0  }
0xa8: {  	s5 =	sshll.u32 s28, $0x1;
	[dreg:$0x2] =	wrdreg s3  }
0xa9: {  	[dreg:$0x3] =	wrdreg s5  }
0xaa: {  	[dreg:$0x4] =	wrdreg $0xC0  }
0xab: {  	_ =	task [dreg:s7], $0x5FFFF  }
0xac: {  	[dreg:$0x1] =	wrdreg $0xFFFFFFFF  }
0xad: {  	[dreg:$0x0] =	wrdreg $0x60  }
0xae: {  	[dreg:$0x2] =	wrdreg s2  }
0xaf: {  	[dreg:$0x3] =	wrdreg s24  }
0xb0: {  	[dreg:$0x4] =	wrdreg $0x0  }
0xb1: {  	[dreg:$0x5] =	wrdreg $0x9  }
0xb2: {  	_ =	task.clear_ibuf [dreg:s7], $0x6FFFF;
	_ =	strace $0x90000046  }
0xb3: {  	s29 =	simm.s32 $0x9;
	_ =	strace $0x80000048  }
0xb4: {  	_ =	swait.ge [sflag:s29], $0x1  }
0xb5: {  	[sflag:s29] =	ssyncadd.s32 $0xFFFFFFFF  }
0xb6: {  	_ =	strace $0x90000048  }
0xb7: {  	_ =	sfence  }
0xb8: {  	s30 =	sld [smem:$0x0];
	_ =	sdelay $0x2  }
0xb9: {  	s31 =	sshll.u32 s1, $0xD;
	s1 =	sshrl.u32 s1, $0x2  }
0xba: {  	s3 =	sand.u32 $0x4000, s31;
	s1 =	sadd.s32 s1, s30  }
0xbb: {  	s0 =	sor.u32 s3, s0;
	s1 =	sshll.u32 s1, $0x11  }
0xbc: {  	s0 =	sor.u32 s1, s0  }
0xbd: {  	s0 =	sadd.s32 $0x8F2B, s0  }
0xbe: {  	[sflag:s0] =	ssyncadd.remote.s32 $0x1  }
0xbf: {  	_ =	sfence.sel $0xFFFF  }
0xc0: {  	[dreg:$0x0] =	wrdreg $0xFFFFFFFF;
	(pc) =	sbr.abs _section_cstart, $3  }
0xc1: {  	[dreg:$0x1] =	wrdreg $0xFFFFFFFF  }
0xc2: {  	_ =	task.clear_ibuf [dreg:s7], $0x2FFFF;
	_ =	strace $0x9FFFFFFF  }
0xc3: {  	(tm) =	ssettm $0x7FFFFFFF  }
tec
execute0_lowered:
.L_overlay_start_1:
0x0: {  	(tag) =	ssettag $0x1  }
0x1: {  	s6 =	rddreg [dreg:$0x0]  }
0x2: {  	s3 =	rddreg [dreg:$0x1]  }
0x3: {  	s1 =	rddreg [dreg:$0x2]  }
0x4: {  	s0 =	rddreg [dreg:$0x3]  }
0x5: {  	s4 =	srdreg.scid;
	s12 =	stileid.u32;
	s2 =	simm.s32 $0x0  }
0x6: {  	s13 =	simm.s32 $0x1;
	s14 =	simm.s32 $0xC48;
	s15 =	simm.s32 $0x80  }
0x7: {  	s16 =	simm.s32 $0x2CC8;
	s17 =	simm.s32 $0x0;
	s4 =	sand.u32 $0x1, s4  }
0x8: {  	s5 =	smul.u32 $0xC40, s12;
	[smem:$0x7FF] =	sst s2;
	p0 =	sne.s32 s12, $0x0  }
0x9: {  	s7 =	smul.u32 $0xC400, s4;
	s8 =	sshll.u32 s4, $0x4;
	s4 =	ssub.s32 $0x2, s4  }
0xa: {  	_ =	strace $0x80000047;
	s8 =	sor.u32 s12, s8;
	s9 =	sshrl.u32 s4, $0x1  }
0xb: {  	s12 =	simm.s32 $0x2048;
	s7 =	sadd.s32 s5, s7;
	s8 =	smul.u32 $0xC80, s8  }
0xc: {  	s9 =	ssub.s32 s4, s9;
	s4 =	sadd.s32 $0xC400, s1;
	s7 =	sshrl.u32 s7, $0x3  }
0xd: {  	s7 =	sadd.s32 s7, s3;
	s3 =	sadd.s32 s5, s1;
	s6 =	sadd.s32 s6, s8  }
0xe: {  	s5 =	sadd.s32 $0x1A800, s7;
	s7 =	smax.u32 s9, $0x1;
	s8 =	sadd.s32 $0x280, s6  }
0xf: {  	v0 =	vimm.f32 $0.0e+00;
	v1 =	vimm.f32 $1.000000000e+00;
	s9 =	sadd.s32 $0x500, s6;
	s10 =	sadd.s32 $0x780, s6;
	s11 =	sadd.s32 $0xA00, s6  }
.LBB2_1:
0x10: {  	s18 =	simm.s32 $0x40;
	s19 =	simm.s32 $0x0  }
.LBB2_2:
0x11: {  	p1 =	sne.s32 s18, $0x30C0;
	[tilespmem:s19+$0x2048] =	vst v0;
	s19 =	smov.u32 s18;
	s18 =	sadd.s32 $0x40, s18  }
.Ltmp0:
0x12: {  	(pc) =	sbr.rel @p1 .LBB2_2-.Ltmp0, $2  }
0x13: {  	_ =	sdelay $0x2  }
0x14: {  	s19 =	sshra.s32 s19, $0x2  }
0x15: {  	[tilespmem:s19+$0x2048] =	vst v0  }
0x16: {  	[tilespmem:$0x2CC8] =	vst v1  }
0x17: {  	[tilespmem:$0x2CD8] =	vst v1  }
0x18: {  	[tilespmem:$0x2CE8] =	vst v1  }
0x19: {  	[tilespmem:$0x2CF8] =	vst v1  }
0x1a: {  	[tilespmem:$0x2D08] =	vst v1  }
0x1b: {  	[tilespmem:$0x2D18] =	vst v1  }
0x1c: {  	[tilespmem:$0x2D28] =	vst v1  }
0x1d: {  	[tilespmem:$0x2D38] =	vst v1  }
0x1e: {  	[spmem:s3] =	stream.linear.scatter [tilespmem:s12], [sflag:$0x1], $0xC40, $0x38;
	[tilespmem:$0x2D48] =	vst v63  }
0x1f: {  	_ =	swait.ge [sflag:s13], $0xC40  }
0x20: {  	[sflag:s13] =	ssyncset.done $0x0  }
0x21: {  	s18 =	simm.s32 @!p0 $0x2048;
	[sflag:s13] =	ssyncadd.s32 $0xFFFFF3C0  }
0x22: {  	[spmem:s4] =	stream.linear.scatter @!p0 [tilespmem:s18], [sflag:$0x1], $0x80, $0x38;
	[tilespmem:$0x2D48] =	vst v63  }
0x23: {  	s18 =	simm.s32 @!p0 $0x1  }
0x24: {  	_ =	swait.ge @!p0 [sflag:s18], $0x80  }
0x25: {  	[sflag:s18] =	ssyncset.done @!p0 $0x0  }
0x26: {  	[sflag:s18] =	ssyncadd.s32 @!p0 $0xFFFFFF80  }
0x27: {  	s30 =	simm.s32 $0x0;
	[bflag:$0x0] =	sbarrier.arrive $0xFFFF  }
0x28: {  	[tilespmem:s14], [sflag:$0x1] =	stream.linear.gather [hbm4b:s6+s30], $0x1400, $0x38;
	[tilespmem:$0x2D48] =	vst v63  }
0x29: {  	_ =	swait.ge [sflag:s13], $0x1400  }
0x2a: {  	[sflag:s13] =	ssyncset.done $0x0  }
0x2b: {  	s31 =	simm.s32 $0xC48;
	[sflag:s13] =	ssyncadd.s32 $0xFFFFEC00  }
0x2c: {  	[spmem:s1] =	stream.indirect.scatter.add.f32 [tilespmem:s16], [sflag:$0x1], $0x1, s31, s15, $0xb8;
	[tilespmem:$0x2D48] =	vst v63  }
0x2d: {  	s18 =	simm.s32 $0x200;
	_ =	swait.ge [sflag:s13], $0x80  }
.LBB2_4:
0x2e: {  	s19 =	sshra.s32 s18, $0x2;
	[sflag:s13] =	ssyncset.done $0x0;
	p1 =	sne.s32 s18, $0x4E00  }
.Ltmp1:
0x2f: {  	s19 =	sadd.s32 $0xC48, s19;
	[sflag:s13] =	ssyncadd.s32 $0xFFFFFF80;
	(pc) =	sbr.rel @p1 .LBB2_4-.Ltmp1, $3  }
0x30: {  	[spmem:s1] =	stream.indirect.scatter.add.f32 [tilespmem:s16], [sflag:$0x1], $0x1, s19, s15, $0xb8;
	[tilespmem:$0x2D48] =	vst v63  }
0x31: {  	s18 =	sadd.s32 $0x200, s18;
	_ =	sdelay $0x1  }
0x32: {  	_ =	swait.ge [sflag:s13], $0x80  }
0x33: {  	[sflag:s13] =	ssyncset.done $0x0  }
0x34: {  	s18 =	simm.s32 $0x0;
	[sflag:s13] =	ssyncadd.s32 $0xFFFFFF80  }
0x35: {  	[tilespmem:s14], [sflag:$0x1] =	stream.linear.gather [hbm4b:s8+s18], $0x1400, $0x38;
	[tilespmem:$0x2D48] =	vst v63  }
0x36: {  	_ =	swait.ge [sflag:s13], $0x1400  }
0x37: {  	[sflag:s13] =	ssyncset.done $0x0  }
0x38: {  	s31 =	simm.s32 $0xC48;
	[sflag:s13] =	ssyncadd.s32 $0xFFFFEC00  }
0x39: {  	[spmem:s1] =	stream.indirect.scatter.add.f32 [tilespmem:s16], [sflag:$0x1], $0x1, s31, s15, $0xb8;
	[tilespmem:$0x2D48] =	vst v63  }
0x3a: {  	s18 =	simm.s32 $0x200;
	_ =	swait.ge [sflag:s13], $0x80  }
.LBB2_6:
0x3b: {  	s19 =	sshra.s32 s18, $0x2;
	[sflag:s13] =	ssyncset.done $0x0;
	p1 =	sne.s32 s18, $0x4E00  }
.Ltmp2:
0x3c: {  	s19 =	sadd.s32 $0xC48, s19;
	[sflag:s13] =	ssyncadd.s32 $0xFFFFFF80;
	(pc) =	sbr.rel @p1 .LBB2_6-.Ltmp2, $3  }
0x3d: {  	[spmem:s1] =	stream.indirect.scatter.add.f32 [tilespmem:s16], [sflag:$0x1], $0x1, s19, s15, $0xb8;
	[tilespmem:$0x2D48] =	vst v63  }
0x3e: {  	s18 =	sadd.s32 $0x200, s18;
	_ =	sdelay $0x1  }
0x3f: {  	_ =	swait.ge [sflag:s13], $0x80  }
0x40: {  	[sflag:s13] =	ssyncset.done $0x0  }
0x41: {  	s18 =	simm.s32 $0x0;
	[sflag:s13] =	ssyncadd.s32 $0xFFFFFF80  }
0x42: {  	[tilespmem:s14], [sflag:$0x1] =	stream.linear.gather [hbm4b:s9+s18], $0x1400, $0x38;
	[tilespmem:$0x2D48] =	vst v63  }
0x43: {  	_ =	swait.ge [sflag:s13], $0x1400  }
0x44: {  	[sflag:s13] =	ssyncset.done $0x0  }
0x45: {  	s31 =	simm.s32 $0xC48;
	[sflag:s13] =	ssyncadd.s32 $0xFFFFEC00  }
0x46: {  	[spmem:s1] =	stream.indirect.scatter.add.f32 [tilespmem:s16], [sflag:$0x1], $0x1, s31, s15, $0xb8;
	[tilespmem:$0x2D48] =	vst v63  }
0x47: {  	s18 =	simm.s32 $0x200;
	_ =	swait.ge [sflag:s13], $0x80  }
.LBB2_8:
0x48: {  	s19 =	sshra.s32 s18, $0x2;
	[sflag:s13] =	ssyncset.done $0x0;
	p1 =	sne.s32 s18, $0x4E00  }
.Ltmp3:
0x49: {  	s19 =	sadd.s32 $0xC48, s19;
	[sflag:s13] =	ssyncadd.s32 $0xFFFFFF80;
	(pc) =	sbr.rel @p1 .LBB2_8-.Ltmp3, $3  }
0x4a: {  	[spmem:s1] =	stream.indirect.scatter.add.f32 [tilespmem:s16], [sflag:$0x1], $0x1, s19, s15, $0xb8;
	[tilespmem:$0x2D48] =	vst v63  }
0x4b: {  	s18 =	sadd.s32 $0x200, s18;
	_ =	sdelay $0x1  }
0x4c: {  	_ =	swait.ge [sflag:s13], $0x80  }
0x4d: {  	[sflag:s13] =	ssyncset.done $0x0  }
0x4e: {  	s18 =	simm.s32 $0x0;
	[sflag:s13] =	ssyncadd.s32 $0xFFFFFF80  }
0x4f: {  	[tilespmem:s14], [sflag:$0x1] =	stream.linear.gather [hbm4b:s10+s18], $0x1400, $0x38;
	[tilespmem:$0x2D48] =	vst v63  }
0x50: {  	_ =	swait.ge [sflag:s13], $0x1400  }
0x51: {  	[sflag:s13] =	ssyncset.done $0x0  }
0x52: {  	s31 =	simm.s32 $0xC48;
	[sflag:s13] =	ssyncadd.s32 $0xFFFFEC00  }
0x53: {  	[spmem:s1] =	stream.indirect.scatter.add.f32 [tilespmem:s16], [sflag:$0x1], $0x1, s31, s15, $0xb8;
	[tilespmem:$0x2D48] =	vst v63  }
0x54: {  	s18 =	simm.s32 $0x200;
	_ =	swait.ge [sflag:s13], $0x80  }
.LBB2_10:
0x55: {  	s19 =	sshra.s32 s18, $0x2;
	[sflag:s13] =	ssyncset.done $0x0;
	p1 =	sne.s32 s18, $0x4E00  }
.Ltmp4:
0x56: {  	s19 =	sadd.s32 $0xC48, s19;
	[sflag:s13] =	ssyncadd.s32 $0xFFFFFF80;
	(pc) =	sbr.rel @p1 .LBB2_10-.Ltmp4, $3  }
0x57: {  	[spmem:s1] =	stream.indirect.scatter.add.f32 [tilespmem:s16], [sflag:$0x1], $0x1, s19, s15, $0xb8;
	[tilespmem:$0x2D48] =	vst v63  }
0x58: {  	s18 =	sadd.s32 $0x200, s18;
	_ =	sdelay $0x1  }
0x59: {  	_ =	swait.ge [sflag:s13], $0x80  }
0x5a: {  	[sflag:s13] =	ssyncset.done $0x0  }
0x5b: {  	s18 =	simm.s32 $0x0;
	[sflag:s13] =	ssyncadd.s32 $0xFFFFFF80  }
0x5c: {  	[tilespmem:s14], [sflag:$0x1] =	stream.linear.gather [hbm4b:s11+s18], $0x1400, $0x38;
	[tilespmem:$0x2D48] =	vst v63  }
0x5d: {  	_ =	swait.ge [sflag:s13], $0x1400  }
0x5e: {  	[sflag:s13] =	ssyncset.done $0x0  }
0x5f: {  	s31 =	simm.s32 $0xC48;
	[sflag:s13] =	ssyncadd.s32 $0xFFFFEC00  }
0x60: {  	[spmem:s1] =	stream.indirect.scatter.add.f32 [tilespmem:s16], [sflag:$0x1], $0x1, s31, s15, $0xb8;
	[tilespmem:$0x2D48] =	vst v63  }
0x61: {  	s18 =	simm.s32 $0x200;
	_ =	swait.ge [sflag:s13], $0x80  }
.LBB2_12:
0x62: {  	s19 =	sshra.s32 s18, $0x2;
	[sflag:s13] =	ssyncset.done $0x0;
	p1 =	sne.s32 s18, $0x4E00  }
.Ltmp5:
0x63: {  	s19 =	sadd.s32 $0xC48, s19;
	[sflag:s13] =	ssyncadd.s32 $0xFFFFFF80;
	(pc) =	sbr.rel @p1 .LBB2_12-.Ltmp5, $3  }
0x64: {  	[spmem:s1] =	stream.indirect.scatter.add.f32 [tilespmem:s16], [sflag:$0x1], $0x1, s19, s15, $0xb8;
	[tilespmem:$0x2D48] =	vst v63  }
0x65: {  	s18 =	sadd.s32 $0x200, s18;
	_ =	sdelay $0x1  }
0x66: {  	_ =	swait.ge [sflag:s13], $0x80  }
0x67: {  	[sflag:s13] =	ssyncset.done $0x0  }
0x68: {  	[sflag:s13] =	ssyncadd.s32 $0xFFFFFF80  }
0x69: {  	[bflag:$0x0] =	sbarrier.arrive $0xFFFF  }
0x6a: {  	[tilespmem:s12], [sflag:$0x1] =	stream.linear.gather [spmem:s3], $0xC40, $0x38;
	[tilespmem:$0x2D48] =	vst v63  }
0x6b: {  	s17 =	sadd.s32 $0x1, s17;
	_ =	swait.ge [sflag:s13], $0xC40  }
0x6c: {  	p1 =	sne.s32 s17, s7;
	[sflag:s13] =	ssyncset.done $0x0  }
.Ltmp6:
0x6d: {  	[sflag:s13] =	ssyncadd.s32 $0xFFFFF3C0;
	(pc) =	sbr.rel @p1 .LBB2_1-.Ltmp6, $4  }
0x6e: {  	[hbm4b:s5+s2] =	stream.linear.scatter [tilespmem:s12], [sflag:$0x1], $0xC40, $0x38;
	[tilespmem:$0x2D48] =	vst v63  }
0x6f: {  	_ =	swait.ge [sflag:s13], $0xC40  }
0x70: {  	[sflag:s13] =	ssyncset.done $0x0  }
0x71: {  	[sflag:s13] =	ssyncadd.s32 $0xFFFFF3C0  }
0x72: {  	_ =	sfence.sel $0x180000  }
0x73: {  	[bflag:$0x0] =	sbarrier.arrive $0xFFFF  }
0x74: {  	_ =	strace $0x90000047  }
0x75: {  	s0 =	sadd.s32 @!p0 $0x100000, s0;
	[bflag:$0x2] =	sbarrier.arrive $0xFFFF  }
0x76: {  	[sflag:s0] =	ssyncadd.tile.s32 @!p0 $0x1;
	_ =	shalt  }
.Lfunc_end2:
_tile_overlayer_lowered:
.L_overlay_start_2:
0x77: {  	(tag) =	ssettag $0x2  }
0x78: {  	s0 =	rddreg [dreg:$0x0];
	s2 =	stileid.u32  }
0x79: {  	s1 =	rddreg [dreg:$0x1];
	p0 =	sne.s32 s2, $0x0  }
0x7a: {  	s3 =	rddreg [dreg:$0x2];
	[bflag:$0x3] =	sbarrier.arrive $0xFFFF;
	s2 =	simm.s32 @!p0 $0x1C01  }
0x7b: {  	[timem:s3], [sflag:s2] =	dma.local @!p0 [hbm:s0], s1  }
0x7c: {  	s0 =	simm.s32 @!p0 $0x1  }
0x7d: {  	_ =	swait.ge @!p0 [sflag:s0], s1  }
0x7e: {  	s1 =	ssub.s32 @!p0 $0x0, s1;
	[sflag:s0] =	ssyncset.done @!p0 $0x0  }
0x7f: {  	[sflag:s0] =	ssyncadd.s32 @!p0 s1  }
0x80: {  	[bflag:$0x3] =	sbarrier.arrive $0xFFFF  }
0x81: {  	_ =	shalt  }

</sc_bundles>
